<compile_context>
chip_gen: v7x
topology: tpu7x:2x2x1
jax: 0.10.2.dev20260603
libtpu: 0.0.44.dev20260713+nightly
codegen_flags: <defaults>
</compile_context>

<pallas_src>
import functools

import jax
import jax.numpy as jnp
from jax import lax
from jax.experimental import pallas as pl
from jax.experimental.pallas import tpu as pltpu
from jax.experimental.pallas import tpu_sc as plsc

_N = 10000
_E = 320000
_D = 128
_NC = 2
_NS = 16
_NW = _NC * _NS
_EPW = _E // _NW
_CD = 80
_GD = _EPW // _CD
_C = 80
_G = _EPW // _C
_ZCH = 80
_NZC = _N // _ZCH
_BM = 1000

_f32 = jnp.float32


def _deg_body(dst_hbm, cnt_hbm, dsts, ones, zb, acc, isem, gsem, ssem):
    cid = lax.axis_index("c")
    sid = lax.axis_index("s")
    wid = cid * _NS + sid
    ov = jnp.ones((16,), _f32)
    zv = jnp.zeros((16,), _f32)

    pltpu.async_copy(dst_hbm.at[wid], dsts, isem)

    @pl.loop(0, _CD)
    def _(i):
        ones[i] = ov

    @pl.loop(0, _ZCH)
    def _(i):
        zb[i] = zv

    @pl.loop(sid, _NZC, step=_NS)
    def _(c):
        pltpu.async_copy(zb, acc.at[pl.ds(c * _ZCH, _ZCH)], gsem)

    @pl.loop(sid, _NZC, step=_NS)
    def _(c):
        pltpu.make_async_copy(zb, acc.at[pl.ds(c * _ZCH, _ZCH)], gsem).wait()

    pltpu.make_async_copy(dst_hbm.at[wid], dsts, isem).wait()
    plsc.subcore_barrier()

    pltpu.async_copy(ones, acc.at[dsts.at[0]], ssem, add=True)
    pltpu.async_copy(ones, acc.at[dsts.at[1]], ssem, add=True)

    @pl.loop(0, _GD - 2)
    def _(g):
        pltpu.async_copy(ones, acc.at[dsts.at[g + 2]], ssem, add=True)
        pltpu.make_async_copy(ones, acc.at[dsts.at[g]], ssem).wait()

    pltpu.make_async_copy(ones, acc.at[dsts.at[_GD - 2]], ssem).wait()
    pltpu.make_async_copy(ones, acc.at[dsts.at[_GD - 1]], ssem).wait()
    plsc.subcore_barrier()

    @pl.loop(sid, _NZC, step=_NS)
    def _(c):
        base = c * _ZCH
        pltpu.async_copy(acc.at[pl.ds(base, _ZCH)], cnt_hbm.at[cid, pl.ds(base, _ZCH)], gsem)

    @pl.loop(sid, _NZC, step=_NS)
    def _(c):
        base = c * _ZCH
        pltpu.make_async_copy(acc.at[pl.ds(base, _ZCH)], cnt_hbm.at[cid, pl.ds(base, _ZCH)], gsem).wait()


def _spmm_body(u_hbm, ei_hbm, out_hbm, idx, rows, acc, isem, gsem, ssem):
    cid = lax.axis_index("c")
    sid = lax.axis_index("s")
    wid = cid * _NS + sid
    zv = jnp.zeros((16,), _f32)

    pltpu.async_copy(ei_hbm.at[wid, 0], idx.at[0], isem)
    pltpu.async_copy(ei_hbm.at[wid, 1], idx.at[1], isem)

    @pl.loop(0, _ZCH)
    def _(i):
        for j in range(_D // 16):
            rows[2, i, pl.ds(16 * j, 16)] = zv

    @pl.loop(sid, _NZC, step=_NS)
    def _(c):
        pltpu.async_copy(rows.at[2], acc.at[pl.ds(c * _ZCH, _ZCH)], gsem)

    @pl.loop(sid, _NZC, step=_NS)
    def _(c):
        pltpu.make_async_copy(rows.at[2], acc.at[pl.ds(c * _ZCH, _ZCH)], gsem).wait()

    plsc.subcore_barrier()
    pltpu.make_async_copy(ei_hbm.at[wid, 0], idx.at[0], isem).wait()
    pltpu.async_copy(u_hbm.at[idx.at[0, 0]], rows.at[0], gsem)

    @pl.loop(0, _G - 1)
    def _(g):
        rsl = lax.rem(g, 3)
        rnsl = lax.rem(g + 1, 3)
        isl = lax.rem(g, 4)
        inx = lax.rem(g + 1, 4)
        inx2 = lax.rem(g + 2, 4)
        pltpu.make_async_copy(ei_hbm.at[wid, g + 1], idx.at[inx], isem).wait()

        @pl.when(g >= 2)
        def _():
            pltpu.make_async_copy(rows.at[rnsl], acc.at[idx.at[inx2, 1]], ssem).wait()

        pltpu.async_copy(u_hbm.at[idx.at[inx, 0]], rows.at[rnsl], gsem)
        pltpu.make_async_copy(u_hbm.at[idx.at[isl, 0]], rows.at[rsl], gsem).wait()
        pltpu.async_copy(rows.at[rsl], acc.at[idx.at[isl, 1]], ssem, add=True)

        @pl.when(g < _G - 2)
        def _():
            pltpu.async_copy(ei_hbm.at[wid, g + 2], idx.at[inx2], isem)

    lsl = (_G - 1) % 3
    lisl = (_G - 1) % 4
    pltpu.make_async_copy(rows.at[0], acc.at[idx.at[0, 1]], ssem).wait()
    pltpu.make_async_copy(rows.at[0], acc.at[idx.at[0, 1]], ssem).wait()
    pltpu.make_async_copy(u_hbm.at[idx.at[lisl, 0]], rows.at[lsl], gsem).wait()
    pltpu.sync_copy(rows.at[lsl], acc.at[idx.at[lisl, 1]], add=True)

    plsc.subcore_barrier()

    @pl.loop(sid, _NZC, step=_NS)
    def _(c):
        base = c * _ZCH
        pltpu.async_copy(acc.at[pl.ds(base, _ZCH)], out_hbm.at[cid, pl.ds(base, _ZCH)], gsem)

    @pl.loop(sid, _NZC, step=_NS)
    def _(c):
        base = c * _ZCH
        pltpu.make_async_copy(acc.at[pl.ds(base, _ZCH)], out_hbm.at[cid, pl.ds(base, _ZCH)], gsem).wait()


@functools.cache
def _sc_kernels():
    mesh = plsc.VectorSubcoreMesh(
        core_axis_name="c", subcore_axis_name="s", num_cores=_NC, num_subcores=_NS
    )
    deg = pl.kernel(
        _deg_body,
        out_type=jax.ShapeDtypeStruct((_NC, _N, 16), _f32),
        mesh=mesh,
        scratch_types=[
            pltpu.VMEM((_GD, _CD), jnp.int32),
            pltpu.VMEM((_CD, 16), _f32),
            pltpu.VMEM((_ZCH, 16), _f32),
            pltpu.VMEM_SHARED((_N, 16), _f32),
            pltpu.SemaphoreType.DMA,
            pltpu.SemaphoreType.DMA,
            pltpu.SemaphoreType.DMA,
        ],
    )
    spmm = pl.kernel(
        _spmm_body,
        out_type=jax.ShapeDtypeStruct((_NC, _N, _D), _f32),
        mesh=mesh,
        scratch_types=[
            pltpu.VMEM((4, 2, _C), jnp.int32),
            pltpu.VMEM((3, _C, _D), _f32),
            pltpu.VMEM_SHARED((_N, _D), _f32),
            pltpu.SemaphoreType.DMA,
            pltpu.SemaphoreType.DMA,
            pltpu.SemaphoreType.DMA,
        ],
    )
    return deg, spmm


def _tc_first_body(x_ref, w_ref, cnt_ref, u_ref, dinv_ref):
    deg = cnt_ref[0, :, 0:1] + cnt_ref[1, :, 0:1] + 1.0
    dinv = lax.rsqrt(deg)
    dinv_ref[...] = dinv
    u_ref[...] = jnp.dot(x_ref[...], w_ref[...], preferred_element_type=_f32) * dinv


_tc_first = pl.pallas_call(
    _tc_first_body,
    grid=(_N // _BM,),
    in_specs=[
        pl.BlockSpec((_BM, _D), lambda i: (i, 0)),
        pl.BlockSpec((_D, _D), lambda i: (0, 0)),
        pl.BlockSpec((2, _BM, 16), lambda i: (0, i, 0)),
    ],
    out_specs=[
        pl.BlockSpec((_BM, _D), lambda i: (i, 0)),
        pl.BlockSpec((_BM, 1), lambda i: (i, 0)),
    ],
    out_shape=[
        jax.ShapeDtypeStruct((_N, _D), _f32),
        jax.ShapeDtypeStruct((_N, 1), _f32),
    ],
)


def _tc_mid_body(s_ref, u_ref, dinv_ref, b_ref, w_ref, o_ref):
    dinv = dinv_ref[...]
    agg = s_ref[0] + s_ref[1] + u_ref[...]
    h = jnp.maximum(agg * dinv + b_ref[...], 0.0)
    o_ref[...] = jnp.dot(h, w_ref[...], preferred_element_type=_f32) * dinv


_tc_mid = pl.pallas_call(
    _tc_mid_body,
    grid=(_N // _BM,),
    in_specs=[
        pl.BlockSpec((2, _BM, _D), lambda i: (0, i, 0)),
        pl.BlockSpec((_BM, _D), lambda i: (i, 0)),
        pl.BlockSpec((_BM, 1), lambda i: (i, 0)),
        pl.BlockSpec((1, _D), lambda i: (0, 0)),
        pl.BlockSpec((_D, _D), lambda i: (0, 0)),
    ],
    out_specs=pl.BlockSpec((_BM, _D), lambda i: (i, 0)),
    out_shape=jax.ShapeDtypeStruct((_N, _D), _f32),
)


def _tc_last_body(s_ref, u_ref, dinv_ref, b_ref, wl_ref, bl_ref, o_ref):
    agg = s_ref[0] + s_ref[1] + u_ref[...]
    h = jnp.maximum(agg * dinv_ref[...] + b_ref[...], 0.0)
    o_ref[...] = jnp.dot(h, wl_ref[...], preferred_element_type=_f32) + bl_ref[...]


_tc_last = pl.pallas_call(
    _tc_last_body,
    grid=(_N // _BM,),
    in_specs=[
        pl.BlockSpec((2, _BM, _D), lambda i: (0, i, 0)),
        pl.BlockSpec((_BM, _D), lambda i: (i, 0)),
        pl.BlockSpec((_BM, 1), lambda i: (i, 0)),
        pl.BlockSpec((1, _D), lambda i: (0, 0)),
        pl.BlockSpec((_D, 1), lambda i: (0, 0)),
        pl.BlockSpec((1, 1), lambda i: (0, 0)),
    ],
    out_specs=pl.BlockSpec((_BM, 1), lambda i: (i, 0)),
    out_shape=jax.ShapeDtypeStruct((_N, 1), _f32),
)


def kernel(x, edge_index, W0, b0, W1, b1, W2, b2, Wl, bl):
    _deg_kernel, _spmm = _sc_kernels()
    dst_deg = edge_index[1].reshape(_NW, _GD, _CD)
    ei_sp = edge_index.reshape(2, _NW, _G, _C).transpose(1, 2, 0, 3)
    cnt = _deg_kernel(dst_deg)
    u0, dinv = _tc_first(x, W0, cnt)
    s0 = _spmm(u0, ei_sp)
    u1 = _tc_mid(s0, u0, dinv, b0.reshape(1, _D), W1)
    s1 = _spmm(u1, ei_sp)
    u2 = _tc_mid(s1, u1, dinv, b1.reshape(1, _D), W2)
    s2 = _spmm(u2, ei_sp)
    out = _tc_last(s2, u2, dinv, b2.reshape(1, _D), Wl, bl.reshape(1, 1))
    return out[:, 0]

# --- scband reference (transcript-rebuilt; emitter-appended) ---
"""Pipeline reference for scband-stable-gcn-28226525070352 (READ-ONLY COPY).

The authoritative reference and input builder live on the scoring server;
editing this copy changes nothing except your own understanding.
"""

import jax, jax.numpy as jnp
import numpy as np

N = 10000
E = 320000
D = 128
H = 128

def setup_inputs(seed: int = 0) -> dict:
    key = jax.random.key(seed)
    ks = jax.random.split(key, 12)
    x = jax.random.normal(ks[0], (N, D), dtype=jnp.float32)
    edge_index = jax.random.randint(ks[1], (2, E), 0, N, dtype=jnp.int32)
    W0 = jax.random.normal(ks[2], (D, H), dtype=jnp.float32) * (1.0 / np.sqrt(D))
    b0 = jnp.zeros((H,), dtype=jnp.float32)
    W1 = jax.random.normal(ks[3], (H, H), dtype=jnp.float32) * (1.0 / np.sqrt(H))
    b1 = jnp.zeros((H,), dtype=jnp.float32)
    W2 = jax.random.normal(ks[4], (H, H), dtype=jnp.float32) * (1.0 / np.sqrt(H))
    b2 = jnp.zeros((H,), dtype=jnp.float32)
    Wl = jax.random.normal(ks[5], (H, 1), dtype=jnp.float32) * (1.0 / np.sqrt(H))
    bl = jnp.zeros((1,), dtype=jnp.float32)
    return {"x": x, "edge_index": edge_index, "W0": W0, "b0": b0, "W1": W1, "b1": b1, "W2": W2, "b2": b2, "Wl": Wl, "bl": bl}

def _gcn_conv(x, edge_index, W, b):
    # PyG GCNConv: linear transform, add self loops, symmetric normalization, scatter-add aggregate
    h = x @ W
    src = edge_index[0]
    dst = edge_index[1]
    loop = jnp.arange(N, dtype=src.dtype)
    src_full = jnp.concatenate([src, loop])
    dst_full = jnp.concatenate([dst, loop])
    ew = jnp.ones(src_full.shape[0], dtype=h.dtype)
    deg = jnp.zeros((N,), dtype=h.dtype).at[dst_full].add(ew)
    deg_inv_sqrt = jnp.where(deg > 0, 1.0 / jnp.sqrt(deg), 0.0)
    norm = deg_inv_sqrt[src_full] * deg_inv_sqrt[dst_full]
    msgs = h[src_full] * norm[:, None]
    out = jnp.zeros_like(h).at[dst_full].add(msgs)
    return out + b

def reference(x, edge_index, W0, b0, W1, b1, W2, b2, Wl, bl):
    h = _gcn_conv(x, edge_index, W0, b0)
    h = jax.nn.relu(h)
    h = _gcn_conv(h, edge_index, W1, b1)
    h = jax.nn.relu(h)
    h = _gcn_conv(h, edge_index, W2, b2)
    h = jax.nn.relu(h)
    out = h @ Wl + bl
    return out[:, 0]

if __name__ == "__main__":
    import jax
    _d = setup_inputs()
    print(jax.jit(kernel)(*tuple(_d.values())))

</pallas_src>

<mosaic_0001>
#map = affine_map<(d0, d1) -> (0, 0)>
#map1 = affine_map<(d0, d1) -> (0, 0, 0, 0)>
#map2 = affine_map<(d0, d1) -> (0, 0, 0)>
module attributes {stable_mosaic.version = 14 : i64} {
  func.func @_spmm_body(%arg0: i32, %arg1: i32, %arg2: memref<10000x128xf32, #tpu.memory_space<hbm>>, %arg3: memref<32x125x2x80xi32, #tpu.memory_space<hbm>>, %arg4: memref<2x10000x128xf32, #tpu.memory_space<hbm>>, %arg5: memref<4x2x80xi32, #tpu.memory_space<vmem>>, %arg6: memref<3x80x128xf32, #tpu.memory_space<vmem>>, %arg7: memref<10000x128xf32, #tpu.memory_space<vmem_shared>>, %arg8: memref<!tpu.dma_semaphore, #tpu.memory_space<semaphore_mem>>, %arg9: memref<!tpu.dma_semaphore, #tpu.memory_space<semaphore_mem>>, %arg10: memref<!tpu.dma_semaphore, #tpu.memory_space<semaphore_mem>>) attributes {dimension_semantics = [#tpu.dimension_semantics<core_parallel>, #tpu.dimension_semantics<subcore_parallel>], iteration_bounds = array<i64: 2, 16>, scalar_prefetch = 0 : i64, scratch_operands = 6 : i64, tpu.core_type = #tpu.core_type<sc_vector_subcore>, window_params = [{transform_indices = #map}, {transform_indices = #map1}, {transform_indices = #map2}]} {
    %mul3A = arith.constant 16 : i32
    %mul3A_0 = arith.muli %arg0, %mul3A : i32
    %add3A = arith.addi %mul3A_0, %arg1 : i32
    %broadcast_in_dim3A = arith.constant 0.000000e+00 : f32
    %broadcast_in_dim3A_1 = vector.broadcast %broadcast_in_dim3A : f32 to vector<16xf32>
    %dma_start3A = arith.constant 0 : i32
    %dma_start3A_2 = arith.constant 0 : i32
    %dma_start3A_3 = arith.constant 0 : i32
    %dma_start3A_4 = arith.constant 0 : i32
    %dma_start3A_5 = tpu.memref_slice %arg5[%dma_start3A_2, %dma_start3A_3, %dma_start3A_4] : memref<4x2x80xi32, #tpu.memory_space<vmem>> -> memref<1x2x80xi32, #tpu.memory_space<vmem>>
    %dma_start3A_6 = tpu.memref_squeeze %dma_start3A_5 : memref<1x2x80xi32, #tpu.memory_space<vmem>> -> memref<2x80xi32, #tpu.memory_space<vmem>>
    %dma_start3A_7 = arith.constant 0 : i32
    %dma_start3A_8 = arith.constant 0 : i32
    %dma_start3A_9 = tpu.memref_slice %arg3[%add3A, %dma_start3A, %dma_start3A_7, %dma_start3A_8] : memref<32x125x2x80xi32, #tpu.memory_space<hbm>> -> memref<1x1x2x80xi32, #tpu.memory_space<hbm>>
    %dma_start3A_10 = tpu.memref_squeeze %dma_start3A_9 : memref<1x1x2x80xi32, #tpu.memory_space<hbm>> -> memref<2x80xi32, #tpu.memory_space<hbm>>
    %dma_start3A_11 = arith.constant 0 : i32
    %dma_start3A_12 = arith.constant 0 : i32
    %dma_start3A_13 = tpu.memref_slice %arg5[%dma_start3A_2, %dma_start3A_11, %dma_start3A_12] : memref<4x2x80xi32, #tpu.memory_space<vmem>> -> memref<1x2x80xi32, #tpu.memory_space<vmem>>
    %dma_start3A_14 = tpu.memref_squeeze %dma_start3A_13 : memref<1x2x80xi32, #tpu.memory_space<vmem>> -> memref<2x80xi32, #tpu.memory_space<vmem>>
    %dma_start3A_15 = arith.constant 0 : i32
    %dma_start3A_16 = arith.constant 0 : i32
    %dma_start3A_17 = tpu.memref_slice %arg3[%add3A, %dma_start3A, %dma_start3A_15, %dma_start3A_16] : memref<32x125x2x80xi32, #tpu.memory_space<hbm>> -> memref<1x1x2x80xi32, #tpu.memory_space<hbm>>
    %dma_start3A_18 = tpu.memref_squeeze %dma_start3A_17 : memref<1x1x2x80xi32, #tpu.memory_space<hbm>> -> memref<2x80xi32, #tpu.memory_space<hbm>>
    tpu.enqueue_dma source(%dma_start3A_18 : memref<2x80xi32, #tpu.memory_space<hbm>>) target(%dma_start3A_14 : memref<2x80xi32, #tpu.memory_space<vmem>>) target_semaphore(%arg8 : memref<!tpu.dma_semaphore, #tpu.memory_space<semaphore_mem>>)
    %dma_start3A_19 = arith.constant 1 : i32
    %dma_start3A_20 = arith.constant 1 : i32
    %dma_start3A_21 = arith.constant 0 : i32
    %dma_start3A_22 = arith.constant 0 : i32
    %dma_start3A_23 = tpu.memref_slice %arg5[%dma_start3A_20, %dma_start3A_21, %dma_start3A_22] : memref<4x2x80xi32, #tpu.memory_space<vmem>> -> memref<1x2x80xi32, #tpu.memory_space<vmem>>
    %dma_start3A_24 = tpu.memref_squeeze %dma_start3A_23 : memref<1x2x80xi32, #tpu.memory_space<vmem>> -> memref<2x80xi32, #tpu.memory_space<vmem>>
    %dma_start3A_25 = arith.constant 0 : i32
    %dma_start3A_26 = arith.constant 0 : i32
    %dma_start3A_27 = tpu.memref_slice %arg3[%add3A, %dma_start3A_19, %dma_start3A_25, %dma_start3A_26] : memref<32x125x2x80xi32, #tpu.memory_space<hbm>> -> memref<1x1x2x80xi32, #tpu.memory_space<hbm>>
    %dma_start3A_28 = tpu.memref_squeeze %dma_start3A_27 : memref<1x1x2x80xi32, #tpu.memory_space<hbm>> -> memref<2x80xi32, #tpu.memory_space<hbm>>
    %dma_start3A_29 = arith.constant 0 : i32
    %dma_start3A_30 = arith.constant 0 : i32
    %dma_start3A_31 = tpu.memref_slice %arg5[%dma_start3A_20, %dma_start3A_29, %dma_start3A_30] : memref<4x2x80xi32, #tpu.memory_space<vmem>> -> memref<1x2x80xi32, #tpu.memory_space<vmem>>
    %dma_start3A_32 = tpu.memref_squeeze %dma_start3A_31 : memref<1x2x80xi32, #tpu.memory_space<vmem>> -> memref<2x80xi32, #tpu.memory_space<vmem>>
    %dma_start3A_33 = arith.constant 0 : i32
    %dma_start3A_34 = arith.constant 0 : i32
    %dma_start3A_35 = tpu.memref_slice %arg3[%add3A, %dma_start3A_19, %dma_start3A_33, %dma_start3A_34] : memref<32x125x2x80xi32, #tpu.memory_space<hbm>> -> memref<1x1x2x80xi32, #tpu.memory_space<hbm>>
    %dma_start3A_36 = tpu.memref_squeeze %dma_start3A_35 : memref<1x1x2x80xi32, #tpu.memory_space<hbm>> -> memref<2x80xi32, #tpu.memory_space<hbm>>
    tpu.enqueue_dma source(%dma_start3A_36 : memref<2x80xi32, #tpu.memory_space<hbm>>) target(%dma_start3A_32 : memref<2x80xi32, #tpu.memory_space<vmem>>) target_semaphore(%arg8 : memref<!tpu.dma_semaphore, #tpu.memory_space<semaphore_mem>>)
    %scan3A = arith.constant 0 : i32
    %scan3A_37 = arith.constant 80 : i32
    %scan3A_38 = arith.addi %scan3A, %scan3A_37 : i32
    %scan3A_39 = arith.constant 1 : i32
    scf.for %scan3A_187 = %scan3A to %scan3A_38 step %scan3A_39  : i32 {
      %mul3A_188 = arith.constant 1 : i32
      %mul3A_189 = arith.muli %scan3A_187, %mul3A_188 : i32
      %add3A_190 = arith.constant 0 : i32
      %add3A_191 = arith.addi %add3A_190, %mul3A_189 : i32
      %swap3A = arith.constant 2 : i32
      %swap3A_192 = arith.index_cast %swap3A : i32 to index
      %swap3A_193 = arith.index_cast %add3A_191 : i32 to index
      %swap3A_194 = arith.constant 0 : index
      %swap3A_195 = tpu.vector_load %arg6[%swap3A_192, %swap3A_193, %swap3A_194] {strides = array<i32>} : memref<3x80x128xf32, #tpu.memory_space<vmem>>, vector<1x1x16xf32>,
      %swap3A_196 = vector.shape_cast %swap3A_195 : vector<1x1x16xf32> to vector<16xf32>
      %swap3A_197 = vector.shape_cast %broadcast_in_dim3A_1 : vector<16xf32> to vector<1x1x16xf32>
      tpu.vector_store %arg6[%swap3A_192, %swap3A_193, %swap3A_194], %swap3A_197 {strides = array<i32>} : memref<3x80x128xf32, #tpu.memory_space<vmem>>, vector<1x1x16xf32>,
      %swap3A_198 = arith.constant 2 : i32
      %swap3A_199 = arith.index_cast %swap3A_198 : i32 to index
      %swap3A_200 = arith.index_cast %add3A_191 : i32 to index
      %swap3A_201 = arith.constant 16 : index
      %swap3A_202 = tpu.vector_load %arg6[%swap3A_199, %swap3A_200, %swap3A_201] {strides = array<i32>} : memref<3x80x128xf32, #tpu.memory_space<vmem>>, vector<1x1x16xf32>,
      %swap3A_203 = vector.shape_cast %swap3A_202 : vector<1x1x16xf32> to vector<16xf32>
      %swap3A_204 = vector.shape_cast %broadcast_in_dim3A_1 : vector<16xf32> to vector<1x1x16xf32>
      tpu.vector_store %arg6[%swap3A_199, %swap3A_200, %swap3A_201], %swap3A_204 {strides = array<i32>} : memref<3x80x128xf32, #tpu.memory_space<vmem>>, vector<1x1x16xf32>,
      %swap3A_205 = arith.constant 2 : i32
      %swap3A_206 = arith.index_cast %swap3A_205 : i32 to index
      %swap3A_207 = arith.index_cast %add3A_191 : i32 to index
      %swap3A_208 = arith.constant 32 : index
      %swap3A_209 = tpu.vector_load %arg6[%swap3A_206, %swap3A_207, %swap3A_208] {strides = array<i32>} : memref<3x80x128xf32, #tpu.memory_space<vmem>>, vector<1x1x16xf32>,
      %swap3A_210 = vector.shape_cast %swap3A_209 : vector<1x1x16xf32> to vector<16xf32>
      %swap3A_211 = vector.shape_cast %broadcast_in_dim3A_1 : vector<16xf32> to vector<1x1x16xf32>
      tpu.vector_store %arg6[%swap3A_206, %swap3A_207, %swap3A_208], %swap3A_211 {strides = array<i32>} : memref<3x80x128xf32, #tpu.memory_space<vmem>>, vector<1x1x16xf32>,
      %swap3A_212 = arith.constant 2 : i32
      %swap3A_213 = arith.index_cast %swap3A_212 : i32 to index
      %swap3A_214 = arith.index_cast %add3A_191 : i32 to index
      %swap3A_215 = arith.constant 48 : index
      %swap3A_216 = tpu.vector_load %arg6[%swap3A_213, %swap3A_214, %swap3A_215] {strides = array<i32>} : memref<3x80x128xf32, #tpu.memory_space<vmem>>, vector<1x1x16xf32>,
      %swap3A_217 = vector.shape_cast %swap3A_216 : vector<1x1x16xf32> to vector<16xf32>
      %swap3A_218 = vector.shape_cast %broadcast_in_dim3A_1 : vector<16xf32> to vector<1x1x16xf32>
      tpu.vector_store %arg6[%swap3A_213, %swap3A_214, %swap3A_215], %swap3A_218 {strides = array<i32>} : memref<3x80x128xf32, #tpu.memory_space<vmem>>, vector<1x1x16xf32>,
      %swap3A_219 = arith.constant 2 : i32
      %swap3A_220 = arith.index_cast %swap3A_219 : i32 to index
      %swap3A_221 = arith.index_cast %add3A_191 : i32 to index
      %swap3A_222 = arith.constant 64 : index
      %swap3A_223 = tpu.vector_load %arg6[%swap3A_220, %swap3A_221, %swap3A_222] {strides = array<i32>} : memref<3x80x128xf32, #tpu.memory_space<vmem>>, vector<1x1x16xf32>,
      %swap3A_224 = vector.shape_cast %swap3A_223 : vector<1x1x16xf32> to vector<16xf32>
      %swap3A_225 = vector.shape_cast %broadcast_in_dim3A_1 : vector<16xf32> to vector<1x1x16xf32>
      tpu.vector_store %arg6[%swap3A_220, %swap3A_221, %swap3A_222], %swap3A_225 {strides = array<i32>} : memref<3x80x128xf32, #tpu.memory_space<vmem>>, vector<1x1x16xf32>,
      %swap3A_226 = arith.constant 2 : i32
      %swap3A_227 = arith.index_cast %swap3A_226 : i32 to index
      %swap3A_228 = arith.index_cast %add3A_191 : i32 to index
      %swap3A_229 = arith.constant 80 : index
      %swap3A_230 = tpu.vector_load %arg6[%swap3A_227, %swap3A_228, %swap3A_229] {strides = array<i32>} : memref<3x80x128xf32, #tpu.memory_space<vmem>>, vector<1x1x16xf32>,
      %swap3A_231 = vector.shape_cast %swap3A_230 : vector<1x1x16xf32> to vector<16xf32>
      %swap3A_232 = vector.shape_cast %broadcast_in_dim3A_1 : vector<16xf32> to vector<1x1x16xf32>
      tpu.vector_store %arg6[%swap3A_227, %swap3A_228, %swap3A_229], %swap3A_232 {strides = array<i32>} : memref<3x80x128xf32, #tpu.memory_space<vmem>>, vector<1x1x16xf32>,
      %swap3A_233 = arith.constant 2 : i32
      %swap3A_234 = arith.index_cast %swap3A_233 : i32 to index
      %swap3A_235 = arith.index_cast %add3A_191 : i32 to index
      %swap3A_236 = arith.constant 96 : index
      %swap3A_237 = tpu.vector_load %arg6[%swap3A_234, %swap3A_235, %swap3A_236] {strides = array<i32>} : memref<3x80x128xf32, #tpu.memory_space<vmem>>, vector<1x1x16xf32>,
      %swap3A_238 = vector.shape_cast %swap3A_237 : vector<1x1x16xf32> to vector<16xf32>
      %swap3A_239 = vector.shape_cast %broadcast_in_dim3A_1 : vector<16xf32> to vector<1x1x16xf32>
      tpu.vector_store %arg6[%swap3A_234, %swap3A_235, %swap3A_236], %swap3A_239 {strides = array<i32>} : memref<3x80x128xf32, #tpu.memory_space<vmem>>, vector<1x1x16xf32>,
      %swap3A_240 = arith.constant 2 : i32
      %swap3A_241 = arith.index_cast %swap3A_240 : i32 to index
      %swap3A_242 = arith.index_cast %add3A_191 : i32 to index
      %swap3A_243 = arith.constant 112 : index
      %swap3A_244 = tpu.vector_load %arg6[%swap3A_241, %swap3A_242, %swap3A_243] {strides = array<i32>} : memref<3x80x128xf32, #tpu.memory_space<vmem>>, vector<1x1x16xf32>,
      %swap3A_245 = vector.shape_cast %swap3A_244 : vector<1x1x16xf32> to vector<16xf32>
      %swap3A_246 = vector.shape_cast %broadcast_in_dim3A_1 : vector<16xf32> to vector<1x1x16xf32>
      tpu.vector_store %arg6[%swap3A_241, %swap3A_242, %swap3A_243], %swap3A_246 {strides = array<i32>} : memref<3x80x128xf32, #tpu.memory_space<vmem>>, vector<1x1x16xf32>,
    }
    %scan3A_40 = arith.constant 80 : i32
    %sub3A = arith.constant 125 : i32
    %sub3A_41 = arith.subi %sub3A, %arg1 : i32
    %sub3A_42 = arith.constant 16 : i32
    %sub3A_43 = arith.constant 1 : i32
    %sub3A_44 = arith.subi %sub3A_42, %sub3A_43 : i32
    %add3A_45 = arith.addi %sub3A_41, %sub3A_44 : i32
    %div3A = arith.constant 16 : i32
    %div3A_46 = arith.divsi %add3A_45, %div3A : i32
    %while3A = arith.constant 16 : i32
    %while3A_47 = arith.constant 0 : i32
    %while3A_48 = arith.subi %div3A_46, %while3A_47 : i32
    %while3A_49 = arith.addi %while3A_47, %while3A_48 : i32
    %while3A_50 = arith.constant 1 : i32
    %while3A_51 = arith.divsi %while3A_48, %while3A_50 : i32
    %while3A_52 = arith.muli %while3A_51, %while3A_50 : i32
    %while3A_53 = arith.addi %while3A_47, %while3A_52 : i32
    %while3A_54 = arith.constant 1 : i32
    scf.for %while3A_187 = %while3A_47 to %while3A_53 step %while3A_54  : i32 {
      %mul3A_188 = arith.muli %while3A_187, %while3A : i32
      %add3A_189 = arith.addi %arg1, %mul3A_188 : i32
      %mul3A_190 = arith.constant 80 : i32
      %mul3A_191 = arith.muli %add3A_189, %mul3A_190 : i32
      %dma_start3A_192 = arith.constant 2 : i32
      %dma_start3A_193 = arith.constant 0 : i32
      %dma_start3A_194 = arith.constant 0 : i32
      %dma_start3A_195 = tpu.memref_slice %arg6[%dma_start3A_192, %dma_start3A_193, %dma_start3A_194] : memref<3x80x128xf32, #tpu.memory_space<vmem>> -> memref<1x80x128xf32, #tpu.memory_space<vmem>>
      %dma_start3A_196 = tpu.memref_squeeze %dma_start3A_195 : memref<1x80x128xf32, #tpu.memory_space<vmem>> -> memref<80x128xf32, #tpu.memory_space<vmem>>
      %dma_start3A_197 = arith.constant 0 : i32
      %dma_start3A_198 = tpu.memref_slice %arg7[%mul3A_191, %dma_start3A_197] : memref<10000x128xf32, #tpu.memory_space<vmem_shared>> -> memref<80x128xf32, #tpu.memory_space<vmem_shared>>
      %dma_start3A_199 = arith.constant 0 : i32
      %dma_start3A_200 = tpu.memref_slice %arg7[%mul3A_191, %dma_start3A_199] : memref<10000x128xf32, #tpu.memory_space<vmem_shared>> -> memref<80x128xf32, #tpu.memory_space<vmem_shared>>
      %dma_start3A_201 = arith.constant 0 : i32
      %dma_start3A_202 = arith.constant 0 : i32
      %dma_start3A_203 = tpu.memref_slice %arg6[%dma_start3A_192, %dma_start3A_201, %dma_start3A_202] : memref<3x80x128xf32, #tpu.memory_space<vmem>> -> memref<1x80x128xf32, #tpu.memory_space<vmem>>
      %dma_start3A_204 = tpu.memref_squeeze %dma_start3A_203 : memref<1x80x128xf32, #tpu.memory_space<vmem>> -> memref<80x128xf32, #tpu.memory_space<vmem>>
      tpu.enqueue_dma source(%dma_start3A_204 : memref<80x128xf32, #tpu.memory_space<vmem>>) target(%dma_start3A_200 : memref<80x128xf32, #tpu.memory_space<vmem_shared>>) target_semaphore(%arg9 : memref<!tpu.dma_semaphore, #tpu.memory_space<semaphore_mem>>)
    }
    %while3A_55 = arith.constant 1 : i32
    scf.for %while3A_187 = %while3A_53 to %while3A_49 step %while3A_55  : i32 {
      %mul3A_188 = arith.muli %while3A_187, %while3A : i32
      %add3A_189 = arith.addi %arg1, %mul3A_188 : i32
      %mul3A_190 = arith.constant 80 : i32
      %mul3A_191 = arith.muli %add3A_189, %mul3A_190 : i32
      %dma_start3A_192 = arith.constant 2 : i32
      %dma_start3A_193 = arith.constant 0 : i32
      %dma_start3A_194 = arith.constant 0 : i32
      %dma_start3A_195 = tpu.memref_slice %arg6[%dma_start3A_192, %dma_start3A_193, %dma_start3A_194] : memref<3x80x128xf32, #tpu.memory_space<vmem>> -> memref<1x80x128xf32, #tpu.memory_space<vmem>>
      %dma_start3A_196 = tpu.memref_squeeze %dma_start3A_195 : memref<1x80x128xf32, #tpu.memory_space<vmem>> -> memref<80x128xf32, #tpu.memory_space<vmem>>
      %dma_start3A_197 = arith.constant 0 : i32
      %dma_start3A_198 = tpu.memref_slice %arg7[%mul3A_191, %dma_start3A_197] : memref<10000x128xf32, #tpu.memory_space<vmem_shared>> -> memref<80x128xf32, #tpu.memory_space<vmem_shared>>
      %dma_start3A_199 = arith.constant 0 : i32
      %dma_start3A_200 = tpu.memref_slice %arg7[%mul3A_191, %dma_start3A_199] : memref<10000x128xf32, #tpu.memory_space<vmem_shared>> -> memref<80x128xf32, #tpu.memory_space<vmem_shared>>
      %dma_start3A_201 = arith.constant 0 : i32
      %dma_start3A_202 = arith.constant 0 : i32
      %dma_start3A_203 = tpu.memref_slice %arg6[%dma_start3A_192, %dma_start3A_201, %dma_start3A_202] : memref<3x80x128xf32, #tpu.memory_space<vmem>> -> memref<1x80x128xf32, #tpu.memory_space<vmem>>
      %dma_start3A_204 = tpu.memref_squeeze %dma_start3A_203 : memref<1x80x128xf32, #tpu.memory_space<vmem>> -> memref<80x128xf32, #tpu.memory_space<vmem>>
      tpu.enqueue_dma source(%dma_start3A_204 : memref<80x128xf32, #tpu.memory_space<vmem>>) target(%dma_start3A_200 : memref<80x128xf32, #tpu.memory_space<vmem_shared>>) target_semaphore(%arg9 : memref<!tpu.dma_semaphore, #tpu.memory_space<semaphore_mem>>)
    }
    %sub3A_56 = arith.constant 125 : i32
    %sub3A_57 = arith.subi %sub3A_56, %arg1 : i32
    %sub3A_58 = arith.constant 16 : i32
    %sub3A_59 = arith.constant 1 : i32
    %sub3A_60 = arith.subi %sub3A_58, %sub3A_59 : i32
    %add3A_61 = arith.addi %sub3A_57, %sub3A_60 : i32
    %div3A_62 = arith.constant 16 : i32
    %div3A_63 = arith.divsi %add3A_61, %div3A_62 : i32
    %while3A_64 = arith.constant 16 : i32
    %while3A_65 = arith.constant 0 : i32
    %while3A_66 = arith.subi %div3A_63, %while3A_65 : i32
    %while3A_67 = arith.addi %while3A_65, %while3A_66 : i32
    %while3A_68 = arith.constant 1 : i32
    %while3A_69 = arith.divsi %while3A_66, %while3A_68 : i32
    %while3A_70 = arith.muli %while3A_69, %while3A_68 : i32
    %while3A_71 = arith.addi %while3A_65, %while3A_70 : i32
    %while3A_72 = arith.constant 1 : i32
    scf.for %while3A_187 = %while3A_65 to %while3A_71 step %while3A_72  : i32 {
      %mul3A_188 = arith.muli %while3A_187, %while3A_64 : i32
      %add3A_189 = arith.addi %arg1, %mul3A_188 : i32
      %mul3A_190 = arith.constant 80 : i32
      %mul3A_191 = arith.muli %add3A_189, %mul3A_190 : i32
      %dma_wait3A_192 = arith.constant 2 : i32
      %dma_wait3A_193 = arith.constant 0 : i32
      %dma_wait3A_194 = arith.constant 0 : i32
      %dma_wait3A_195 = tpu.memref_slice %arg6[%dma_wait3A_192, %dma_wait3A_193, %dma_wait3A_194] : memref<3x80x128xf32, #tpu.memory_space<vmem>> -> memref<1x80x128xf32, #tpu.memory_space<vmem>>
      %dma_wait3A_196 = tpu.memref_squeeze %dma_wait3A_195 : memref<1x80x128xf32, #tpu.memory_space<vmem>> -> memref<80x128xf32, #tpu.memory_space<vmem>>
      %dma_wait3A_197 = arith.constant 0 : i32
      %dma_wait3A_198 = tpu.memref_slice %arg7[%mul3A_191, %dma_wait3A_197] : memref<10000x128xf32, #tpu.memory_space<vmem_shared>> -> memref<80x128xf32, #tpu.memory_space<vmem_shared>>
      %dma_wait3A_199 = arith.constant 0 : i32
      %dma_wait3A_200 = tpu.memref_slice %arg7[%mul3A_191, %dma_wait3A_199] : memref<10000x128xf32, #tpu.memory_space<vmem_shared>> -> memref<80x128xf32, #tpu.memory_space<vmem_shared>>
      %dma_wait3A_201 = arith.constant 0 : i32
      %dma_wait3A_202 = arith.constant 0 : i32
      %dma_wait3A_203 = tpu.memref_slice %arg6[%dma_wait3A_192, %dma_wait3A_201, %dma_wait3A_202] : memref<3x80x128xf32, #tpu.memory_space<vmem>> -> memref<1x80x128xf32, #tpu.memory_space<vmem>>
      %dma_wait3A_204 = tpu.memref_squeeze %dma_wait3A_203 : memref<1x80x128xf32, #tpu.memory_space<vmem>> -> memref<80x128xf32, #tpu.memory_space<vmem>>
      tpu.wait_dma2 semaphore(%arg9 : memref<!tpu.dma_semaphore, #tpu.memory_space<semaphore_mem>>) src(%dma_wait3A_204 : memref<80x128xf32, #tpu.memory_space<vmem>>) dst(%dma_wait3A_200 : memref<80x128xf32, #tpu.memory_space<vmem_shared>>)
    }
    %while3A_73 = arith.constant 1 : i32
    scf.for %while3A_187 = %while3A_71 to %while3A_67 step %while3A_73  : i32 {
      %mul3A_188 = arith.muli %while3A_187, %while3A_64 : i32
      %add3A_189 = arith.addi %arg1, %mul3A_188 : i32
      %mul3A_190 = arith.constant 80 : i32
      %mul3A_191 = arith.muli %add3A_189, %mul3A_190 : i32
      %dma_wait3A_192 = arith.constant 2 : i32
      %dma_wait3A_193 = arith.constant 0 : i32
      %dma_wait3A_194 = arith.constant 0 : i32
      %dma_wait3A_195 = tpu.memref_slice %arg6[%dma_wait3A_192, %dma_wait3A_193, %dma_wait3A_194] : memref<3x80x128xf32, #tpu.memory_space<vmem>> -> memref<1x80x128xf32, #tpu.memory_space<vmem>>
      %dma_wait3A_196 = tpu.memref_squeeze %dma_wait3A_195 : memref<1x80x128xf32, #tpu.memory_space<vmem>> -> memref<80x128xf32, #tpu.memory_space<vmem>>
      %dma_wait3A_197 = arith.constant 0 : i32
      %dma_wait3A_198 = tpu.memref_slice %arg7[%mul3A_191, %dma_wait3A_197] : memref<10000x128xf32, #tpu.memory_space<vmem_shared>> -> memref<80x128xf32, #tpu.memory_space<vmem_shared>>
      %dma_wait3A_199 = arith.constant 0 : i32
      %dma_wait3A_200 = tpu.memref_slice %arg7[%mul3A_191, %dma_wait3A_199] : memref<10000x128xf32, #tpu.memory_space<vmem_shared>> -> memref<80x128xf32, #tpu.memory_space<vmem_shared>>
      %dma_wait3A_201 = arith.constant 0 : i32
      %dma_wait3A_202 = arith.constant 0 : i32
      %dma_wait3A_203 = tpu.memref_slice %arg6[%dma_wait3A_192, %dma_wait3A_201, %dma_wait3A_202] : memref<3x80x128xf32, #tpu.memory_space<vmem>> -> memref<1x80x128xf32, #tpu.memory_space<vmem>>
      %dma_wait3A_204 = tpu.memref_squeeze %dma_wait3A_203 : memref<1x80x128xf32, #tpu.memory_space<vmem>> -> memref<80x128xf32, #tpu.memory_space<vmem>>
      tpu.wait_dma2 semaphore(%arg9 : memref<!tpu.dma_semaphore, #tpu.memory_space<semaphore_mem>>) src(%dma_wait3A_204 : memref<80x128xf32, #tpu.memory_space<vmem>>) dst(%dma_wait3A_200 : memref<80x128xf32, #tpu.memory_space<vmem_shared>>)
    }
    %barrier3A = arith.constant 0 : index
    tpu.barrier barrier_id(%barrier3A)
    %dma_wait3A = arith.constant 0 : i32
    %dma_wait3A_74 = arith.constant 0 : i32
    %dma_wait3A_75 = arith.constant 0 : i32
    %dma_wait3A_76 = arith.constant 0 : i32
    %dma_wait3A_77 = tpu.memref_slice %arg5[%dma_wait3A_74, %dma_wait3A_75, %dma_wait3A_76] : memref<4x2x80xi32, #tpu.memory_space<vmem>> -> memref<1x2x80xi32, #tpu.memory_space<vmem>>
    %dma_wait3A_78 = tpu.memref_squeeze %dma_wait3A_77 : memref<1x2x80xi32, #tpu.memory_space<vmem>> -> memref<2x80xi32, #tpu.memory_space<vmem>>
    %dma_wait3A_79 = arith.constant 0 : i32
    %dma_wait3A_80 = arith.constant 0 : i32
    %dma_wait3A_81 = tpu.memref_slice %arg3[%add3A, %dma_wait3A, %dma_wait3A_79, %dma_wait3A_80] : memref<32x125x2x80xi32, #tpu.memory_space<hbm>> -> memref<1x1x2x80xi32, #tpu.memory_space<hbm>>
    %dma_wait3A_82 = tpu.memref_squeeze %dma_wait3A_81 : memref<1x1x2x80xi32, #tpu.memory_space<hbm>> -> memref<2x80xi32, #tpu.memory_space<hbm>>
    %dma_wait3A_83 = arith.constant 0 : i32
    %dma_wait3A_84 = arith.constant 0 : i32
    %dma_wait3A_85 = tpu.memref_slice %arg5[%dma_wait3A_74, %dma_wait3A_83, %dma_wait3A_84] : memref<4x2x80xi32, #tpu.memory_space<vmem>> -> memref<1x2x80xi32, #tpu.memory_space<vmem>>
    %dma_wait3A_86 = tpu.memref_squeeze %dma_wait3A_85 : memref<1x2x80xi32, #tpu.memory_space<vmem>> -> memref<2x80xi32, #tpu.memory_space<vmem>>
    %dma_wait3A_87 = arith.constant 0 : i32
    %dma_wait3A_88 = arith.constant 0 : i32
    %dma_wait3A_89 = tpu.memref_slice %arg3[%add3A, %dma_wait3A, %dma_wait3A_87, %dma_wait3A_88] : memref<32x125x2x80xi32, #tpu.memory_space<hbm>> -> memref<1x1x2x80xi32, #tpu.memory_space<hbm>>
    %dma_wait3A_90 = tpu.memref_squeeze %dma_wait3A_89 : memref<1x1x2x80xi32, #tpu.memory_space<hbm>> -> memref<2x80xi32, #tpu.memory_space<hbm>>
    tpu.wait_dma2 semaphore(%arg8 : memref<!tpu.dma_semaphore, #tpu.memory_space<semaphore_mem>>) src(%dma_wait3A_90 : memref<2x80xi32, #tpu.memory_space<hbm>>) dst(%dma_wait3A_86 : memref<2x80xi32, #tpu.memory_space<vmem>>)
    %dma_start3A_91 = arith.constant 0 : i32
    %dma_start3A_92 = arith.constant 0 : i32
    %dma_start3A_93 = arith.constant 0 : i32
    %dma_start3A_94 = arith.constant 0 : i32
    %dma_start3A_95 = arith.constant 0 : i32
    %dma_start3A_96 = tpu.memref_slice %arg6[%dma_start3A_93, %dma_start3A_94, %dma_start3A_95] : memref<3x80x128xf32, #tpu.memory_space<vmem>> -> memref<1x80x128xf32, #tpu.memory_space<vmem>>
    %dma_start3A_97 = tpu.memref_squeeze %dma_start3A_96 : memref<1x80x128xf32, #tpu.memory_space<vmem>> -> memref<80x128xf32, #tpu.memory_space<vmem>>
    %dma_start3A_98 = arith.constant 0 : i32
    %dma_start3A_99 = tpu.memref_slice %arg5[%dma_start3A_91, %dma_start3A_92, %dma_start3A_98] : memref<4x2x80xi32, #tpu.memory_space<vmem>> -> memref<1x1x80xi32, #tpu.memory_space<vmem>>
    %dma_start3A_100 = tpu.memref_squeeze %dma_start3A_99 : memref<1x1x80xi32, #tpu.memory_space<vmem>> -> memref<80xi32, #tpu.memory_space<vmem>>
    %dma_start3A_101 = arith.constant 0 : i32
    %dma_start3A_102 = arith.constant 0 : i32
    %dma_start3A_103 = tpu.memref_slice %arg2[%dma_start3A_101, %dma_start3A_102] : memref<10000x128xf32, #tpu.memory_space<hbm>> -> memref<10000x128xf32, #tpu.memory_space<hbm>>
    tpu.enqueue_indirect_dma source(%dma_start3A_103 : memref<10000x128xf32, #tpu.memory_space<hbm>>) target(%dma_start3A_97 : memref<80x128xf32, #tpu.memory_space<vmem>>) offsets(%dma_start3A_100 : memref<80xi32, #tpu.memory_space<vmem>>) semaphore(%arg9 : memref<!tpu.dma_semaphore, #tpu.memory_space<semaphore_mem>>)
    %scan3A_104 = arith.constant 0 : i32
    %scan3A_105 = arith.constant 124 : i32
    %scan3A_106 = arith.addi %scan3A_104, %scan3A_105 : i32
    %scan3A_107 = arith.constant 1 : i32
    scf.for %scan3A_187 = %scan3A_104 to %scan3A_106 step %scan3A_107  : i32 {
      %mul3A_188 = arith.constant 1 : i32
      %mul3A_189 = arith.muli %scan3A_187, %mul3A_188 : i32
      %add3A_190 = arith.constant 0 : i32
      %add3A_191 = arith.addi %add3A_190, %mul3A_189 : i32
      %rem3A = arith.constant 3 : i32
      %rem3A_192 = arith.remsi %add3A_191, %rem3A : i32
      %add3A_193 = arith.constant 1 : i32
      %add3A_194 = arith.addi %add3A_191, %add3A_193 : i32
      %rem3A_195 = arith.constant 3 : i32
      %rem3A_196 = arith.remsi %add3A_194, %rem3A_195 : i32
      %rem3A_197 = arith.constant 4 : i32
      %rem3A_198 = arith.remsi %add3A_191, %rem3A_197 : i32
      %add3A_199 = arith.constant 1 : i32
      %add3A_200 = arith.addi %add3A_191, %add3A_199 : i32
      %rem3A_201 = arith.constant 4 : i32
      %rem3A_202 = arith.remsi %add3A_200, %rem3A_201 : i32
      %add3A_203 = arith.constant 2 : i32
      %add3A_204 = arith.addi %add3A_191, %add3A_203 : i32
      %rem3A_205 = arith.constant 4 : i32
      %rem3A_206 = arith.remsi %add3A_204, %rem3A_205 : i32
      %add3A_207 = arith.constant 1 : i32
      %add3A_208 = arith.addi %add3A_191, %add3A_207 : i32
      %dma_wait3A_209 = arith.constant 0 : i32
      %dma_wait3A_210 = arith.constant 0 : i32
      %dma_wait3A_211 = tpu.memref_slice %arg5[%rem3A_202, %dma_wait3A_209, %dma_wait3A_210] : memref<4x2x80xi32, #tpu.memory_space<vmem>> -> memref<1x2x80xi32, #tpu.memory_space<vmem>>
      %dma_wait3A_212 = tpu.memref_squeeze %dma_wait3A_211 : memref<1x2x80xi32, #tpu.memory_space<vmem>> -> memref<2x80xi32, #tpu.memory_space<vmem>>
      %dma_wait3A_213 = arith.constant 0 : i32
      %dma_wait3A_214 = arith.constant 0 : i32
      %dma_wait3A_215 = tpu.memref_slice %arg3[%add3A, %add3A_208, %dma_wait3A_213, %dma_wait3A_214] : memref<32x125x2x80xi32, #tpu.memory_space<hbm>> -> memref<1x1x2x80xi32, #tpu.memory_space<hbm>>
      %dma_wait3A_216 = tpu.memref_squeeze %dma_wait3A_215 : memref<1x1x2x80xi32, #tpu.memory_space<hbm>> -> memref<2x80xi32, #tpu.memory_space<hbm>>
      %dma_wait3A_217 = arith.constant 0 : i32
      %dma_wait3A_218 = arith.constant 0 : i32
      %dma_wait3A_219 = tpu.memref_slice %arg5[%rem3A_202, %dma_wait3A_217, %dma_wait3A_218] : memref<4x2x80xi32, #tpu.memory_space<vmem>> -> memref<1x2x80xi32, #tpu.memory_space<vmem>>
      %dma_wait3A_220 = tpu.memref_squeeze %dma_wait3A_219 : memref<1x2x80xi32, #tpu.memory_space<vmem>> -> memref<2x80xi32, #tpu.memory_space<vmem>>
      %dma_wait3A_221 = arith.constant 0 : i32
      %dma_wait3A_222 = arith.constant 0 : i32
      %dma_wait3A_223 = tpu.memref_slice %arg3[%add3A, %add3A_208, %dma_wait3A_221, %dma_wait3A_222] : memref<32x125x2x80xi32, #tpu.memory_space<hbm>> -> memref<1x1x2x80xi32, #tpu.memory_space<hbm>>
      %dma_wait3A_224 = tpu.memref_squeeze %dma_wait3A_223 : memref<1x1x2x80xi32, #tpu.memory_space<hbm>> -> memref<2x80xi32, #tpu.memory_space<hbm>>
      tpu.wait_dma2 semaphore(%arg8 : memref<!tpu.dma_semaphore, #tpu.memory_space<semaphore_mem>>) src(%dma_wait3A_224 : memref<2x80xi32, #tpu.memory_space<hbm>>) dst(%dma_wait3A_220 : memref<2x80xi32, #tpu.memory_space<vmem>>)
      %ge3A = arith.constant 2 : i32
      %ge3A_225 = arith.cmpi sge, %add3A_191, %ge3A : i32
      %convert_element_type3A = arith.extui %ge3A_225 : i1 to i32
      %cond3A = arith.constant 0 : i32
      %cond3A_226 = arith.cmpi ne, %convert_element_type3A, %cond3A : i32
      scf.if %cond3A_226 {
        %dma_wait3A_264 = arith.constant 1 : i32
        %dma_wait3A_265 = arith.constant 0 : i32
        %dma_wait3A_266 = arith.constant 0 : i32
        %dma_wait3A_267 = tpu.memref_slice %arg6[%rem3A_196, %dma_wait3A_265, %dma_wait3A_266] : memref<3x80x128xf32, #tpu.memory_space<vmem>> -> memref<1x80x128xf32, #tpu.memory_space<vmem>>
        %dma_wait3A_268 = tpu.memref_squeeze %dma_wait3A_267 : memref<1x80x128xf32, #tpu.memory_space<vmem>> -> memref<80x128xf32, #tpu.memory_space<vmem>>
        %dma_wait3A_269 = arith.constant 0 : i32
        %dma_wait3A_270 = tpu.memref_slice %arg5[%rem3A_206, %dma_wait3A_264, %dma_wait3A_269] : memref<4x2x80xi32, #tpu.memory_space<vmem>> -> memref<1x1x80xi32, #tpu.memory_space<vmem>>
        %dma_wait3A_271 = tpu.memref_squeeze %dma_wait3A_270 : memref<1x1x80xi32, #tpu.memory_space<vmem>> -> memref<80xi32, #tpu.memory_space<vmem>>
        %dma_wait3A_272 = arith.constant 0 : i32
        %dma_wait3A_273 = arith.constant 0 : i32
        %dma_wait3A_274 = tpu.memref_slice %arg7[%dma_wait3A_272, %dma_wait3A_273] : memref<10000x128xf32, #tpu.memory_space<vmem_shared>> -> memref<10000x128xf32, #tpu.memory_space<vmem_shared>>
        tpu.wait_indirect_dma semaphore(%arg10 : memref<!tpu.dma_semaphore, #tpu.memory_space<semaphore_mem>>) src(%dma_wait3A_268 : memref<80x128xf32, #tpu.memory_space<vmem>>) dst(%dma_wait3A_274 : memref<10000x128xf32, #tpu.memory_space<vmem_shared>>)
      } else {
      }
      %dma_start3A_227 = arith.constant 0 : i32
      %dma_start3A_228 = arith.constant 0 : i32
      %dma_start3A_229 = arith.constant 0 : i32
      %dma_start3A_230 = tpu.memref_slice %arg6[%rem3A_196, %dma_start3A_228, %dma_start3A_229] : memref<3x80x128xf32, #tpu.memory_space<vmem>> -> memref<1x80x128xf32, #tpu.memory_space<vmem>>
      %dma_start3A_231 = tpu.memref_squeeze %dma_start3A_230 : memref<1x80x128xf32, #tpu.memory_space<vmem>> -> memref<80x128xf32, #tpu.memory_space<vmem>>
      %dma_start3A_232 = arith.constant 0 : i32
      %dma_start3A_233 = tpu.memref_slice %arg5[%rem3A_202, %dma_start3A_227, %dma_start3A_232] : memref<4x2x80xi32, #tpu.memory_space<vmem>> -> memref<1x1x80xi32, #tpu.memory_space<vmem>>
      %dma_start3A_234 = tpu.memref_squeeze %dma_start3A_233 : memref<1x1x80xi32, #tpu.memory_space<vmem>> -> memref<80xi32, #tpu.memory_space<vmem>>
      %dma_start3A_235 = arith.constant 0 : i32
      %dma_start3A_236 = arith.constant 0 : i32
      %dma_start3A_237 = tpu.memref_slice %arg2[%dma_start3A_235, %dma_start3A_236] : memref<10000x128xf32, #tpu.memory_space<hbm>> -> memref<10000x128xf32, #tpu.memory_space<hbm>>
      tpu.enqueue_indirect_dma source(%dma_start3A_237 : memref<10000x128xf32, #tpu.memory_space<hbm>>) target(%dma_start3A_231 : memref<80x128xf32, #tpu.memory_space<vmem>>) offsets(%dma_start3A_234 : memref<80xi32, #tpu.memory_space<vmem>>) semaphore(%arg9 : memref<!tpu.dma_semaphore, #tpu.memory_space<semaphore_mem>>)
      %dma_wait3A_238 = arith.constant 0 : i32
      %dma_wait3A_239 = arith.constant 0 : i32
      %dma_wait3A_240 = arith.constant 0 : i32
      %dma_wait3A_241 = tpu.memref_slice %arg6[%rem3A_192, %dma_wait3A_239, %dma_wait3A_240] : memref<3x80x128xf32, #tpu.memory_space<vmem>> -> memref<1x80x128xf32, #tpu.memory_space<vmem>>
      %dma_wait3A_242 = tpu.memref_squeeze %dma_wait3A_241 : memref<1x80x128xf32, #tpu.memory_space<vmem>> -> memref<80x128xf32, #tpu.memory_space<vmem>>
      %dma_wait3A_243 = arith.constant 0 : i32
      %dma_wait3A_244 = tpu.memref_slice %arg5[%rem3A_198, %dma_wait3A_238, %dma_wait3A_243] : memref<4x2x80xi32, #tpu.memory_space<vmem>> -> memref<1x1x80xi32, #tpu.memory_space<vmem>>
      %dma_wait3A_245 = tpu.memref_squeeze %dma_wait3A_244 : memref<1x1x80xi32, #tpu.memory_space<vmem>> -> memref<80xi32, #tpu.memory_space<vmem>>
      %dma_wait3A_246 = arith.constant 0 : i32
      %dma_wait3A_247 = arith.constant 0 : i32
      %dma_wait3A_248 = tpu.memref_slice %arg2[%dma_wait3A_246, %dma_wait3A_247] : memref<10000x128xf32, #tpu.memory_space<hbm>> -> memref<10000x128xf32, #tpu.memory_space<hbm>>
      tpu.wait_indirect_dma semaphore(%arg9 : memref<!tpu.dma_semaphore, #tpu.memory_space<semaphore_mem>>) src(%dma_wait3A_248 : memref<10000x128xf32, #tpu.memory_space<hbm>>) dst(%dma_wait3A_242 : memref<80x128xf32, #tpu.memory_space<vmem>>)
      %dma_start3A_249 = arith.constant 1 : i32
      %dma_start3A_250 = arith.constant 0 : i32
      %dma_start3A_251 = arith.constant 0 : i32
      %dma_start3A_252 = tpu.memref_slice %arg6[%rem3A_192, %dma_start3A_250, %dma_start3A_251] : memref<3x80x128xf32, #tpu.memory_space<vmem>> -> memref<1x80x128xf32, #tpu.memory_space<vmem>>
      %dma_start3A_253 = tpu.memref_squeeze %dma_start3A_252 : memref<1x80x128xf32, #tpu.memory_space<vmem>> -> memref<80x128xf32, #tpu.memory_space<vmem>>
      %dma_start3A_254 = arith.constant 0 : i32
      %dma_start3A_255 = tpu.memref_slice %arg5[%rem3A_198, %dma_start3A_249, %dma_start3A_254] : memref<4x2x80xi32, #tpu.memory_space<vmem>> -> memref<1x1x80xi32, #tpu.memory_space<vmem>>
      %dma_start3A_256 = tpu.memref_squeeze %dma_start3A_255 : memref<1x1x80xi32, #tpu.memory_space<vmem>> -> memref<80xi32, #tpu.memory_space<vmem>>
      %dma_start3A_257 = arith.constant 0 : i32
      %dma_start3A_258 = arith.constant 0 : i32
      %dma_start3A_259 = tpu.memref_slice %arg7[%dma_start3A_257, %dma_start3A_258] : memref<10000x128xf32, #tpu.memory_space<vmem_shared>> -> memref<10000x128xf32, #tpu.memory_space<vmem_shared>>
      tpu.enqueue_indirect_dma source(%dma_start3A_253 : memref<80x128xf32, #tpu.memory_space<vmem>>) target(%dma_start3A_259 : memref<10000x128xf32, #tpu.memory_space<vmem_shared>>) offsets(%dma_start3A_256 : memref<80xi32, #tpu.memory_space<vmem>>) semaphore(%arg10 : memref<!tpu.dma_semaphore, #tpu.memory_space<semaphore_mem>>) {add = true}
      %lt3A = arith.constant 123 : i32
      %lt3A_260 = arith.cmpi slt, %add3A_191, %lt3A : i32
      %convert_element_type3A_261 = arith.extui %lt3A_260 : i1 to i32
      %cond3A_262 = arith.constant 0 : i32
      %cond3A_263 = arith.cmpi ne, %convert_element_type3A_261, %cond3A_262 : i32
      scf.if %cond3A_263 {
        %add3A_264 = arith.constant 2 : i32
        %add3A_265 = arith.addi %add3A_191, %add3A_264 : i32
        %dma_start3A_266 = arith.constant 0 : i32
        %dma_start3A_267 = arith.constant 0 : i32
        %dma_start3A_268 = tpu.memref_slice %arg5[%rem3A_206, %dma_start3A_266, %dma_start3A_267] : memref<4x2x80xi32, #tpu.memory_space<vmem>> -> memref<1x2x80xi32, #tpu.memory_space<vmem>>
        %dma_start3A_269 = tpu.memref_squeeze %dma_start3A_268 : memref<1x2x80xi32, #tpu.memory_space<vmem>> -> memref<2x80xi32, #tpu.memory_space<vmem>>
        %dma_start3A_270 = arith.constant 0 : i32
        %dma_start3A_271 = arith.constant 0 : i32
        %dma_start3A_272 = tpu.memref_slice %arg3[%add3A, %add3A_265, %dma_start3A_270, %dma_start3A_271] : memref<32x125x2x80xi32, #tpu.memory_space<hbm>> -> memref<1x1x2x80xi32, #tpu.memory_space<hbm>>
        %dma_start3A_273 = tpu.memref_squeeze %dma_start3A_272 : memref<1x1x2x80xi32, #tpu.memory_space<hbm>> -> memref<2x80xi32, #tpu.memory_space<hbm>>
        %dma_start3A_274 = arith.constant 0 : i32
        %dma_start3A_275 = arith.constant 0 : i32
        %dma_start3A_276 = tpu.memref_slice %arg5[%rem3A_206, %dma_start3A_274, %dma_start3A_275] : memref<4x2x80xi32, #tpu.memory_space<vmem>> -> memref<1x2x80xi32, #tpu.memory_space<vmem>>
        %dma_start3A_277 = tpu.memref_squeeze %dma_start3A_276 : memref<1x2x80xi32, #tpu.memory_space<vmem>> -> memref<2x80xi32, #tpu.memory_space<vmem>>
        %dma_start3A_278 = arith.constant 0 : i32
        %dma_start3A_279 = arith.constant 0 : i32
        %dma_start3A_280 = tpu.memref_slice %arg3[%add3A, %add3A_265, %dma_start3A_278, %dma_start3A_279] : memref<32x125x2x80xi32, #tpu.memory_space<hbm>> -> memref<1x1x2x80xi32, #tpu.memory_space<hbm>>
        %dma_start3A_281 = tpu.memref_squeeze %dma_start3A_280 : memref<1x1x2x80xi32, #tpu.memory_space<hbm>> -> memref<2x80xi32, #tpu.memory_space<hbm>>
        tpu.enqueue_dma source(%dma_start3A_281 : memref<2x80xi32, #tpu.memory_space<hbm>>) target(%dma_start3A_277 : memref<2x80xi32, #tpu.memory_space<vmem>>) target_semaphore(%arg8 : memref<!tpu.dma_semaphore, #tpu.memory_space<semaphore_mem>>)
      } else {
      }
    }
    %scan3A_108 = arith.constant 124 : i32
    %dma_wait3A_109 = arith.constant 0 : i32
    %dma_wait3A_110 = arith.constant 0 : i32
    %dma_wait3A_111 = arith.constant 1 : i32
    %dma_wait3A_112 = arith.constant 0 : i32
    %dma_wait3A_113 = arith.constant 0 : i32
    %dma_wait3A_114 = tpu.memref_slice %arg6[%dma_wait3A_109, %dma_wait3A_112, %dma_wait3A_113] : memref<3x80x128xf32, #tpu.memory_space<vmem>> -> memref<1x80x128xf32, #tpu.memory_space<vmem>>
    %dma_wait3A_115 = tpu.memref_squeeze %dma_wait3A_114 : memref<1x80x128xf32, #tpu.memory_space<vmem>> -> memref<80x128xf32, #tpu.memory_space<vmem>>
    %dma_wait3A_116 = arith.constant 0 : i32
    %dma_wait3A_117 = tpu.memref_slice %arg5[%dma_wait3A_110, %dma_wait3A_111, %dma_wait3A_116] : memref<4x2x80xi32, #tpu.memory_space<vmem>> -> memref<1x1x80xi32, #tpu.memory_space<vmem>>
    %dma_wait3A_118 = tpu.memref_squeeze %dma_wait3A_117 : memref<1x1x80xi32, #tpu.memory_space<vmem>> -> memref<80xi32, #tpu.memory_space<vmem>>
    %dma_wait3A_119 = arith.constant 0 : i32
    %dma_wait3A_120 = arith.constant 0 : i32
    %dma_wait3A_121 = tpu.memref_slice %arg7[%dma_wait3A_119, %dma_wait3A_120] : memref<10000x128xf32, #tpu.memory_space<vmem_shared>> -> memref<10000x128xf32, #tpu.memory_space<vmem_shared>>
    tpu.wait_indirect_dma semaphore(%arg10 : memref<!tpu.dma_semaphore, #tpu.memory_space<semaphore_mem>>) src(%dma_wait3A_115 : memref<80x128xf32, #tpu.memory_space<vmem>>) dst(%dma_wait3A_121 : memref<10000x128xf32, #tpu.memory_space<vmem_shared>>)
    %dma_wait3A_122 = arith.constant 0 : i32
    %dma_wait3A_123 = arith.constant 0 : i32
    %dma_wait3A_124 = arith.constant 1 : i32
    %dma_wait3A_125 = arith.constant 0 : i32
    %dma_wait3A_126 = arith.constant 0 : i32
    %dma_wait3A_127 = tpu.memref_slice %arg6[%dma_wait3A_122, %dma_wait3A_125, %dma_wait3A_126] : memref<3x80x128xf32, #tpu.memory_space<vmem>> -> memref<1x80x128xf32, #tpu.memory_space<vmem>>
    %dma_wait3A_128 = tpu.memref_squeeze %dma_wait3A_127 : memref<1x80x128xf32, #tpu.memory_space<vmem>> -> memref<80x128xf32, #tpu.memory_space<vmem>>
    %dma_wait3A_129 = arith.constant 0 : i32
    %dma_wait3A_130 = tpu.memref_slice %arg5[%dma_wait3A_123, %dma_wait3A_124, %dma_wait3A_129] : memref<4x2x80xi32, #tpu.memory_space<vmem>> -> memref<1x1x80xi32, #tpu.memory_space<vmem>>
    %dma_wait3A_131 = tpu.memref_squeeze %dma_wait3A_130 : memref<1x1x80xi32, #tpu.memory_space<vmem>> -> memref<80xi32, #tpu.memory_space<vmem>>
    %dma_wait3A_132 = arith.constant 0 : i32
    %dma_wait3A_133 = arith.constant 0 : i32
    %dma_wait3A_134 = tpu.memref_slice %arg7[%dma_wait3A_132, %dma_wait3A_133] : memref<10000x128xf32, #tpu.memory_space<vmem_shared>> -> memref<10000x128xf32, #tpu.memory_space<vmem_shared>>
    tpu.wait_indirect_dma semaphore(%arg10 : memref<!tpu.dma_semaphore, #tpu.memory_space<semaphore_mem>>) src(%dma_wait3A_128 : memref<80x128xf32, #tpu.memory_space<vmem>>) dst(%dma_wait3A_134 : memref<10000x128xf32, #tpu.memory_space<vmem_shared>>)
    %dma_wait3A_135 = arith.constant 0 : i32
    %dma_wait3A_136 = arith.constant 0 : i32
    %dma_wait3A_137 = arith.constant 1 : i32
    %dma_wait3A_138 = arith.constant 0 : i32
    %dma_wait3A_139 = arith.constant 0 : i32
    %dma_wait3A_140 = tpu.memref_slice %arg6[%dma_wait3A_137, %dma_wait3A_138, %dma_wait3A_139] : memref<3x80x128xf32, #tpu.memory_space<vmem>> -> memref<1x80x128xf32, #tpu.memory_space<vmem>>
    %dma_wait3A_141 = tpu.memref_squeeze %dma_wait3A_140 : memref<1x80x128xf32, #tpu.memory_space<vmem>> -> memref<80x128xf32, #tpu.memory_space<vmem>>
    %dma_wait3A_142 = arith.constant 0 : i32
    %dma_wait3A_143 = tpu.memref_slice %arg5[%dma_wait3A_135, %dma_wait3A_136, %dma_wait3A_142] : memref<4x2x80xi32, #tpu.memory_space<vmem>> -> memref<1x1x80xi32, #tpu.memory_space<vmem>>
    %dma_wait3A_144 = tpu.memref_squeeze %dma_wait3A_143 : memref<1x1x80xi32, #tpu.memory_space<vmem>> -> memref<80xi32, #tpu.memory_space<vmem>>
    %dma_wait3A_145 = arith.constant 0 : i32
    %dma_wait3A_146 = arith.constant 0 : i32
    %dma_wait3A_147 = tpu.memref_slice %arg2[%dma_wait3A_145, %dma_wait3A_146] : memref<10000x128xf32, #tpu.memory_space<hbm>> -> memref<10000x128xf32, #tpu.memory_space<hbm>>
    tpu.wait_indirect_dma semaphore(%arg9 : memref<!tpu.dma_semaphore, #tpu.memory_space<semaphore_mem>>) src(%dma_wait3A_147 : memref<10000x128xf32, #tpu.memory_space<hbm>>) dst(%dma_wait3A_141 : memref<80x128xf32, #tpu.memory_space<vmem>>)
    %run_scoped3A = arith.constant 1 : i32
    %run_scoped3A_148 = arith.constant 0 : i32
    %run_scoped3A_149 = arith.constant 1 : i32
    "tpu.region"() ({
      %run_scoped3A_187 = tpu.sem_alloc : memref<!tpu.dma_semaphore, #tpu.memory_space<semaphore_mem>>
      %dma_start3A_188 = arith.constant 0 : i32
      %dma_start3A_189 = arith.constant 0 : i32
      %dma_start3A_190 = tpu.memref_slice %arg6[%run_scoped3A, %dma_start3A_188, %dma_start3A_189] : memref<3x80x128xf32, #tpu.memory_space<vmem>> -> memref<1x80x128xf32, #tpu.memory_space<vmem>>
      %dma_start3A_191 = tpu.memref_squeeze %dma_start3A_190 : memref<1x80x128xf32, #tpu.memory_space<vmem>> -> memref<80x128xf32, #tpu.memory_space<vmem>>
      %dma_start3A_192 = arith.constant 0 : i32
      %dma_start3A_193 = tpu.memref_slice %arg5[%run_scoped3A_148, %run_scoped3A_149, %dma_start3A_192] : memref<4x2x80xi32, #tpu.memory_space<vmem>> -> memref<1x1x80xi32, #tpu.memory_space<vmem>>
      %dma_start3A_194 = tpu.memref_squeeze %dma_start3A_193 : memref<1x1x80xi32, #tpu.memory_space<vmem>> -> memref<80xi32, #tpu.memory_space<vmem>>
      %dma_start3A_195 = arith.constant 0 : i32
      %dma_start3A_196 = arith.constant 0 : i32
      %dma_start3A_197 = tpu.memref_slice %arg7[%dma_start3A_195, %dma_start3A_196] : memref<10000x128xf32, #tpu.memory_space<vmem_shared>> -> memref<10000x128xf32, #tpu.memory_space<vmem_shared>>
      tpu.enqueue_indirect_dma source(%dma_start3A_191 : memref<80x128xf32, #tpu.memory_space<vmem>>) target(%dma_start3A_197 : memref<10000x128xf32, #tpu.memory_space<vmem_shared>>) offsets(%dma_start3A_194 : memref<80xi32, #tpu.memory_space<vmem>>) semaphore(%run_scoped3A_187 : memref<!tpu.dma_semaphore, #tpu.memory_space<semaphore_mem>>) {add = true}
      %dma_wait3A_198 = arith.constant 0 : i32
      %dma_wait3A_199 = arith.constant 0 : i32
      %dma_wait3A_200 = tpu.memref_slice %arg6[%run_scoped3A, %dma_wait3A_198, %dma_wait3A_199] : memref<3x80x128xf32, #tpu.memory_space<vmem>> -> memref<1x80x128xf32, #tpu.memory_space<vmem>>
      %dma_wait3A_201 = tpu.memref_squeeze %dma_wait3A_200 : memref<1x80x128xf32, #tpu.memory_space<vmem>> -> memref<80x128xf32, #tpu.memory_space<vmem>>
      %dma_wait3A_202 = arith.constant 0 : i32
      %dma_wait3A_203 = tpu.memref_slice %arg5[%run_scoped3A_148, %run_scoped3A_149, %dma_wait3A_202] : memref<4x2x80xi32, #tpu.memory_space<vmem>> -> memref<1x1x80xi32, #tpu.memory_space<vmem>>
      %dma_wait3A_204 = tpu.memref_squeeze %dma_wait3A_203 : memref<1x1x80xi32, #tpu.memory_space<vmem>> -> memref<80xi32, #tpu.memory_space<vmem>>
      %dma_wait3A_205 = arith.constant 0 : i32
      %dma_wait3A_206 = arith.constant 0 : i32
      %dma_wait3A_207 = tpu.memref_slice %arg7[%dma_wait3A_205, %dma_wait3A_206] : memref<10000x128xf32, #tpu.memory_space<vmem_shared>> -> memref<10000x128xf32, #tpu.memory_space<vmem_shared>>
      tpu.wait_indirect_dma semaphore(%run_scoped3A_187 : memref<!tpu.dma_semaphore, #tpu.memory_space<semaphore_mem>>) src(%dma_wait3A_201 : memref<80x128xf32, #tpu.memory_space<vmem>>) dst(%dma_wait3A_207 : memref<10000x128xf32, #tpu.memory_space<vmem_shared>>)
      tpu.yield
    }) : () -> ()
    %barrier3A_150 = arith.constant 0 : index
    tpu.barrier barrier_id(%barrier3A_150)
    %sub3A_151 = arith.constant 125 : i32
    %sub3A_152 = arith.subi %sub3A_151, %arg1 : i32
    %sub3A_153 = arith.constant 16 : i32
    %sub3A_154 = arith.constant 1 : i32
    %sub3A_155 = arith.subi %sub3A_153, %sub3A_154 : i32
    %add3A_156 = arith.addi %sub3A_152, %sub3A_155 : i32
    %div3A_157 = arith.constant 16 : i32
    %div3A_158 = arith.divsi %add3A_156, %div3A_157 : i32
    %while3A_159 = arith.constant 16 : i32
    %while3A_160 = arith.constant 0 : i32
    %while3A_161 = arith.subi %div3A_158, %while3A_160 : i32
    %while3A_162 = arith.addi %while3A_160, %while3A_161 : i32
    %while3A_163 = arith.constant 1 : i32
    %while3A_164 = arith.divsi %while3A_161, %while3A_163 : i32
    %while3A_165 = arith.muli %while3A_164, %while3A_163 : i32
    %while3A_166 = arith.addi %while3A_160, %while3A_165 : i32
    %while3A_167 = arith.constant 1 : i32
    scf.for %while3A_187 = %while3A_160 to %while3A_166 step %while3A_167  : i32 {
      %mul3A_188 = arith.muli %while3A_187, %while3A_159 : i32
      %add3A_189 = arith.addi %arg1, %mul3A_188 : i32
      %mul3A_190 = arith.constant 80 : i32
      %mul3A_191 = arith.muli %add3A_189, %mul3A_190 : i32
      %dma_start3A_192 = arith.constant 0 : i32
      %dma_start3A_193 = tpu.memref_slice %arg4[%arg0, %mul3A_191, %dma_start3A_192] : memref<2x10000x128xf32, #tpu.memory_space<hbm>> -> memref<1x80x128xf32, #tpu.memory_space<hbm>>
      %dma_start3A_194 = tpu.memref_squeeze %dma_start3A_193 : memref<1x80x128xf32, #tpu.memory_space<hbm>> -> memref<80x128xf32, #tpu.memory_space<hbm>>
      %dma_start3A_195 = arith.constant 0 : i32
      %dma_start3A_196 = tpu.memref_slice %arg7[%mul3A_191, %dma_start3A_195] : memref<10000x128xf32, #tpu.memory_space<vmem_shared>> -> memref<80x128xf32, #tpu.memory_space<vmem_shared>>
      tpu.enqueue_dma source(%dma_start3A_196 : memref<80x128xf32, #tpu.memory_space<vmem_shared>>) target(%dma_start3A_194 : memref<80x128xf32, #tpu.memory_space<hbm>>) target_semaphore(%arg9 : memref<!tpu.dma_semaphore, #tpu.memory_space<semaphore_mem>>)
    }
    %while3A_168 = arith.constant 1 : i32
    scf.for %while3A_187 = %while3A_166 to %while3A_162 step %while3A_168  : i32 {
      %mul3A_188 = arith.muli %while3A_187, %while3A_159 : i32
      %add3A_189 = arith.addi %arg1, %mul3A_188 : i32
      %mul3A_190 = arith.constant 80 : i32
      %mul3A_191 = arith.muli %add3A_189, %mul3A_190 : i32
      %dma_start3A_192 = arith.constant 0 : i32
      %dma_start3A_193 = tpu.memref_slice %arg4[%arg0, %mul3A_191, %dma_start3A_192] : memref<2x10000x128xf32, #tpu.memory_space<hbm>> -> memref<1x80x128xf32, #tpu.memory_space<hbm>>
      %dma_start3A_194 = tpu.memref_squeeze %dma_start3A_193 : memref<1x80x128xf32, #tpu.memory_space<hbm>> -> memref<80x128xf32, #tpu.memory_space<hbm>>
      %dma_start3A_195 = arith.constant 0 : i32
      %dma_start3A_196 = tpu.memref_slice %arg7[%mul3A_191, %dma_start3A_195] : memref<10000x128xf32, #tpu.memory_space<vmem_shared>> -> memref<80x128xf32, #tpu.memory_space<vmem_shared>>
      tpu.enqueue_dma source(%dma_start3A_196 : memref<80x128xf32, #tpu.memory_space<vmem_shared>>) target(%dma_start3A_194 : memref<80x128xf32, #tpu.memory_space<hbm>>) target_semaphore(%arg9 : memref<!tpu.dma_semaphore, #tpu.memory_space<semaphore_mem>>)
    }
    %sub3A_169 = arith.constant 125 : i32
    %sub3A_170 = arith.subi %sub3A_169, %arg1 : i32
    %sub3A_171 = arith.constant 16 : i32
    %sub3A_172 = arith.constant 1 : i32
    %sub3A_173 = arith.subi %sub3A_171, %sub3A_172 : i32
    %add3A_174 = arith.addi %sub3A_170, %sub3A_173 : i32
    %div3A_175 = arith.constant 16 : i32
    %div3A_176 = arith.divsi %add3A_174, %div3A_175 : i32
    %while3A_177 = arith.constant 16 : i32
    %while3A_178 = arith.constant 0 : i32
    %while3A_179 = arith.subi %div3A_176, %while3A_178 : i32
    %while3A_180 = arith.addi %while3A_178, %while3A_179 : i32
    %while3A_181 = arith.constant 1 : i32
    %while3A_182 = arith.divsi %while3A_179, %while3A_181 : i32
    %while3A_183 = arith.muli %while3A_182, %while3A_181 : i32
    %while3A_184 = arith.addi %while3A_178, %while3A_183 : i32
    %while3A_185 = arith.constant 1 : i32
    scf.for %while3A_187 = %while3A_178 to %while3A_184 step %while3A_185  : i32 {
      %mul3A_188 = arith.muli %while3A_187, %while3A_177 : i32
      %add3A_189 = arith.addi %arg1, %mul3A_188 : i32
      %mul3A_190 = arith.constant 80 : i32
      %mul3A_191 = arith.muli %add3A_189, %mul3A_190 : i32
      %dma_wait3A_192 = arith.constant 0 : i32
      %dma_wait3A_193 = tpu.memref_slice %arg4[%arg0, %mul3A_191, %dma_wait3A_192] : memref<2x10000x128xf32, #tpu.memory_space<hbm>> -> memref<1x80x128xf32, #tpu.memory_space<hbm>>
      %dma_wait3A_194 = tpu.memref_squeeze %dma_wait3A_193 : memref<1x80x128xf32, #tpu.memory_space<hbm>> -> memref<80x128xf32, #tpu.memory_space<hbm>>
      %dma_wait3A_195 = arith.constant 0 : i32
      %dma_wait3A_196 = tpu.memref_slice %arg7[%mul3A_191, %dma_wait3A_195] : memref<10000x128xf32, #tpu.memory_space<vmem_shared>> -> memref<80x128xf32, #tpu.memory_space<vmem_shared>>
      tpu.wait_dma2 semaphore(%arg9 : memref<!tpu.dma_semaphore, #tpu.memory_space<semaphore_mem>>) src(%dma_wait3A_196 : memref<80x128xf32, #tpu.memory_space<vmem_shared>>) dst(%dma_wait3A_194 : memref<80x128xf32, #tpu.memory_space<hbm>>)
    }
    %while3A_186 = arith.constant 1 : i32
    scf.for %while3A_187 = %while3A_184 to %while3A_180 step %while3A_186  : i32 {
      %mul3A_188 = arith.muli %while3A_187, %while3A_177 : i32
      %add3A_189 = arith.addi %arg1, %mul3A_188 : i32
      %mul3A_190 = arith.constant 80 : i32
      %mul3A_191 = arith.muli %add3A_189, %mul3A_190 : i32
      %dma_wait3A_192 = arith.constant 0 : i32
      %dma_wait3A_193 = tpu.memref_slice %arg4[%arg0, %mul3A_191, %dma_wait3A_192] : memref<2x10000x128xf32, #tpu.memory_space<hbm>> -> memref<1x80x128xf32, #tpu.memory_space<hbm>>
      %dma_wait3A_194 = tpu.memref_squeeze %dma_wait3A_193 : memref<1x80x128xf32, #tpu.memory_space<hbm>> -> memref<80x128xf32, #tpu.memory_space<hbm>>
      %dma_wait3A_195 = arith.constant 0 : i32
      %dma_wait3A_196 = tpu.memref_slice %arg7[%mul3A_191, %dma_wait3A_195] : memref<10000x128xf32, #tpu.memory_space<vmem_shared>> -> memref<80x128xf32, #tpu.memory_space<vmem_shared>>
      tpu.wait_dma2 semaphore(%arg9 : memref<!tpu.dma_semaphore, #tpu.memory_space<semaphore_mem>>) src(%dma_wait3A_196 : memref<80x128xf32, #tpu.memory_space<vmem_shared>>) dst(%dma_wait3A_194 : memref<80x128xf32, #tpu.memory_space<hbm>>)
    }
    return
  }
}

#map = affine_map<(d0, d1) -> (0, 0)>
#map1 = affine_map<(d0, d1) -> (0, 0, 0, 0)>
#map2 = affine_map<(d0, d1) -> (0, 0, 0)>
module attributes {stable_mosaic.version = 14 : i64} {
  func.func @_spmm_body(%arg0: i32, %arg1: i32, %arg2: memref<10000x128xf32, #tpu.memory_space<hbm>>, %arg3: memref<32x125x2x80xi32, #tpu.memory_space<hbm>>, %arg4: memref<2x10000x128xf32, #tpu.memory_space<hbm>>, %arg5: memref<4x2x80xi32, #tpu.memory_space<vmem>>, %arg6: memref<3x80x128xf32, #tpu.memory_space<vmem>>, %arg7: memref<10000x128xf32, #tpu.memory_space<vmem_shared>>, %arg8: memref<!tpu.dma_semaphore, #tpu.memory_space<semaphore_mem>>, %arg9: memref<!tpu.dma_semaphore, #tpu.memory_space<semaphore_mem>>, %arg10: memref<!tpu.dma_semaphore, #tpu.memory_space<semaphore_mem>>) attributes {dimension_semantics = [#tpu.dimension_semantics<core_parallel>, #tpu.dimension_semantics<subcore_parallel>], iteration_bounds = array<i64: 2, 16>, scalar_prefetch = 0 : i64, scratch_operands = 6 : i64, tpu.core_type = #tpu.core_type<sc_vector_subcore>, window_params = [{transform_indices = #map}, {transform_indices = #map1}, {transform_indices = #map2}]} {
    %mul3A = arith.constant 16 : i32
    %mul3A_0 = arith.muli %arg0, %mul3A : i32
    %add3A = arith.addi %mul3A_0, %arg1 : i32
    %broadcast_in_dim3A = arith.constant 0.000000e+00 : f32
    %broadcast_in_dim3A_1 = vector.broadcast %broadcast_in_dim3A : f32 to vector<16xf32>
    %dma_start3A = arith.constant 0 : i32
    %dma_start3A_2 = arith.constant 0 : i32
    %dma_start3A_3 = arith.constant 0 : i32
    %dma_start3A_4 = arith.constant 0 : i32
    %dma_start3A_5 = tpu.memref_slice %arg5[%dma_start3A_2, %dma_start3A_3, %dma_start3A_4] : memref<4x2x80xi32, #tpu.memory_space<vmem>> -> memref<1x2x80xi32, #tpu.memory_space<vmem>>
    %dma_start3A_6 = tpu.memref_squeeze %dma_start3A_5 : memref<1x2x80xi32, #tpu.memory_space<vmem>> -> memref<2x80xi32, #tpu.memory_space<vmem>>
    %dma_start3A_7 = arith.constant 0 : i32
    %dma_start3A_8 = arith.constant 0 : i32
    %dma_start3A_9 = tpu.memref_slice %arg3[%add3A, %dma_start3A, %dma_start3A_7, %dma_start3A_8] : memref<32x125x2x80xi32, #tpu.memory_space<hbm>> -> memref<1x1x2x80xi32, #tpu.memory_space<hbm>>
    %dma_start3A_10 = tpu.memref_squeeze %dma_start3A_9 : memref<1x1x2x80xi32, #tpu.memory_space<hbm>> -> memref<2x80xi32, #tpu.memory_space<hbm>>
    %dma_start3A_11 = arith.constant 0 : i32
    %dma_start3A_12 = arith.constant 0 : i32
    %dma_start3A_13 = tpu.memref_slice %arg5[%dma_start3A_2, %dma_start3A_11, %dma_start3A_12] : memref<4x2x80xi32, #tpu.memory_space<vmem>> -> memref<1x2x80xi32, #tpu.memory_space<vmem>>
    %dma_start3A_14 = tpu.memref_squeeze %dma_start3A_13 : memref<1x2x80xi32, #tpu.memory_space<vmem>> -> memref<2x80xi32, #tpu.memory_space<vmem>>
    %dma_start3A_15 = arith.constant 0 : i32
    %dma_start3A_16 = arith.constant 0 : i32
    %dma_start3A_17 = tpu.memref_slice %arg3[%add3A, %dma_start3A, %dma_start3A_15, %dma_start3A_16] : memref<32x125x2x80xi32, #tpu.memory_space<hbm>> -> memref<1x1x2x80xi32, #tpu.memory_space<hbm>>
    %dma_start3A_18 = tpu.memref_squeeze %dma_start3A_17 : memref<1x1x2x80xi32, #tpu.memory_space<hbm>> -> memref<2x80xi32, #tpu.memory_space<hbm>>
    tpu.enqueue_dma source(%dma_start3A_18 : memref<2x80xi32, #tpu.memory_space<hbm>>) target(%dma_start3A_14 : memref<2x80xi32, #tpu.memory_space<vmem>>) target_semaphore(%arg8 : memref<!tpu.dma_semaphore, #tpu.memory_space<semaphore_mem>>)
    %dma_start3A_19 = arith.constant 1 : i32
    %dma_start3A_20 = arith.constant 1 : i32
    %dma_start3A_21 = arith.constant 0 : i32
    %dma_start3A_22 = arith.constant 0 : i32
    %dma_start3A_23 = tpu.memref_slice %arg5[%dma_start3A_20, %dma_start3A_21, %dma_start3A_22] : memref<4x2x80xi32, #tpu.memory_space<vmem>> -> memref<1x2x80xi32, #tpu.memory_space<vmem>>
    %dma_start3A_24 = tpu.memref_squeeze %dma_start3A_23 : memref<1x2x80xi32, #tpu.memory_space<vmem>> -> memref<2x80xi32, #tpu.memory_space<vmem>>
    %dma_start3A_25 = arith.constant 0 : i32
    %dma_start3A_26 = arith.constant 0 : i32
    %dma_start3A_27 = tpu.memref_slice %arg3[%add3A, %dma_start3A_19, %dma_start3A_25, %dma_start3A_26] : memref<32x125x2x80xi32, #tpu.memory_space<hbm>> -> memref<1x1x2x80xi32, #tpu.memory_space<hbm>>
    %dma_start3A_28 = tpu.memref_squeeze %dma_start3A_27 : memref<1x1x2x80xi32, #tpu.memory_space<hbm>> -> memref<2x80xi32, #tpu.memory_space<hbm>>
    %dma_start3A_29 = arith.constant 0 : i32
    %dma_start3A_30 = arith.constant 0 : i32
    %dma_start3A_31 = tpu.memref_slice %arg5[%dma_start3A_20, %dma_start3A_29, %dma_start3A_30] : memref<4x2x80xi32, #tpu.memory_space<vmem>> -> memref<1x2x80xi32, #tpu.memory_space<vmem>>
    %dma_start3A_32 = tpu.memref_squeeze %dma_start3A_31 : memref<1x2x80xi32, #tpu.memory_space<vmem>> -> memref<2x80xi32, #tpu.memory_space<vmem>>
    %dma_start3A_33 = arith.constant 0 : i32
    %dma_start3A_34 = arith.constant 0 : i32
    %dma_start3A_35 = tpu.memref_slice %arg3[%add3A, %dma_start3A_19, %dma_start3A_33, %dma_start3A_34] : memref<32x125x2x80xi32, #tpu.memory_space<hbm>> -> memref<1x1x2x80xi32, #tpu.memory_space<hbm>>
    %dma_start3A_36 = tpu.memref_squeeze %dma_start3A_35 : memref<1x1x2x80xi32, #tpu.memory_space<hbm>> -> memref<2x80xi32, #tpu.memory_space<hbm>>
    tpu.enqueue_dma source(%dma_start3A_36 : memref<2x80xi32, #tpu.memory_space<hbm>>) target(%dma_start3A_32 : memref<2x80xi32, #tpu.memory_space<vmem>>) target_semaphore(%arg8 : memref<!tpu.dma_semaphore, #tpu.memory_space<semaphore_mem>>)
    %scan3A = arith.constant 0 : i32
    %scan3A_37 = arith.constant 80 : i32
    %scan3A_38 = arith.addi %scan3A, %scan3A_37 : i32
    %scan3A_39 = arith.constant 1 : i32
    scf.for %scan3A_187 = %scan3A to %scan3A_38 step %scan3A_39  : i32 {
      %mul3A_188 = arith.constant 1 : i32
      %mul3A_189 = arith.muli %scan3A_187, %mul3A_188 : i32
      %add3A_190 = arith.constant 0 : i32
      %add3A_191 = arith.addi %add3A_190, %mul3A_189 : i32
      %swap3A = arith.constant 2 : i32
      %swap3A_192 = arith.index_cast %swap3A : i32 to index
      %swap3A_193 = arith.index_cast %add3A_191 : i32 to index
      %swap3A_194 = arith.constant 0 : index
      %swap3A_195 = tpu.vector_load %arg6[%swap3A_192, %swap3A_193, %swap3A_194] {strides = array<i32>} : memref<3x80x128xf32, #tpu.memory_space<vmem>>, vector<1x1x16xf32>,
      %swap3A_196 = vector.shape_cast %swap3A_195 : vector<1x1x16xf32> to vector<16xf32>
      %swap3A_197 = vector.shape_cast %broadcast_in_dim3A_1 : vector<16xf32> to vector<1x1x16xf32>
      tpu.vector_store %arg6[%swap3A_192, %swap3A_193, %swap3A_194], %swap3A_197 {strides = array<i32>} : memref<3x80x128xf32, #tpu.memory_space<vmem>>, vector<1x1x16xf32>,
      %swap3A_198 = arith.constant 2 : i32
      %swap3A_199 = arith.index_cast %swap3A_198 : i32 to index
      %swap3A_200 = arith.index_cast %add3A_191 : i32 to index
      %swap3A_201 = arith.constant 16 : index
      %swap3A_202 = tpu.vector_load %arg6[%swap3A_199, %swap3A_200, %swap3A_201] {strides = array<i32>} : memref<3x80x128xf32, #tpu.memory_space<vmem>>, vector<1x1x16xf32>,
      %swap3A_203 = vector.shape_cast %swap3A_202 : vector<1x1x16xf32> to vector<16xf32>
      %swap3A_204 = vector.shape_cast %broadcast_in_dim3A_1 : vector<16xf32> to vector<1x1x16xf32>
      tpu.vector_store %arg6[%swap3A_199, %swap3A_200, %swap3A_201], %swap3A_204 {strides = array<i32>} : memref<3x80x128xf32, #tpu.memory_space<vmem>>, vector<1x1x16xf32>,
      %swap3A_205 = arith.constant 2 : i32
      %swap3A_206 = arith.index_cast %swap3A_205 : i32 to index
      %swap3A_207 = arith.index_cast %add3A_191 : i32 to index
      %swap3A_208 = arith.constant 32 : index
      %swap3A_209 = tpu.vector_load %arg6[%swap3A_206, %swap3A_207, %swap3A_208] {strides = array<i32>} : memref<3x80x128xf32, #tpu.memory_space<vmem>>, vector<1x1x16xf32>,
      %swap3A_210 = vector.shape_cast %swap3A_209 : vector<1x1x16xf32> to vector<16xf32>
      %swap3A_211 = vector.shape_cast %broadcast_in_dim3A_1 : vector<16xf32> to vector<1x1x16xf32>
      tpu.vector_store %arg6[%swap3A_206, %swap3A_207, %swap3A_208], %swap3A_211 {strides = array<i32>} : memref<3x80x128xf32, #tpu.memory_space<vmem>>, vector<1x1x16xf32>,
      %swap3A_212 = arith.constant 2 : i32
      %swap3A_213 = arith.index_cast %swap3A_212 : i32 to index
      %swap3A_214 = arith.index_cast %add3A_191 : i32 to index
      %swap3A_215 = arith.constant 48 : index
      %swap3A_216 = tpu.vector_load %arg6[%swap3A_213, %swap3A_214, %swap3A_215] {strides = array<i32>} : memref<3x80x128xf32, #tpu.memory_space<vmem>>, vector<1x1x16xf32>,
      %swap3A_217 = vector.shape_cast %swap3A_216 : vector<1x1x16xf32> to vector<16xf32>
      %swap3A_218 = vector.shape_cast %broadcast_in_dim3A_1 : vector<16xf32> to vector<1x1x16xf32>
      tpu.vector_store %arg6[%swap3A_213, %swap3A_214, %swap3A_215], %swap3A_218 {strides = array<i32>} : memref<3x80x128xf32, #tpu.memory_space<vmem>>, vector<1x1x16xf32>,
      %swap3A_219 = arith.constant 2 : i32
      %swap3A_220 = arith.index_cast %swap3A_219 : i32 to index
      %swap3A_221 = arith.index_cast %add3A_191 : i32 to index
      %swap3A_222 = arith.constant 64 : index
      %swap3A_223 = tpu.vector_load %arg6[%swap3A_220, %swap3A_221, %swap3A_222] {strides = array<i32>} : memref<3x80x128xf32, #tpu.memory_space<vmem>>, vector<1x1x16xf32>,
      %swap3A_224 = vector.shape_cast %swap3A_223 : vector<1x1x16xf32> to vector<16xf32>
      %swap3A_225 = vector.shape_cast %broadcast_in_dim3A_1 : vector<16xf32> to vector<1x1x16xf32>
      tpu.vector_store %arg6[%swap3A_220, %swap3A_221, %swap3A_222], %swap3A_225 {strides = array<i32>} : memref<3x80x128xf32, #tpu.memory_space<vmem>>, vector<1x1x16xf32>,
      %swap3A_226 = arith.constant 2 : i32
      %swap3A_227 = arith.index_cast %swap3A_226 : i32 to index
      %swap3A_228 = arith.index_cast %add3A_191 : i32 to index
      %swap3A_229 = arith.constant 80 : index
      %swap3A_230 = tpu.vector_load %arg6[%swap3A_227, %swap3A_228, %swap3A_229] {strides = array<i32>} : memref<3x80x128xf32, #tpu.memory_space<vmem>>, vector<1x1x16xf32>,
      %swap3A_231 = vector.shape_cast %swap3A_230 : vector<1x1x16xf32> to vector<16xf32>
      %swap3A_232 = vector.shape_cast %broadcast_in_dim3A_1 : vector<16xf32> to vector<1x1x16xf32>
      tpu.vector_store %arg6[%swap3A_227, %swap3A_228, %swap3A_229], %swap3A_232 {strides = array<i32>} : memref<3x80x128xf32, #tpu.memory_space<vmem>>, vector<1x1x16xf32>,
      %swap3A_233 = arith.constant 2 : i32
      %swap3A_234 = arith.index_cast %swap3A_233 : i32 to index
      %swap3A_235 = arith.index_cast %add3A_191 : i32 to index
      %swap3A_236 = arith.constant 96 : index
      %swap3A_237 = tpu.vector_load %arg6[%swap3A_234, %swap3A_235, %swap3A_236] {strides = array<i32>} : memref<3x80x128xf32, #tpu.memory_space<vmem>>, vector<1x1x16xf32>,
      %swap3A_238 = vector.shape_cast %swap3A_237 : vector<1x1x16xf32> to vector<16xf32>
      %swap3A_239 = vector.shape_cast %broadcast_in_dim3A_1 : vector<16xf32> to vector<1x1x16xf32>
      tpu.vector_store %arg6[%swap3A_234, %swap3A_235, %swap3A_236], %swap3A_239 {strides = array<i32>} : memref<3x80x128xf32, #tpu.memory_space<vmem>>, vector<1x1x16xf32>,
      %swap3A_240 = arith.constant 2 : i32
      %swap3A_241 = arith.index_cast %swap3A_240 : i32 to index
      %swap3A_242 = arith.index_cast %add3A_191 : i32 to index
      %swap3A_243 = arith.constant 112 : index
      %swap3A_244 = tpu.vector_load %arg6[%swap3A_241, %swap3A_242, %swap3A_243] {strides = array<i32>} : memref<3x80x128xf32, #tpu.memory_space<vmem>>, vector<1x1x16xf32>,
      %swap3A_245 = vector.shape_cast %swap3A_244 : vector<1x1x16xf32> to vector<16xf32>
      %swap3A_246 = vector.shape_cast %broadcast_in_dim3A_1 : vector<16xf32> to vector<1x1x16xf32>
      tpu.vector_store %arg6[%swap3A_241, %swap3A_242, %swap3A_243], %swap3A_246 {strides = array<i32>} : memref<3x80x128xf32, #tpu.memory_space<vmem>>, vector<1x1x16xf32>,
    }
    %scan3A_40 = arith.constant 80 : i32
    %sub3A = arith.constant 125 : i32
    %sub3A_41 = arith.subi %sub3A, %arg1 : i32
    %sub3A_42 = arith.constant 16 : i32
    %sub3A_43 = arith.constant 1 : i32
    %sub3A_44 = arith.subi %sub3A_42, %sub3A_43 : i32
    %add3A_45 = arith.addi %sub3A_41, %sub3A_44 : i32
    %div3A = arith.constant 16 : i32
    %div3A_46 = arith.divsi %add3A_45, %div3A : i32
    %while3A = arith.constant 16 : i32
    %while3A_47 = arith.constant 0 : i32
    %while3A_48 = arith.subi %div3A_46, %while3A_47 : i32
    %while3A_49 = arith.addi %while3A_47, %while3A_48 : i32
    %while3A_50 = arith.constant 1 : i32
    %while3A_51 = arith.divsi %while3A_48, %while3A_50 : i32
    %while3A_52 = arith.muli %while3A_51, %while3A_50 : i32
    %while3A_53 = arith.addi %while3A_47, %while3A_52 : i32
    %while3A_54 = arith.constant 1 : i32
    scf.for %while3A_187 = %while3A_47 to %while3A_53 step %while3A_54  : i32 {
      %mul3A_188 = arith.muli %while3A_187, %while3A : i32
      %add3A_189 = arith.addi %arg1, %mul3A_188 : i32
      %mul3A_190 = arith.constant 80 : i32
      %mul3A_191 = arith.muli %add3A_189, %mul3A_190 : i32
      %dma_start3A_192 = arith.constant 2 : i32
      %dma_start3A_193 = arith.constant 0 : i32
      %dma_start3A_194 = arith.constant 0 : i32
      %dma_start3A_195 = tpu.memref_slice %arg6[%dma_start3A_192, %dma_start3A_193, %dma_start3A_194] : memref<3x80x128xf32, #tpu.memory_space<vmem>> -> memref<1x80x128xf32, #tpu.memory_space<vmem>>
      %dma_start3A_196 = tpu.memref_squeeze %dma_start3A_195 : memref<1x80x128xf32, #tpu.memory_space<vmem>> -> memref<80x128xf32, #tpu.memory_space<vmem>>
      %dma_start3A_197 = arith.constant 0 : i32
      %dma_start3A_198 = tpu.memref_slice %arg7[%mul3A_191, %dma_start3A_197] : memref<10000x128xf32, #tpu.memory_space<vmem_shared>> -> memref<80x128xf32, #tpu.memory_space<vmem_shared>>
      %dma_start3A_199 = arith.constant 0 : i32
      %dma_start3A_200 = tpu.memref_slice %arg7[%mul3A_191, %dma_start3A_199] : memref<10000x128xf32, #tpu.memory_space<vmem_shared>> -> memref<80x128xf32, #tpu.memory_space<vmem_shared>>
      %dma_start3A_201 = arith.constant 0 : i32
      %dma_start3A_202 = arith.constant 0 : i32
      %dma_start3A_203 = tpu.memref_slice %arg6[%dma_start3A_192, %dma_start3A_201, %dma_start3A_202] : memref<3x80x128xf32, #tpu.memory_space<vmem>> -> memref<1x80x128xf32, #tpu.memory_space<vmem>>
      %dma_start3A_204 = tpu.memref_squeeze %dma_start3A_203 : memref<1x80x128xf32, #tpu.memory_space<vmem>> -> memref<80x128xf32, #tpu.memory_space<vmem>>
      tpu.enqueue_dma source(%dma_start3A_204 : memref<80x128xf32, #tpu.memory_space<vmem>>) target(%dma_start3A_200 : memref<80x128xf32, #tpu.memory_space<vmem_shared>>) target_semaphore(%arg9 : memref<!tpu.dma_semaphore, #tpu.memory_space<semaphore_mem>>)
    }
    %while3A_55 = arith.constant 1 : i32
    scf.for %while3A_187 = %while3A_53 to %while3A_49 step %while3A_55  : i32 {
      %mul3A_188 = arith.muli %while3A_187, %while3A : i32
      %add3A_189 = arith.addi %arg1, %mul3A_188 : i32
      %mul3A_190 = arith.constant 80 : i32
      %mul3A_191 = arith.muli %add3A_189, %mul3A_190 : i32
      %dma_start3A_192 = arith.constant 2 : i32
      %dma_start3A_193 = arith.constant 0 : i32
      %dma_start3A_194 = arith.constant 0 : i32
      %dma_start3A_195 = tpu.memref_slice %arg6[%dma_start3A_192, %dma_start3A_193, %dma_start3A_194] : memref<3x80x128xf32, #tpu.memory_space<vmem>> -> memref<1x80x128xf32, #tpu.memory_space<vmem>>
      %dma_start3A_196 = tpu.memref_squeeze %dma_start3A_195 : memref<1x80x128xf32, #tpu.memory_space<vmem>> -> memref<80x128xf32, #tpu.memory_space<vmem>>
      %dma_start3A_197 = arith.constant 0 : i32
      %dma_start3A_198 = tpu.memref_slice %arg7[%mul3A_191, %dma_start3A_197] : memref<10000x128xf32, #tpu.memory_space<vmem_shared>> -> memref<80x128xf32, #tpu.memory_space<vmem_shared>>
      %dma_start3A_199 = arith.constant 0 : i32
      %dma_start3A_200 = tpu.memref_slice %arg7[%mul3A_191, %dma_start3A_199] : memref<10000x128xf32, #tpu.memory_space<vmem_shared>> -> memref<80x128xf32, #tpu.memory_space<vmem_shared>>
      %dma_start3A_201 = arith.constant 0 : i32
      %dma_start3A_202 = arith.constant 0 : i32
      %dma_start3A_203 = tpu.memref_slice %arg6[%dma_start3A_192, %dma_start3A_201, %dma_start3A_202] : memref<3x80x128xf32, #tpu.memory_space<vmem>> -> memref<1x80x128xf32, #tpu.memory_space<vmem>>
      %dma_start3A_204 = tpu.memref_squeeze %dma_start3A_203 : memref<1x80x128xf32, #tpu.memory_space<vmem>> -> memref<80x128xf32, #tpu.memory_space<vmem>>
      tpu.enqueue_dma source(%dma_start3A_204 : memref<80x128xf32, #tpu.memory_space<vmem>>) target(%dma_start3A_200 : memref<80x128xf32, #tpu.memory_space<vmem_shared>>) target_semaphore(%arg9 : memref<!tpu.dma_semaphore, #tpu.memory_space<semaphore_mem>>)
    }
    %sub3A_56 = arith.constant 125 : i32
    %sub3A_57 = arith.subi %sub3A_56, %arg1 : i32
    %sub3A_58 = arith.constant 16 : i32
    %sub3A_59 = arith.constant 1 : i32
    %sub3A_60 = arith.subi %sub3A_58, %sub3A_59 : i32
    %add3A_61 = arith.addi %sub3A_57, %sub3A_60 : i32
    %div3A_62 = arith.constant 16 : i32
    %div3A_63 = arith.divsi %add3A_61, %div3A_62 : i32
    %while3A_64 = arith.constant 16 : i32
    %while3A_65 = arith.constant 0 : i32
    %while3A_66 = arith.subi %div3A_63, %while3A_65 : i32
    %while3A_67 = arith.addi %while3A_65, %while3A_66 : i32
    %while3A_68 = arith.constant 1 : i32
    %while3A_69 = arith.divsi %while3A_66, %while3A_68 : i32
    %while3A_70 = arith.muli %while3A_69, %while3A_68 : i32
    %while3A_71 = arith.addi %while3A_65, %while3A_70 : i32
    %while3A_72 = arith.constant 1 : i32
    scf.for %while3A_187 = %while3A_65 to %while3A_71 step %while3A_72  : i32 {
      %mul3A_188 = arith.muli %while3A_187, %while3A_64 : i32
      %add3A_189 = arith.addi %arg1, %mul3A_188 : i32
      %mul3A_190 = arith.constant 80 : i32
      %mul3A_191 = arith.muli %add3A_189, %mul3A_190 : i32
      %dma_wait3A_192 = arith.constant 2 : i32
      %dma_wait3A_193 = arith.constant 0 : i32
      %dma_wait3A_194 = arith.constant 0 : i32
      %dma_wait3A_195 = tpu.memref_slice %arg6[%dma_wait3A_192, %dma_wait3A_193, %dma_wait3A_194] : memref<3x80x128xf32, #tpu.memory_space<vmem>> -> memref<1x80x128xf32, #tpu.memory_space<vmem>>
      %dma_wait3A_196 = tpu.memref_squeeze %dma_wait3A_195 : memref<1x80x128xf32, #tpu.memory_space<vmem>> -> memref<80x128xf32, #tpu.memory_space<vmem>>
      %dma_wait3A_197 = arith.constant 0 : i32
      %dma_wait3A_198 = tpu.memref_slice %arg7[%mul3A_191, %dma_wait3A_197] : memref<10000x128xf32, #tpu.memory_space<vmem_shared>> -> memref<80x128xf32, #tpu.memory_space<vmem_shared>>
      %dma_wait3A_199 = arith.constant 0 : i32
      %dma_wait3A_200 = tpu.memref_slice %arg7[%mul3A_191, %dma_wait3A_199] : memref<10000x128xf32, #tpu.memory_space<vmem_shared>> -> memref<80x128xf32, #tpu.memory_space<vmem_shared>>
      %dma_wait3A_201 = arith.constant 0 : i32
      %dma_wait3A_202 = arith.constant 0 : i32
      %dma_wait3A_203 = tpu.memref_slice %arg6[%dma_wait3A_192, %dma_wait3A_201, %dma_wait3A_202] : memref<3x80x128xf32, #tpu.memory_space<vmem>> -> memref<1x80x128xf32, #tpu.memory_space<vmem>>
      %dma_wait3A_204 = tpu.memref_squeeze %dma_wait3A_203 : memref<1x80x128xf32, #tpu.memory_space<vmem>> -> memref<80x128xf32, #tpu.memory_space<vmem>>
      tpu.wait_dma2 semaphore(%arg9 : memref<!tpu.dma_semaphore, #tpu.memory_space<semaphore_mem>>) src(%dma_wait3A_204 : memref<80x128xf32, #tpu.memory_space<vmem>>) dst(%dma_wait3A_200 : memref<80x128xf32, #tpu.memory_space<vmem_shared>>)
    }
    %while3A_73 = arith.constant 1 : i32
    scf.for %while3A_187 = %while3A_71 to %while3A_67 step %while3A_73  : i32 {
      %mul3A_188 = arith.muli %while3A_187, %while3A_64 : i32
      %add3A_189 = arith.addi %arg1, %mul3A_188 : i32
      %mul3A_190 = arith.constant 80 : i32
      %mul3A_191 = arith.muli %add3A_189, %mul3A_190 : i32
      %dma_wait3A_192 = arith.constant 2 : i32
      %dma_wait3A_193 = arith.constant 0 : i32
      %dma_wait3A_194 = arith.constant 0 : i32
      %dma_wait3A_195 = tpu.memref_slice %arg6[%dma_wait3A_192, %dma_wait3A_193, %dma_wait3A_194] : memref<3x80x128xf32, #tpu.memory_space<vmem>> -> memref<1x80x128xf32, #tpu.memory_space<vmem>>
      %dma_wait3A_196 = tpu.memref_squeeze %dma_wait3A_195 : memref<1x80x128xf32, #tpu.memory_space<vmem>> -> memref<80x128xf32, #tpu.memory_space<vmem>>
      %dma_wait3A_197 = arith.constant 0 : i32
      %dma_wait3A_198 = tpu.memref_slice %arg7[%mul3A_191, %dma_wait3A_197] : memref<10000x128xf32, #tpu.memory_space<vmem_shared>> -> memref<80x128xf32, #tpu.memory_space<vmem_shared>>
      %dma_wait3A_199 = arith.constant 0 : i32
      %dma_wait3A_200 = tpu.memref_slice %arg7[%mul3A_191, %dma_wait3A_199] : memref<10000x128xf32, #tpu.memory_space<vmem_shared>> -> memref<80x128xf32, #tpu.memory_space<vmem_shared>>
      %dma_wait3A_201 = arith.constant 0 : i32
      %dma_wait3A_202 = arith.constant 0 : i32
      %dma_wait3A_203 = tpu.memref_slice %arg6[%dma_wait3A_192, %dma_wait3A_201, %dma_wait3A_202] : memref<3x80x128xf32, #tpu.memory_space<vmem>> -> memref<1x80x128xf32, #tpu.memory_space<vmem>>
      %dma_wait3A_204 = tpu.memref_squeeze %dma_wait3A_203 : memref<1x80x128xf32, #tpu.memory_space<vmem>> -> memref<80x128xf32, #tpu.memory_space<vmem>>
      tpu.wait_dma2 semaphore(%arg9 : memref<!tpu.dma_semaphore, #tpu.memory_space<semaphore_mem>>) src(%dma_wait3A_204 : memref<80x128xf32, #tpu.memory_space<vmem>>) dst(%dma_wait3A_200 : memref<80x128xf32, #tpu.memory_space<vmem_shared>>)
    }
    %barrier3A = arith.constant 0 : index
    tpu.barrier barrier_id(%barrier3A)
    %dma_wait3A = arith.constant 0 : i32
    %dma_wait3A_74 = arith.constant 0 : i32
    %dma_wait3A_75 = arith.constant 0 : i32
    %dma_wait3A_76 = arith.constant 0 : i32
    %dma_wait3A_77 = tpu.memref_slice %arg5[%dma_wait3A_74, %dma_wait3A_75, %dma_wait3A_76] : memref<4x2x80xi32, #tpu.memory_space<vmem>> -> memref<1x2x80xi32, #tpu.memory_space<vmem>>
    %dma_wait3A_78 = tpu.memref_squeeze %dma_wait3A_77 : memref<1x2x80xi32, #tpu.memory_space<vmem>> -> memref<2x80xi32, #tpu.memory_space<vmem>>
    %dma_wait3A_79 = arith.constant 0 : i32
    %dma_wait3A_80 = arith.constant 0 : i32
    %dma_wait3A_81 = tpu.memref_slice %arg3[%add3A, %dma_wait3A, %dma_wait3A_79, %dma_wait3A_80] : memref<32x125x2x80xi32, #tpu.memory_space<hbm>> -> memref<1x1x2x80xi32, #tpu.memory_space<hbm>>
    %dma_wait3A_82 = tpu.memref_squeeze %dma_wait3A_81 : memref<1x1x2x80xi32, #tpu.memory_space<hbm>> -> memref<2x80xi32, #tpu.memory_space<hbm>>
    %dma_wait3A_83 = arith.constant 0 : i32
    %dma_wait3A_84 = arith.constant 0 : i32
    %dma_wait3A_85 = tpu.memref_slice %arg5[%dma_wait3A_74, %dma_wait3A_83, %dma_wait3A_84] : memref<4x2x80xi32, #tpu.memory_space<vmem>> -> memref<1x2x80xi32, #tpu.memory_space<vmem>>
    %dma_wait3A_86 = tpu.memref_squeeze %dma_wait3A_85 : memref<1x2x80xi32, #tpu.memory_space<vmem>> -> memref<2x80xi32, #tpu.memory_space<vmem>>
    %dma_wait3A_87 = arith.constant 0 : i32
    %dma_wait3A_88 = arith.constant 0 : i32
    %dma_wait3A_89 = tpu.memref_slice %arg3[%add3A, %dma_wait3A, %dma_wait3A_87, %dma_wait3A_88] : memref<32x125x2x80xi32, #tpu.memory_space<hbm>> -> memref<1x1x2x80xi32, #tpu.memory_space<hbm>>
    %dma_wait3A_90 = tpu.memref_squeeze %dma_wait3A_89 : memref<1x1x2x80xi32, #tpu.memory_space<hbm>> -> memref<2x80xi32, #tpu.memory_space<hbm>>
    tpu.wait_dma2 semaphore(%arg8 : memref<!tpu.dma_semaphore, #tpu.memory_space<semaphore_mem>>) src(%dma_wait3A_90 : memref<2x80xi32, #tpu.memory_space<hbm>>) dst(%dma_wait3A_86 : memref<2x80xi32, #tpu.memory_space<vmem>>)
    %dma_start3A_91 = arith.constant 0 : i32
    %dma_start3A_92 = arith.constant 0 : i32
    %dma_start3A_93 = arith.constant 0 : i32
    %dma_start3A_94 = arith.constant 0 : i32
    %dma_start3A_95 = arith.constant 0 : i32
    %dma_start3A_96 = tpu.memref_slice %arg6[%dma_start3A_93, %dma_start3A_94, %dma_start3A_95] : memref<3x80x128xf32, #tpu.memory_space<vmem>> -> memref<1x80x128xf32, #tpu.memory_space<vmem>>
    %dma_start3A_97 = tpu.memref_squeeze %dma_start3A_96 : memref<1x80x128xf32, #tpu.memory_space<vmem>> -> memref<80x128xf32, #tpu.memory_space<vmem>>
    %dma_start3A_98 = arith.constant 0 : i32
    %dma_start3A_99 = tpu.memref_slice %arg5[%dma_start3A_91, %dma_start3A_92, %dma_start3A_98] : memref<4x2x80xi32, #tpu.memory_space<vmem>> -> memref<1x1x80xi32, #tpu.memory_space<vmem>>
    %dma_start3A_100 = tpu.memref_squeeze %dma_start3A_99 : memref<1x1x80xi32, #tpu.memory_space<vmem>> -> memref<80xi32, #tpu.memory_space<vmem>>
    %dma_start3A_101 = arith.constant 0 : i32
    %dma_start3A_102 = arith.constant 0 : i32
    %dma_start3A_103 = tpu.memref_slice %arg2[%dma_start3A_101, %dma_start3A_102] : memref<10000x128xf32, #tpu.memory_space<hbm>> -> memref<10000x128xf32, #tpu.memory_space<hbm>>
    tpu.enqueue_indirect_dma source(%dma_start3A_103 : memref<10000x128xf32, #tpu.memory_space<hbm>>) target(%dma_start3A_97 : memref<80x128xf32, #tpu.memory_space<vmem>>) offsets(%dma_start3A_100 : memref<80xi32, #tpu.memory_space<vmem>>) semaphore(%arg9 : memref<!tpu.dma_semaphore, #tpu.memory_space<semaphore_mem>>)
    %scan3A_104 = arith.constant 0 : i32
    %scan3A_105 = arith.constant 124 : i32
    %scan3A_106 = arith.addi %scan3A_104, %scan3A_105 : i32
    %scan3A_107 = arith.constant 1 : i32
    scf.for %scan3A_187 = %scan3A_104 to %scan3A_106 step %scan3A_107  : i32 {
      %mul3A_188 = arith.constant 1 : i32
      %mul3A_189 = arith.muli %scan3A_187, %mul3A_188 : i32
      %add3A_190 = arith.constant 0 : i32
      %add3A_191 = arith.addi %add3A_190, %mul3A_189 : i32
      %rem3A = arith.constant 3 : i32
      %rem3A_192 = arith.remsi %add3A_191, %rem3A : i32
      %add3A_193 = arith.constant 1 : i32
      %add3A_194 = arith.addi %add3A_191, %add3A_193 : i32
      %rem3A_195 = arith.constant 3 : i32
      %rem3A_196 = arith.remsi %add3A_194, %rem3A_195 : i32
      %rem3A_197 = arith.constant 4 : i32
      %rem3A_198 = arith.remsi %add3A_191, %rem3A_197 : i32
      %add3A_199 = arith.constant 1 : i32
      %add3A_200 = arith.addi %add3A_191, %add3A_199 : i32
      %rem3A_201 = arith.constant 4 : i32
      %rem3A_202 = arith.remsi %add3A_200, %rem3A_201 : i32
      %add3A_203 = arith.constant 2 : i32
      %add3A_204 = arith.addi %add3A_191, %add3A_203 : i32
      %rem3A_205 = arith.constant 4 : i32
      %rem3A_206 = arith.remsi %add3A_204, %rem3A_205 : i32
      %add3A_207 = arith.constant 1 : i32
      %add3A_208 = arith.addi %add3A_191, %add3A_207 : i32
      %dma_wait3A_209 = arith.constant 0 : i32
      %dma_wait3A_210 = arith.constant 0 : i32
      %dma_wait3A_211 = tpu.memref_slice %arg5[%rem3A_202, %dma_wait3A_209, %dma_wait3A_210] : memref<4x2x80xi32, #tpu.memory_space<vmem>> -> memref<1x2x80xi32, #tpu.memory_space<vmem>>
      %dma_wait3A_212 = tpu.memref_squeeze %dma_wait3A_211 : memref<1x2x80xi32, #tpu.memory_space<vmem>> -> memref<2x80xi32, #tpu.memory_space<vmem>>
      %dma_wait3A_213 = arith.constant 0 : i32
      %dma_wait3A_214 = arith.constant 0 : i32
      %dma_wait3A_215 = tpu.memref_slice %arg3[%add3A, %add3A_208, %dma_wait3A_213, %dma_wait3A_214] : memref<32x125x2x80xi32, #tpu.memory_space<hbm>> -> memref<1x1x2x80xi32, #tpu.memory_space<hbm>>
      %dma_wait3A_216 = tpu.memref_squeeze %dma_wait3A_215 : memref<1x1x2x80xi32, #tpu.memory_space<hbm>> -> memref<2x80xi32, #tpu.memory_space<hbm>>
      %dma_wait3A_217 = arith.constant 0 : i32
      %dma_wait3A_218 = arith.constant 0 : i32
      %dma_wait3A_219 = tpu.memref_slice %arg5[%rem3A_202, %dma_wait3A_217, %dma_wait3A_218] : memref<4x2x80xi32, #tpu.memory_space<vmem>> -> memref<1x2x80xi32, #tpu.memory_space<vmem>>
      %dma_wait3A_220 = tpu.memref_squeeze %dma_wait3A_219 : memref<1x2x80xi32, #tpu.memory_space<vmem>> -> memref<2x80xi32, #tpu.memory_space<vmem>>
      %dma_wait3A_221 = arith.constant 0 : i32
      %dma_wait3A_222 = arith.constant 0 : i32
      %dma_wait3A_223 = tpu.memref_slice %arg3[%add3A, %add3A_208, %dma_wait3A_221, %dma_wait3A_222] : memref<32x125x2x80xi32, #tpu.memory_space<hbm>> -> memref<1x1x2x80xi32, #tpu.memory_space<hbm>>
      %dma_wait3A_224 = tpu.memref_squeeze %dma_wait3A_223 : memref<1x1x2x80xi32, #tpu.memory_space<hbm>> -> memref<2x80xi32, #tpu.memory_space<hbm>>
      tpu.wait_dma2 semaphore(%arg8 : memref<!tpu.dma_semaphore, #tpu.memory_space<semaphore_mem>>) src(%dma_wait3A_224 : memref<2x80xi32, #tpu.memory_space<hbm>>) dst(%dma_wait3A_220 : memref<2x80xi32, #tpu.memory_space<vmem>>)
      %ge3A = arith.constant 2 : i32
      %ge3A_225 = arith.cmpi sge, %add3A_191, %ge3A : i32
      %convert_element_type3A = arith.extui %ge3A_225 : i1 to i32
      %cond3A = arith.constant 0 : i32
      %cond3A_226 = arith.cmpi ne, %convert_element_type3A, %cond3A : i32
      scf.if %cond3A_226 {
        %dma_wait3A_264 = arith.constant 1 : i32
        %dma_wait3A_265 = arith.constant 0 : i32
        %dma_wait3A_266 = arith.constant 0 : i32
        %dma_wait3A_267 = tpu.memref_slice %arg6[%rem3A_196, %dma_wait3A_265, %dma_wait3A_266] : memref<3x80x128xf32, #tpu.memory_space<vmem>> -> memref<1x80x128xf32, #tpu.memory_space<vmem>>
        %dma_wait3A_268 = tpu.memref_squeeze %dma_wait3A_267 : memref<1x80x128xf32, #tpu.memory_space<vmem>> -> memref<80x128xf32, #tpu.memory_space<vmem>>
        %dma_wait3A_269 = arith.constant 0 : i32
        %dma_wait3A_270 = tpu.memref_slice %arg5[%rem3A_206, %dma_wait3A_264, %dma_wait3A_269] : memref<4x2x80xi32, #tpu.memory_space<vmem>> -> memref<1x1x80xi32, #tpu.memory_space<vmem>>
        %dma_wait3A_271 = tpu.memref_squeeze %dma_wait3A_270 : memref<1x1x80xi32, #tpu.memory_space<vmem>> -> memref<80xi32, #tpu.memory_space<vmem>>
        %dma_wait3A_272 = arith.constant 0 : i32
        %dma_wait3A_273 = arith.constant 0 : i32
        %dma_wait3A_274 = tpu.memref_slice %arg7[%dma_wait3A_272, %dma_wait3A_273] : memref<10000x128xf32, #tpu.memory_space<vmem_shared>> -> memref<10000x128xf32, #tpu.memory_space<vmem_shared>>
        tpu.wait_indirect_dma semaphore(%arg10 : memref<!tpu.dma_semaphore, #tpu.memory_space<semaphore_mem>>) src(%dma_wait3A_268 : memref<80x128xf32, #tpu.memory_space<vmem>>) dst(%dma_wait3A_274 : memref<10000x128xf32, #tpu.memory_space<vmem_shared>>)
      } else {
      }
      %dma_start3A_227 = arith.constant 0 : i32
      %dma_start3A_228 = arith.constant 0 : i32
      %dma_start3A_229 = arith.constant 0 : i32
      %dma_start3A_230 = tpu.memref_slice %arg6[%rem3A_196, %dma_start3A_228, %dma_start3A_229] : memref<3x80x128xf32, #tpu.memory_space<vmem>> -> memref<1x80x128xf32, #tpu.memory_space<vmem>>
      %dma_start3A_231 = tpu.memref_squeeze %dma_start3A_230 : memref<1x80x128xf32, #tpu.memory_space<vmem>> -> memref<80x128xf32, #tpu.memory_space<vmem>>
      %dma_start3A_232 = arith.constant 0 : i32
      %dma_start3A_233 = tpu.memref_slice %arg5[%rem3A_202, %dma_start3A_227, %dma_start3A_232] : memref<4x2x80xi32, #tpu.memory_space<vmem>> -> memref<1x1x80xi32, #tpu.memory_space<vmem>>
      %dma_start3A_234 = tpu.memref_squeeze %dma_start3A_233 : memref<1x1x80xi32, #tpu.memory_space<vmem>> -> memref<80xi32, #tpu.memory_space<vmem>>
      %dma_start3A_235 = arith.constant 0 : i32
      %dma_start3A_236 = arith.constant 0 : i32
      %dma_start3A_237 = tpu.memref_slice %arg2[%dma_start3A_235, %dma_start3A_236] : memref<10000x128xf32, #tpu.memory_space<hbm>> -> memref<10000x128xf32, #tpu.memory_space<hbm>>
      tpu.enqueue_indirect_dma source(%dma_start3A_237 : memref<10000x128xf32, #tpu.memory_space<hbm>>) target(%dma_start3A_231 : memref<80x128xf32, #tpu.memory_space<vmem>>) offsets(%dma_start3A_234 : memref<80xi32, #tpu.memory_space<vmem>>) semaphore(%arg9 : memref<!tpu.dma_semaphore, #tpu.memory_space<semaphore_mem>>)
      %dma_wait3A_238 = arith.constant 0 : i32
      %dma_wait3A_239 = arith.constant 0 : i32
      %dma_wait3A_240 = arith.constant 0 : i32
      %dma_wait3A_241 = tpu.memref_slice %arg6[%rem3A_192, %dma_wait3A_239, %dma_wait3A_240] : memref<3x80x128xf32, #tpu.memory_space<vmem>> -> memref<1x80x128xf32, #tpu.memory_space<vmem>>
      %dma_wait3A_242 = tpu.memref_squeeze %dma_wait3A_241 : memref<1x80x128xf32, #tpu.memory_space<vmem>> -> memref<80x128xf32, #tpu.memory_space<vmem>>
      %dma_wait3A_243 = arith.constant 0 : i32
      %dma_wait3A_244 = tpu.memref_slice %arg5[%rem3A_198, %dma_wait3A_238, %dma_wait3A_243] : memref<4x2x80xi32, #tpu.memory_space<vmem>> -> memref<1x1x80xi32, #tpu.memory_space<vmem>>
      %dma_wait3A_245 = tpu.memref_squeeze %dma_wait3A_244 : memref<1x1x80xi32, #tpu.memory_space<vmem>> -> memref<80xi32, #tpu.memory_space<vmem>>
      %dma_wait3A_246 = arith.constant 0 : i32
      %dma_wait3A_247 = arith.constant 0 : i32
      %dma_wait3A_248 = tpu.memref_slice %arg2[%dma_wait3A_246, %dma_wait3A_247] : memref<10000x128xf32, #tpu.memory_space<hbm>> -> memref<10000x128xf32, #tpu.memory_space<hbm>>
      tpu.wait_indirect_dma semaphore(%arg9 : memref<!tpu.dma_semaphore, #tpu.memory_space<semaphore_mem>>) src(%dma_wait3A_248 : memref<10000x128xf32, #tpu.memory_space<hbm>>) dst(%dma_wait3A_242 : memref<80x128xf32, #tpu.memory_space<vmem>>)
      %dma_start3A_249 = arith.constant 1 : i32
      %dma_start3A_250 = arith.constant 0 : i32
      %dma_start3A_251 = arith.constant 0 : i32
      %dma_start3A_252 = tpu.memref_slice %arg6[%rem3A_192, %dma_start3A_250, %dma_start3A_251] : memref<3x80x128xf32, #tpu.memory_space<vmem>> -> memref<1x80x128xf32, #tpu.memory_space<vmem>>
      %dma_start3A_253 = tpu.memref_squeeze %dma_start3A_252 : memref<1x80x128xf32, #tpu.memory_space<vmem>> -> memref<80x128xf32, #tpu.memory_space<vmem>>
      %dma_start3A_254 = arith.constant 0 : i32
      %dma_start3A_255 = tpu.memref_slice %arg5[%rem3A_198, %dma_start3A_249, %dma_start3A_254] : memref<4x2x80xi32, #tpu.memory_space<vmem>> -> memref<1x1x80xi32, #tpu.memory_space<vmem>>
      %dma_start3A_256 = tpu.memref_squeeze %dma_start3A_255 : memref<1x1x80xi32, #tpu.memory_space<vmem>> -> memref<80xi32, #tpu.memory_space<vmem>>
      %dma_start3A_257 = arith.constant 0 : i32
      %dma_start3A_258 = arith.constant 0 : i32
      %dma_start3A_259 = tpu.memref_slice %arg7[%dma_start3A_257, %dma_start3A_258] : memref<10000x128xf32, #tpu.memory_space<vmem_shared>> -> memref<10000x128xf32, #tpu.memory_space<vmem_shared>>
      tpu.enqueue_indirect_dma source(%dma_start3A_253 : memref<80x128xf32, #tpu.memory_space<vmem>>) target(%dma_start3A_259 : memref<10000x128xf32, #tpu.memory_space<vmem_shared>>) offsets(%dma_start3A_256 : memref<80xi32, #tpu.memory_space<vmem>>) semaphore(%arg10 : memref<!tpu.dma_semaphore, #tpu.memory_space<semaphore_mem>>) {add = true}
      %lt3A = arith.constant 123 : i32
      %lt3A_260 = arith.cmpi slt, %add3A_191, %lt3A : i32
      %convert_element_type3A_261 = arith.extui %lt3A_260 : i1 to i32
      %cond3A_262 = arith.constant 0 : i32
      %cond3A_263 = arith.cmpi ne, %convert_element_type3A_261, %cond3A_262 : i32
      scf.if %cond3A_263 {
        %add3A_264 = arith.constant 2 : i32
        %add3A_265 = arith.addi %add3A_191, %add3A_264 : i32
        %dma_start3A_266 = arith.constant 0 : i32
        %dma_start3A_267 = arith.constant 0 : i32
        %dma_start3A_268 = tpu.memref_slice %arg5[%rem3A_206, %dma_start3A_266, %dma_start3A_267] : memref<4x2x80xi32, #tpu.memory_space<vmem>> -> memref<1x2x80xi32, #tpu.memory_space<vmem>>
        %dma_start3A_269 = tpu.memref_squeeze %dma_start3A_268 : memref<1x2x80xi32, #tpu.memory_space<vmem>> -> memref<2x80xi32, #tpu.memory_space<vmem>>
        %dma_start3A_270 = arith.constant 0 : i32
        %dma_start3A_271 = arith.constant 0 : i32
        %dma_start3A_272 = tpu.memref_slice %arg3[%add3A, %add3A_265, %dma_start3A_270, %dma_start3A_271] : memref<32x125x2x80xi32, #tpu.memory_space<hbm>> -> memref<1x1x2x80xi32, #tpu.memory_space<hbm>>
        %dma_start3A_273 = tpu.memref_squeeze %dma_start3A_272 : memref<1x1x2x80xi32, #tpu.memory_space<hbm>> -> memref<2x80xi32, #tpu.memory_space<hbm>>
        %dma_start3A_274 = arith.constant 0 : i32
        %dma_start3A_275 = arith.constant 0 : i32
        %dma_start3A_276 = tpu.memref_slice %arg5[%rem3A_206, %dma_start3A_274, %dma_start3A_275] : memref<4x2x80xi32, #tpu.memory_space<vmem>> -> memref<1x2x80xi32, #tpu.memory_space<vmem>>
        %dma_start3A_277 = tpu.memref_squeeze %dma_start3A_276 : memref<1x2x80xi32, #tpu.memory_space<vmem>> -> memref<2x80xi32, #tpu.memory_space<vmem>>
        %dma_start3A_278 = arith.constant 0 : i32
        %dma_start3A_279 = arith.constant 0 : i32
        %dma_start3A_280 = tpu.memref_slice %arg3[%add3A, %add3A_265, %dma_start3A_278, %dma_start3A_279] : memref<32x125x2x80xi32, #tpu.memory_space<hbm>> -> memref<1x1x2x80xi32, #tpu.memory_space<hbm>>
        %dma_start3A_281 = tpu.memref_squeeze %dma_start3A_280 : memref<1x1x2x80xi32, #tpu.memory_space<hbm>> -> memref<2x80xi32, #tpu.memory_space<hbm>>
        tpu.enqueue_dma source(%dma_start3A_281 : memref<2x80xi32, #tpu.memory_space<hbm>>) target(%dma_start3A_277 : memref<2x80xi32, #tpu.memory_space<vmem>>) target_semaphore(%arg8 : memref<!tpu.dma_semaphore, #tpu.memory_space<semaphore_mem>>)
      } else {
      }
    }
    %scan3A_108 = arith.constant 124 : i32
    %dma_wait3A_109 = arith.constant 0 : i32
    %dma_wait3A_110 = arith.constant 0 : i32
    %dma_wait3A_111 = arith.constant 1 : i32
    %dma_wait3A_112 = arith.constant 0 : i32
    %dma_wait3A_113 = arith.constant 0 : i32
    %dma_wait3A_114 = tpu.memref_slice %arg6[%dma_wait3A_109, %dma_wait3A_112, %dma_wait3A_113] : memref<3x80x128xf32, #tpu.memory_space<vmem>> -> memref<1x80x128xf32, #tpu.memory_space<vmem>>
    %dma_wait3A_115 = tpu.memref_squeeze %dma_wait3A_114 : memref<1x80x128xf32, #tpu.memory_space<vmem>> -> memref<80x128xf32, #tpu.memory_space<vmem>>
    %dma_wait3A_116 = arith.constant 0 : i32
    %dma_wait3A_117 = tpu.memref_slice %arg5[%dma_wait3A_110, %dma_wait3A_111, %dma_wait3A_116] : memref<4x2x80xi32, #tpu.memory_space<vmem>> -> memref<1x1x80xi32, #tpu.memory_space<vmem>>
    %dma_wait3A_118 = tpu.memref_squeeze %dma_wait3A_117 : memref<1x1x80xi32, #tpu.memory_space<vmem>> -> memref<80xi32, #tpu.memory_space<vmem>>
    %dma_wait3A_119 = arith.constant 0 : i32
    %dma_wait3A_120 = arith.constant 0 : i32
    %dma_wait3A_121 = tpu.memref_slice %arg7[%dma_wait3A_119, %dma_wait3A_120] : memref<10000x128xf32, #tpu.memory_space<vmem_shared>> -> memref<10000x128xf32, #tpu.memory_space<vmem_shared>>
    tpu.wait_indirect_dma semaphore(%arg10 : memref<!tpu.dma_semaphore, #tpu.memory_space<semaphore_mem>>) src(%dma_wait3A_115 : memref<80x128xf32, #tpu.memory_space<vmem>>) dst(%dma_wait3A_121 : memref<10000x128xf32, #tpu.memory_space<vmem_shared>>)
    %dma_wait3A_122 = arith.constant 0 : i32
    %dma_wait3A_123 = arith.constant 0 : i32
    %dma_wait3A_124 = arith.constant 1 : i32
    %dma_wait3A_125 = arith.constant 0 : i32
    %dma_wait3A_126 = arith.constant 0 : i32
    %dma_wait3A_127 = tpu.memref_slice %arg6[%dma_wait3A_122, %dma_wait3A_125, %dma_wait3A_126] : memref<3x80x128xf32, #tpu.memory_space<vmem>> -> memref<1x80x128xf32, #tpu.memory_space<vmem>>
    %dma_wait3A_128 = tpu.memref_squeeze %dma_wait3A_127 : memref<1x80x128xf32, #tpu.memory_space<vmem>> -> memref<80x128xf32, #tpu.memory_space<vmem>>
    %dma_wait3A_129 = arith.constant 0 : i32
    %dma_wait3A_130 = tpu.memref_slice %arg5[%dma_wait3A_123, %dma_wait3A_124, %dma_wait3A_129] : memref<4x2x80xi32, #tpu.memory_space<vmem>> -> memref<1x1x80xi32, #tpu.memory_space<vmem>>
    %dma_wait3A_131 = tpu.memref_squeeze %dma_wait3A_130 : memref<1x1x80xi32, #tpu.memory_space<vmem>> -> memref<80xi32, #tpu.memory_space<vmem>>
    %dma_wait3A_132 = arith.constant 0 : i32
    %dma_wait3A_133 = arith.constant 0 : i32
    %dma_wait3A_134 = tpu.memref_slice %arg7[%dma_wait3A_132, %dma_wait3A_133] : memref<10000x128xf32, #tpu.memory_space<vmem_shared>> -> memref<10000x128xf32, #tpu.memory_space<vmem_shared>>
    tpu.wait_indirect_dma semaphore(%arg10 : memref<!tpu.dma_semaphore, #tpu.memory_space<semaphore_mem>>) src(%dma_wait3A_128 : memref<80x128xf32, #tpu.memory_space<vmem>>) dst(%dma_wait3A_134 : memref<10000x128xf32, #tpu.memory_space<vmem_shared>>)
    %dma_wait3A_135 = arith.constant 0 : i32
    %dma_wait3A_136 = arith.constant 0 : i32
    %dma_wait3A_137 = arith.constant 1 : i32
    %dma_wait3A_138 = arith.constant 0 : i32
    %dma_wait3A_139 = arith.constant 0 : i32
    %dma_wait3A_140 = tpu.memref_slice %arg6[%dma_wait3A_137, %dma_wait3A_138, %dma_wait3A_139] : memref<3x80x128xf32, #tpu.memory_space<vmem>> -> memref<1x80x128xf32, #tpu.memory_space<vmem>>
    %dma_wait3A_141 = tpu.memref_squeeze %dma_wait3A_140 : memref<1x80x128xf32, #tpu.memory_space<vmem>> -> memref<80x128xf32, #tpu.memory_space<vmem>>
    %dma_wait3A_142 = arith.constant 0 : i32
    %dma_wait3A_143 = tpu.memref_slice %arg5[%dma_wait3A_135, %dma_wait3A_136, %dma_wait3A_142] : memref<4x2x80xi32, #tpu.memory_space<vmem>> -> memref<1x1x80xi32, #tpu.memory_space<vmem>>
    %dma_wait3A_144 = tpu.memref_squeeze %dma_wait3A_143 : memref<1x1x80xi32, #tpu.memory_space<vmem>> -> memref<80xi32, #tpu.memory_space<vmem>>
    %dma_wait3A_145 = arith.constant 0 : i32
    %dma_wait3A_146 = arith.constant 0 : i32
    %dma_wait3A_147 = tpu.memref_slice %arg2[%dma_wait3A_145, %dma_wait3A_146] : memref<10000x128xf32, #tpu.memory_space<hbm>> -> memref<10000x128xf32, #tpu.memory_space<hbm>>
    tpu.wait_indirect_dma semaphore(%arg9 : memref<!tpu.dma_semaphore, #tpu.memory_space<semaphore_mem>>) src(%dma_wait3A_147 : memref<10000x128xf32, #tpu.memory_space<hbm>>) dst(%dma_wait3A_141 : memref<80x128xf32, #tpu.memory_space<vmem>>)
    %run_scoped3A = arith.constant 1 : i32
    %run_scoped3A_148 = arith.constant 0 : i32
    %run_scoped3A_149 = arith.constant 1 : i32
    "tpu.region"() ({
      %run_scoped3A_187 = tpu.sem_alloc : memref<!tpu.dma_semaphore, #tpu.memory_space<semaphore_mem>>
      %dma_start3A_188 = arith.constant 0 : i32
      %dma_start3A_189 = arith.constant 0 : i32
      %dma_start3A_190 = tpu.memref_slice %arg6[%run_scoped3A, %dma_start3A_188, %dma_start3A_189] : memref<3x80x128xf32, #tpu.memory_space<vmem>> -> memref<1x80x128xf32, #tpu.memory_space<vmem>>
      %dma_start3A_191 = tpu.memref_squeeze %dma_start3A_190 : memref<1x80x128xf32, #tpu.memory_space<vmem>> -> memref<80x128xf32, #tpu.memory_space<vmem>>
      %dma_start3A_192 = arith.constant 0 : i32
      %dma_start3A_193 = tpu.memref_slice %arg5[%run_scoped3A_148, %run_scoped3A_149, %dma_start3A_192] : memref<4x2x80xi32, #tpu.memory_space<vmem>> -> memref<1x1x80xi32, #tpu.memory_space<vmem>>
      %dma_start3A_194 = tpu.memref_squeeze %dma_start3A_193 : memref<1x1x80xi32, #tpu.memory_space<vmem>> -> memref<80xi32, #tpu.memory_space<vmem>>
      %dma_start3A_195 = arith.constant 0 : i32
      %dma_start3A_196 = arith.constant 0 : i32
      %dma_start3A_197 = tpu.memref_slice %arg7[%dma_start3A_195, %dma_start3A_196] : memref<10000x128xf32, #tpu.memory_space<vmem_shared>> -> memref<10000x128xf32, #tpu.memory_space<vmem_shared>>
      tpu.enqueue_indirect_dma source(%dma_start3A_191 : memref<80x128xf32, #tpu.memory_space<vmem>>) target(%dma_start3A_197 : memref<10000x128xf32, #tpu.memory_space<vmem_shared>>) offsets(%dma_start3A_194 : memref<80xi32, #tpu.memory_space<vmem>>) semaphore(%run_scoped3A_187 : memref<!tpu.dma_semaphore, #tpu.memory_space<semaphore_mem>>) {add = true}
      %dma_wait3A_198 = arith.constant 0 : i32
      %dma_wait3A_199 = arith.constant 0 : i32
      %dma_wait3A_200 = tpu.memref_slice %arg6[%run_scoped3A, %dma_wait3A_198, %dma_wait3A_199] : memref<3x80x128xf32, #tpu.memory_space<vmem>> -> memref<1x80x128xf32, #tpu.memory_space<vmem>>
      %dma_wait3A_201 = tpu.memref_squeeze %dma_wait3A_200 : memref<1x80x128xf32, #tpu.memory_space<vmem>> -> memref<80x128xf32, #tpu.memory_space<vmem>>
      %dma_wait3A_202 = arith.constant 0 : i32
      %dma_wait3A_203 = tpu.memref_slice %arg5[%run_scoped3A_148, %run_scoped3A_149, %dma_wait3A_202] : memref<4x2x80xi32, #tpu.memory_space<vmem>> -> memref<1x1x80xi32, #tpu.memory_space<vmem>>
      %dma_wait3A_204 = tpu.memref_squeeze %dma_wait3A_203 : memref<1x1x80xi32, #tpu.memory_space<vmem>> -> memref<80xi32, #tpu.memory_space<vmem>>
      %dma_wait3A_205 = arith.constant 0 : i32
      %dma_wait3A_206 = arith.constant 0 : i32
      %dma_wait3A_207 = tpu.memref_slice %arg7[%dma_wait3A_205, %dma_wait3A_206] : memref<10000x128xf32, #tpu.memory_space<vmem_shared>> -> memref<10000x128xf32, #tpu.memory_space<vmem_shared>>
      tpu.wait_indirect_dma semaphore(%run_scoped3A_187 : memref<!tpu.dma_semaphore, #tpu.memory_space<semaphore_mem>>) src(%dma_wait3A_201 : memref<80x128xf32, #tpu.memory_space<vmem>>) dst(%dma_wait3A_207 : memref<10000x128xf32, #tpu.memory_space<vmem_shared>>)
      tpu.yield
    }) : () -> ()
    %barrier3A_150 = arith.constant 0 : index
    tpu.barrier barrier_id(%barrier3A_150)
    %sub3A_151 = arith.constant 125 : i32
    %sub3A_152 = arith.subi %sub3A_151, %arg1 : i32
    %sub3A_153 = arith.constant 16 : i32
    %sub3A_154 = arith.constant 1 : i32
    %sub3A_155 = arith.subi %sub3A_153, %sub3A_154 : i32
    %add3A_156 = arith.addi %sub3A_152, %sub3A_155 : i32
    %div3A_157 = arith.constant 16 : i32
    %div3A_158 = arith.divsi %add3A_156, %div3A_157 : i32
    %while3A_159 = arith.constant 16 : i32
    %while3A_160 = arith.constant 0 : i32
    %while3A_161 = arith.subi %div3A_158, %while3A_160 : i32
    %while3A_162 = arith.addi %while3A_160, %while3A_161 : i32
    %while3A_163 = arith.constant 1 : i32
    %while3A_164 = arith.divsi %while3A_161, %while3A_163 : i32
    %while3A_165 = arith.muli %while3A_164, %while3A_163 : i32
    %while3A_166 = arith.addi %while3A_160, %while3A_165 : i32
    %while3A_167 = arith.constant 1 : i32
    scf.for %while3A_187 = %while3A_160 to %while3A_166 step %while3A_167  : i32 {
      %mul3A_188 = arith.muli %while3A_187, %while3A_159 : i32
      %add3A_189 = arith.addi %arg1, %mul3A_188 : i32
      %mul3A_190 = arith.constant 80 : i32
      %mul3A_191 = arith.muli %add3A_189, %mul3A_190 : i32
      %dma_start3A_192 = arith.constant 0 : i32
      %dma_start3A_193 = tpu.memref_slice %arg4[%arg0, %mul3A_191, %dma_start3A_192] : memref<2x10000x128xf32, #tpu.memory_space<hbm>> -> memref<1x80x128xf32, #tpu.memory_space<hbm>>
      %dma_start3A_194 = tpu.memref_squeeze %dma_start3A_193 : memref<1x80x128xf32, #tpu.memory_space<hbm>> -> memref<80x128xf32, #tpu.memory_space<hbm>>
      %dma_start3A_195 = arith.constant 0 : i32
      %dma_start3A_196 = tpu.memref_slice %arg7[%mul3A_191, %dma_start3A_195] : memref<10000x128xf32, #tpu.memory_space<vmem_shared>> -> memref<80x128xf32, #tpu.memory_space<vmem_shared>>
      tpu.enqueue_dma source(%dma_start3A_196 : memref<80x128xf32, #tpu.memory_space<vmem_shared>>) target(%dma_start3A_194 : memref<80x128xf32, #tpu.memory_space<hbm>>) target_semaphore(%arg9 : memref<!tpu.dma_semaphore, #tpu.memory_space<semaphore_mem>>)
    }
    %while3A_168 = arith.constant 1 : i32
    scf.for %while3A_187 = %while3A_166 to %while3A_162 step %while3A_168  : i32 {
      %mul3A_188 = arith.muli %while3A_187, %while3A_159 : i32
      %add3A_189 = arith.addi %arg1, %mul3A_188 : i32
      %mul3A_190 = arith.constant 80 : i32
      %mul3A_191 = arith.muli %add3A_189, %mul3A_190 : i32
      %dma_start3A_192 = arith.constant 0 : i32
      %dma_start3A_193 = tpu.memref_slice %arg4[%arg0, %mul3A_191, %dma_start3A_192] : memref<2x10000x128xf32, #tpu.memory_space<hbm>> -> memref<1x80x128xf32, #tpu.memory_space<hbm>>
      %dma_start3A_194 = tpu.memref_squeeze %dma_start3A_193 : memref<1x80x128xf32, #tpu.memory_space<hbm>> -> memref<80x128xf32, #tpu.memory_space<hbm>>
      %dma_start3A_195 = arith.constant 0 : i32
      %dma_start3A_196 = tpu.memref_slice %arg7[%mul3A_191, %dma_start3A_195] : memref<10000x128xf32, #tpu.memory_space<vmem_shared>> -> memref<80x128xf32, #tpu.memory_space<vmem_shared>>
      tpu.enqueue_dma source(%dma_start3A_196 : memref<80x128xf32, #tpu.memory_space<vmem_shared>>) target(%dma_start3A_194 : memref<80x128xf32, #tpu.memory_space<hbm>>) target_semaphore(%arg9 : memref<!tpu.dma_semaphore, #tpu.memory_space<semaphore_mem>>)
    }
    %sub3A_169 = arith.constant 125 : i32
    %sub3A_170 = arith.subi %sub3A_169, %arg1 : i32
    %sub3A_171 = arith.constant 16 : i32
    %sub3A_172 = arith.constant 1 : i32
    %sub3A_173 = arith.subi %sub3A_171, %sub3A_172 : i32
    %add3A_174 = arith.addi %sub3A_170, %sub3A_173 : i32
    %div3A_175 = arith.constant 16 : i32
    %div3A_176 = arith.divsi %add3A_174, %div3A_175 : i32
    %while3A_177 = arith.constant 16 : i32
    %while3A_178 = arith.constant 0 : i32
    %while3A_179 = arith.subi %div3A_176, %while3A_178 : i32
    %while3A_180 = arith.addi %while3A_178, %while3A_179 : i32
    %while3A_181 = arith.constant 1 : i32
    %while3A_182 = arith.divsi %while3A_179, %while3A_181 : i32
    %while3A_183 = arith.muli %while3A_182, %while3A_181 : i32
    %while3A_184 = arith.addi %while3A_178, %while3A_183 : i32
    %while3A_185 = arith.constant 1 : i32
    scf.for %while3A_187 = %while3A_178 to %while3A_184 step %while3A_185  : i32 {
      %mul3A_188 = arith.muli %while3A_187, %while3A_177 : i32
      %add3A_189 = arith.addi %arg1, %mul3A_188 : i32
      %mul3A_190 = arith.constant 80 : i32
      %mul3A_191 = arith.muli %add3A_189, %mul3A_190 : i32
      %dma_wait3A_192 = arith.constant 0 : i32
      %dma_wait3A_193 = tpu.memref_slice %arg4[%arg0, %mul3A_191, %dma_wait3A_192] : memref<2x10000x128xf32, #tpu.memory_space<hbm>> -> memref<1x80x128xf32, #tpu.memory_space<hbm>>
      %dma_wait3A_194 = tpu.memref_squeeze %dma_wait3A_193 : memref<1x80x128xf32, #tpu.memory_space<hbm>> -> memref<80x128xf32, #tpu.memory_space<hbm>>
      %dma_wait3A_195 = arith.constant 0 : i32
      %dma_wait3A_196 = tpu.memref_slice %arg7[%mul3A_191, %dma_wait3A_195] : memref<10000x128xf32, #tpu.memory_space<vmem_shared>> -> memref<80x128xf32, #tpu.memory_space<vmem_shared>>
      tpu.wait_dma2 semaphore(%arg9 : memref<!tpu.dma_semaphore, #tpu.memory_space<semaphore_mem>>) src(%dma_wait3A_196 : memref<80x128xf32, #tpu.memory_space<vmem_shared>>) dst(%dma_wait3A_194 : memref<80x128xf32, #tpu.memory_space<hbm>>)
    }
    %while3A_186 = arith.constant 1 : i32
    scf.for %while3A_187 = %while3A_184 to %while3A_180 step %while3A_186  : i32 {
      %mul3A_188 = arith.muli %while3A_187, %while3A_177 : i32
      %add3A_189 = arith.addi %arg1, %mul3A_188 : i32
      %mul3A_190 = arith.constant 80 : i32
      %mul3A_191 = arith.muli %add3A_189, %mul3A_190 : i32
      %dma_wait3A_192 = arith.constant 0 : i32
      %dma_wait3A_193 = tpu.memref_slice %arg4[%arg0, %mul3A_191, %dma_wait3A_192] : memref<2x10000x128xf32, #tpu.memory_space<hbm>> -> memref<1x80x128xf32, #tpu.memory_space<hbm>>
      %dma_wait3A_194 = tpu.memref_squeeze %dma_wait3A_193 : memref<1x80x128xf32, #tpu.memory_space<hbm>> -> memref<80x128xf32, #tpu.memory_space<hbm>>
      %dma_wait3A_195 = arith.constant 0 : i32
      %dma_wait3A_196 = tpu.memref_slice %arg7[%mul3A_191, %dma_wait3A_195] : memref<10000x128xf32, #tpu.memory_space<vmem_shared>> -> memref<80x128xf32, #tpu.memory_space<vmem_shared>>
      tpu.wait_dma2 semaphore(%arg9 : memref<!tpu.dma_semaphore, #tpu.memory_space<semaphore_mem>>) src(%dma_wait3A_196 : memref<80x128xf32, #tpu.memory_space<vmem_shared>>) dst(%dma_wait3A_194 : memref<80x128xf32, #tpu.memory_space<hbm>>)
    }
    return
  }
}

#map = affine_map<(d0, d1) -> (0, 0)>
#map1 = affine_map<(d0, d1) -> (0, 0, 0, 0)>
#map2 = affine_map<(d0, d1) -> (0, 0, 0)>
module attributes {stable_mosaic.version = 14 : i64} {
  func.func @_spmm_body(%arg0: i32, %arg1: i32, %arg2: memref<10000x128xf32, #tpu.memory_space<hbm>>, %arg3: memref<32x125x2x80xi32, #tpu.memory_space<hbm>>, %arg4: memref<2x10000x128xf32, #tpu.memory_space<hbm>>, %arg5: memref<4x2x80xi32, #tpu.memory_space<vmem>>, %arg6: memref<3x80x128xf32, #tpu.memory_space<vmem>>, %arg7: memref<10000x128xf32, #tpu.memory_space<vmem_shared>>, %arg8: memref<!tpu.dma_semaphore, #tpu.memory_space<semaphore_mem>>, %arg9: memref<!tpu.dma_semaphore, #tpu.memory_space<semaphore_mem>>, %arg10: memref<!tpu.dma_semaphore, #tpu.memory_space<semaphore_mem>>) attributes {dimension_semantics = [#tpu.dimension_semantics<core_parallel>, #tpu.dimension_semantics<subcore_parallel>], iteration_bounds = array<i64: 2, 16>, scalar_prefetch = 0 : i64, scratch_operands = 6 : i64, tpu.core_type = #tpu.core_type<sc_vector_subcore>, window_params = [{transform_indices = #map}, {transform_indices = #map1}, {transform_indices = #map2}]} {
    %mul3A = arith.constant 16 : i32
    %mul3A_0 = arith.muli %arg0, %mul3A : i32
    %add3A = arith.addi %mul3A_0, %arg1 : i32
    %broadcast_in_dim3A = arith.constant 0.000000e+00 : f32
    %broadcast_in_dim3A_1 = vector.broadcast %broadcast_in_dim3A : f32 to vector<16xf32>
    %dma_start3A = arith.constant 0 : i32
    %dma_start3A_2 = arith.constant 0 : i32
    %dma_start3A_3 = arith.constant 0 : i32
    %dma_start3A_4 = arith.constant 0 : i32
    %dma_start3A_5 = tpu.memref_slice %arg5[%dma_start3A_2, %dma_start3A_3, %dma_start3A_4] : memref<4x2x80xi32, #tpu.memory_space<vmem>> -> memref<1x2x80xi32, #tpu.memory_space<vmem>>
    %dma_start3A_6 = tpu.memref_squeeze %dma_start3A_5 : memref<1x2x80xi32, #tpu.memory_space<vmem>> -> memref<2x80xi32, #tpu.memory_space<vmem>>
    %dma_start3A_7 = arith.constant 0 : i32
    %dma_start3A_8 = arith.constant 0 : i32
    %dma_start3A_9 = tpu.memref_slice %arg3[%add3A, %dma_start3A, %dma_start3A_7, %dma_start3A_8] : memref<32x125x2x80xi32, #tpu.memory_space<hbm>> -> memref<1x1x2x80xi32, #tpu.memory_space<hbm>>
    %dma_start3A_10 = tpu.memref_squeeze %dma_start3A_9 : memref<1x1x2x80xi32, #tpu.memory_space<hbm>> -> memref<2x80xi32, #tpu.memory_space<hbm>>
    %dma_start3A_11 = arith.constant 0 : i32
    %dma_start3A_12 = arith.constant 0 : i32
    %dma_start3A_13 = tpu.memref_slice %arg5[%dma_start3A_2, %dma_start3A_11, %dma_start3A_12] : memref<4x2x80xi32, #tpu.memory_space<vmem>> -> memref<1x2x80xi32, #tpu.memory_space<vmem>>
    %dma_start3A_14 = tpu.memref_squeeze %dma_start3A_13 : memref<1x2x80xi32, #tpu.memory_space<vmem>> -> memref<2x80xi32, #tpu.memory_space<vmem>>
    %dma_start3A_15 = arith.constant 0 : i32
    %dma_start3A_16 = arith.constant 0 : i32
    %dma_start3A_17 = tpu.memref_slice %arg3[%add3A, %dma_start3A, %dma_start3A_15, %dma_start3A_16] : memref<32x125x2x80xi32, #tpu.memory_space<hbm>> -> memref<1x1x2x80xi32, #tpu.memory_space<hbm>>
    %dma_start3A_18 = tpu.memref_squeeze %dma_start3A_17 : memref<1x1x2x80xi32, #tpu.memory_space<hbm>> -> memref<2x80xi32, #tpu.memory_space<hbm>>
    tpu.enqueue_dma source(%dma_start3A_18 : memref<2x80xi32, #tpu.memory_space<hbm>>) target(%dma_start3A_14 : memref<2x80xi32, #tpu.memory_space<vmem>>) target_semaphore(%arg8 : memref<!tpu.dma_semaphore, #tpu.memory_space<semaphore_mem>>)
    %dma_start3A_19 = arith.constant 1 : i32
    %dma_start3A_20 = arith.constant 1 : i32
    %dma_start3A_21 = arith.constant 0 : i32
    %dma_start3A_22 = arith.constant 0 : i32
    %dma_start3A_23 = tpu.memref_slice %arg5[%dma_start3A_20, %dma_start3A_21, %dma_start3A_22] : memref<4x2x80xi32, #tpu.memory_space<vmem>> -> memref<1x2x80xi32, #tpu.memory_space<vmem>>
    %dma_start3A_24 = tpu.memref_squeeze %dma_start3A_23 : memref<1x2x80xi32, #tpu.memory_space<vmem>> -> memref<2x80xi32, #tpu.memory_space<vmem>>
    %dma_start3A_25 = arith.constant 0 : i32
    %dma_start3A_26 = arith.constant 0 : i32
    %dma_start3A_27 = tpu.memref_slice %arg3[%add3A, %dma_start3A_19, %dma_start3A_25, %dma_start3A_26] : memref<32x125x2x80xi32, #tpu.memory_space<hbm>> -> memref<1x1x2x80xi32, #tpu.memory_space<hbm>>
    %dma_start3A_28 = tpu.memref_squeeze %dma_start3A_27 : memref<1x1x2x80xi32, #tpu.memory_space<hbm>> -> memref<2x80xi32, #tpu.memory_space<hbm>>
    %dma_start3A_29 = arith.constant 0 : i32
    %dma_start3A_30 = arith.constant 0 : i32
    %dma_start3A_31 = tpu.memref_slice %arg5[%dma_start3A_20, %dma_start3A_29, %dma_start3A_30] : memref<4x2x80xi32, #tpu.memory_space<vmem>> -> memref<1x2x80xi32, #tpu.memory_space<vmem>>
    %dma_start3A_32 = tpu.memref_squeeze %dma_start3A_31 : memref<1x2x80xi32, #tpu.memory_space<vmem>> -> memref<2x80xi32, #tpu.memory_space<vmem>>
    %dma_start3A_33 = arith.constant 0 : i32
    %dma_start3A_34 = arith.constant 0 : i32
    %dma_start3A_35 = tpu.memref_slice %arg3[%add3A, %dma_start3A_19, %dma_start3A_33, %dma_start3A_34] : memref<32x125x2x80xi32, #tpu.memory_space<hbm>> -> memref<1x1x2x80xi32, #tpu.memory_space<hbm>>
    %dma_start3A_36 = tpu.memref_squeeze %dma_start3A_35 : memref<1x1x2x80xi32, #tpu.memory_space<hbm>> -> memref<2x80xi32, #tpu.memory_space<hbm>>
    tpu.enqueue_dma source(%dma_start3A_36 : memref<2x80xi32, #tpu.memory_space<hbm>>) target(%dma_start3A_32 : memref<2x80xi32, #tpu.memory_space<vmem>>) target_semaphore(%arg8 : memref<!tpu.dma_semaphore, #tpu.memory_space<semaphore_mem>>)
    %scan3A = arith.constant 0 : i32
    %scan3A_37 = arith.constant 80 : i32
    %scan3A_38 = arith.addi %scan3A, %scan3A_37 : i32
    %scan3A_39 = arith.constant 1 : i32
    scf.for %scan3A_187 = %scan3A to %scan3A_38 step %scan3A_39  : i32 {
      %mul3A_188 = arith.constant 1 : i32
      %mul3A_189 = arith.muli %scan3A_187, %mul3A_188 : i32
      %add3A_190 = arith.constant 0 : i32
      %add3A_191 = arith.addi %add3A_190, %mul3A_189 : i32
      %swap3A = arith.constant 2 : i32
      %swap3A_192 = arith.index_cast %swap3A : i32 to index
      %swap3A_193 = arith.index_cast %add3A_191 : i32 to index
      %swap3A_194 = arith.constant 0 : index
      %swap3A_195 = tpu.vector_load %arg6[%swap3A_192, %swap3A_193, %swap3A_194] {strides = array<i32>} : memref<3x80x128xf32, #tpu.memory_space<vmem>>, vector<1x1x16xf32>,
      %swap3A_196 = vector.shape_cast %swap3A_195 : vector<1x1x16xf32> to vector<16xf32>
      %swap3A_197 = vector.shape_cast %broadcast_in_dim3A_1 : vector<16xf32> to vector<1x1x16xf32>
      tpu.vector_store %arg6[%swap3A_192, %swap3A_193, %swap3A_194], %swap3A_197 {strides = array<i32>} : memref<3x80x128xf32, #tpu.memory_space<vmem>>, vector<1x1x16xf32>,
      %swap3A_198 = arith.constant 2 : i32
      %swap3A_199 = arith.index_cast %swap3A_198 : i32 to index
      %swap3A_200 = arith.index_cast %add3A_191 : i32 to index
      %swap3A_201 = arith.constant 16 : index
      %swap3A_202 = tpu.vector_load %arg6[%swap3A_199, %swap3A_200, %swap3A_201] {strides = array<i32>} : memref<3x80x128xf32, #tpu.memory_space<vmem>>, vector<1x1x16xf32>,
      %swap3A_203 = vector.shape_cast %swap3A_202 : vector<1x1x16xf32> to vector<16xf32>
      %swap3A_204 = vector.shape_cast %broadcast_in_dim3A_1 : vector<16xf32> to vector<1x1x16xf32>
      tpu.vector_store %arg6[%swap3A_199, %swap3A_200, %swap3A_201], %swap3A_204 {strides = array<i32>} : memref<3x80x128xf32, #tpu.memory_space<vmem>>, vector<1x1x16xf32>,
      %swap3A_205 = arith.constant 2 : i32
      %swap3A_206 = arith.index_cast %swap3A_205 : i32 to index
      %swap3A_207 = arith.index_cast %add3A_191 : i32 to index
      %swap3A_208 = arith.constant 32 : index
      %swap3A_209 = tpu.vector_load %arg6[%swap3A_206, %swap3A_207, %swap3A_208] {strides = array<i32>} : memref<3x80x128xf32, #tpu.memory_space<vmem>>, vector<1x1x16xf32>,
      %swap3A_210 = vector.shape_cast %swap3A_209 : vector<1x1x16xf32> to vector<16xf32>
      %swap3A_211 = vector.shape_cast %broadcast_in_dim3A_1 : vector<16xf32> to vector<1x1x16xf32>
      tpu.vector_store %arg6[%swap3A_206, %swap3A_207, %swap3A_208], %swap3A_211 {strides = array<i32>} : memref<3x80x128xf32, #tpu.memory_space<vmem>>, vector<1x1x16xf32>,
      %swap3A_212 = arith.constant 2 : i32
      %swap3A_213 = arith.index_cast %swap3A_212 : i32 to index
      %swap3A_214 = arith.index_cast %add3A_191 : i32 to index
      %swap3A_215 = arith.constant 48 : index
      %swap3A_216 = tpu.vector_load %arg6[%swap3A_213, %swap3A_214, %swap3A_215] {strides = array<i32>} : memref<3x80x128xf32, #tpu.memory_space<vmem>>, vector<1x1x16xf32>,
      %swap3A_217 = vector.shape_cast %swap3A_216 : vector<1x1x16xf32> to vector<16xf32>
      %swap3A_218 = vector.shape_cast %broadcast_in_dim3A_1 : vector<16xf32> to vector<1x1x16xf32>
      tpu.vector_store %arg6[%swap3A_213, %swap3A_214, %swap3A_215], %swap3A_218 {strides = array<i32>} : memref<3x80x128xf32, #tpu.memory_space<vmem>>, vector<1x1x16xf32>,
      %swap3A_219 = arith.constant 2 : i32
      %swap3A_220 = arith.index_cast %swap3A_219 : i32 to index
      %swap3A_221 = arith.index_cast %add3A_191 : i32 to index
      %swap3A_222 = arith.constant 64 : index
      %swap3A_223 = tpu.vector_load %arg6[%swap3A_220, %swap3A_221, %swap3A_222] {strides = array<i32>} : memref<3x80x128xf32, #tpu.memory_space<vmem>>, vector<1x1x16xf32>,
      %swap3A_224 = vector.shape_cast %swap3A_223 : vector<1x1x16xf32> to vector<16xf32>
      %swap3A_225 = vector.shape_cast %broadcast_in_dim3A_1 : vector<16xf32> to vector<1x1x16xf32>
      tpu.vector_store %arg6[%swap3A_220, %swap3A_221, %swap3A_222], %swap3A_225 {strides = array<i32>} : memref<3x80x128xf32, #tpu.memory_space<vmem>>, vector<1x1x16xf32>,
      %swap3A_226 = arith.constant 2 : i32
      %swap3A_227 = arith.index_cast %swap3A_226 : i32 to index
      %swap3A_228 = arith.index_cast %add3A_191 : i32 to index
      %swap3A_229 = arith.constant 80 : index
      %swap3A_230 = tpu.vector_load %arg6[%swap3A_227, %swap3A_228, %swap3A_229] {strides = array<i32>} : memref<3x80x128xf32, #tpu.memory_space<vmem>>, vector<1x1x16xf32>,
      %swap3A_231 = vector.shape_cast %swap3A_230 : vector<1x1x16xf32> to vector<16xf32>
      %swap3A_232 = vector.shape_cast %broadcast_in_dim3A_1 : vector<16xf32> to vector<1x1x16xf32>
      tpu.vector_store %arg6[%swap3A_227, %swap3A_228, %swap3A_229], %swap3A_232 {strides = array<i32>} : memref<3x80x128xf32, #tpu.memory_space<vmem>>, vector<1x1x16xf32>,
      %swap3A_233 = arith.constant 2 : i32
      %swap3A_234 = arith.index_cast %swap3A_233 : i32 to index
      %swap3A_235 = arith.index_cast %add3A_191 : i32 to index
      %swap3A_236 = arith.constant 96 : index
      %swap3A_237 = tpu.vector_load %arg6[%swap3A_234, %swap3A_235, %swap3A_236] {strides = array<i32>} : memref<3x80x128xf32, #tpu.memory_space<vmem>>, vector<1x1x16xf32>,
      %swap3A_238 = vector.shape_cast %swap3A_237 : vector<1x1x16xf32> to vector<16xf32>
      %swap3A_239 = vector.shape_cast %broadcast_in_dim3A_1 : vector<16xf32> to vector<1x1x16xf32>
      tpu.vector_store %arg6[%swap3A_234, %swap3A_235, %swap3A_236], %swap3A_239 {strides = array<i32>} : memref<3x80x128xf32, #tpu.memory_space<vmem>>, vector<1x1x16xf32>,
      %swap3A_240 = arith.constant 2 : i32
      %swap3A_241 = arith.index_cast %swap3A_240 : i32 to index
      %swap3A_242 = arith.index_cast %add3A_191 : i32 to index
      %swap3A_243 = arith.constant 112 : index
      %swap3A_244 = tpu.vector_load %arg6[%swap3A_241, %swap3A_242, %swap3A_243] {strides = array<i32>} : memref<3x80x128xf32, #tpu.memory_space<vmem>>, vector<1x1x16xf32>,
      %swap3A_245 = vector.shape_cast %swap3A_244 : vector<1x1x16xf32> to vector<16xf32>
      %swap3A_246 = vector.shape_cast %broadcast_in_dim3A_1 : vector<16xf32> to vector<1x1x16xf32>
      tpu.vector_store %arg6[%swap3A_241, %swap3A_242, %swap3A_243], %swap3A_246 {strides = array<i32>} : memref<3x80x128xf32, #tpu.memory_space<vmem>>, vector<1x1x16xf32>,
    }
    %scan3A_40 = arith.constant 80 : i32
    %sub3A = arith.constant 125 : i32
    %sub3A_41 = arith.subi %sub3A, %arg1 : i32
    %sub3A_42 = arith.constant 16 : i32
    %sub3A_43 = arith.constant 1 : i32
    %sub3A_44 = arith.subi %sub3A_42, %sub3A_43 : i32
    %add3A_45 = arith.addi %sub3A_41, %sub3A_44 : i32
    %div3A = arith.constant 16 : i32
    %div3A_46 = arith.divsi %add3A_45, %div3A : i32
    %while3A = arith.constant 16 : i32
    %while3A_47 = arith.constant 0 : i32
    %while3A_48 = arith.subi %div3A_46, %while3A_47 : i32
    %while3A_49 = arith.addi %while3A_47, %while3A_48 : i32
    %while3A_50 = arith.constant 1 : i32
    %while3A_51 = arith.divsi %while3A_48, %while3A_50 : i32
    %while3A_52 = arith.muli %while3A_51, %while3A_50 : i32
    %while3A_53 = arith.addi %while3A_47, %while3A_52 : i32
    %while3A_54 = arith.constant 1 : i32
    scf.for %while3A_187 = %while3A_47 to %while3A_53 step %while3A_54  : i32 {
      %mul3A_188 = arith.muli %while3A_187, %while3A : i32
      %add3A_189 = arith.addi %arg1, %mul3A_188 : i32
      %mul3A_190 = arith.constant 80 : i32
      %mul3A_191 = arith.muli %add3A_189, %mul3A_190 : i32
      %dma_start3A_192 = arith.constant 2 : i32
      %dma_start3A_193 = arith.constant 0 : i32
      %dma_start3A_194 = arith.constant 0 : i32
      %dma_start3A_195 = tpu.memref_slice %arg6[%dma_start3A_192, %dma_start3A_193, %dma_start3A_194] : memref<3x80x128xf32, #tpu.memory_space<vmem>> -> memref<1x80x128xf32, #tpu.memory_space<vmem>>
      %dma_start3A_196 = tpu.memref_squeeze %dma_start3A_195 : memref<1x80x128xf32, #tpu.memory_space<vmem>> -> memref<80x128xf32, #tpu.memory_space<vmem>>
      %dma_start3A_197 = arith.constant 0 : i32
      %dma_start3A_198 = tpu.memref_slice %arg7[%mul3A_191, %dma_start3A_197] : memref<10000x128xf32, #tpu.memory_space<vmem_shared>> -> memref<80x128xf32, #tpu.memory_space<vmem_shared>>
      %dma_start3A_199 = arith.constant 0 : i32
      %dma_start3A_200 = tpu.memref_slice %arg7[%mul3A_191, %dma_start3A_199] : memref<10000x128xf32, #tpu.memory_space<vmem_shared>> -> memref<80x128xf32, #tpu.memory_space<vmem_shared>>
      %dma_start3A_201 = arith.constant 0 : i32
      %dma_start3A_202 = arith.constant 0 : i32
      %dma_start3A_203 = tpu.memref_slice %arg6[%dma_start3A_192, %dma_start3A_201, %dma_start3A_202] : memref<3x80x128xf32, #tpu.memory_space<vmem>> -> memref<1x80x128xf32, #tpu.memory_space<vmem>>
      %dma_start3A_204 = tpu.memref_squeeze %dma_start3A_203 : memref<1x80x128xf32, #tpu.memory_space<vmem>> -> memref<80x128xf32, #tpu.memory_space<vmem>>
      tpu.enqueue_dma source(%dma_start3A_204 : memref<80x128xf32, #tpu.memory_space<vmem>>) target(%dma_start3A_200 : memref<80x128xf32, #tpu.memory_space<vmem_shared>>) target_semaphore(%arg9 : memref<!tpu.dma_semaphore, #tpu.memory_space<semaphore_mem>>)
    }
    %while3A_55 = arith.constant 1 : i32
    scf.for %while3A_187 = %while3A_53 to %while3A_49 step %while3A_55  : i32 {
      %mul3A_188 = arith.muli %while3A_187, %while3A : i32
      %add3A_189 = arith.addi %arg1, %mul3A_188 : i32
      %mul3A_190 = arith.constant 80 : i32
      %mul3A_191 = arith.muli %add3A_189, %mul3A_190 : i32
      %dma_start3A_192 = arith.constant 2 : i32
      %dma_start3A_193 = arith.constant 0 : i32
      %dma_start3A_194 = arith.constant 0 : i32
      %dma_start3A_195 = tpu.memref_slice %arg6[%dma_start3A_192, %dma_start3A_193, %dma_start3A_194] : memref<3x80x128xf32, #tpu.memory_space<vmem>> -> memref<1x80x128xf32, #tpu.memory_space<vmem>>
      %dma_start3A_196 = tpu.memref_squeeze %dma_start3A_195 : memref<1x80x128xf32, #tpu.memory_space<vmem>> -> memref<80x128xf32, #tpu.memory_space<vmem>>
      %dma_start3A_197 = arith.constant 0 : i32
      %dma_start3A_198 = tpu.memref_slice %arg7[%mul3A_191, %dma_start3A_197] : memref<10000x128xf32, #tpu.memory_space<vmem_shared>> -> memref<80x128xf32, #tpu.memory_space<vmem_shared>>
      %dma_start3A_199 = arith.constant 0 : i32
      %dma_start3A_200 = tpu.memref_slice %arg7[%mul3A_191, %dma_start3A_199] : memref<10000x128xf32, #tpu.memory_space<vmem_shared>> -> memref<80x128xf32, #tpu.memory_space<vmem_shared>>
      %dma_start3A_201 = arith.constant 0 : i32
      %dma_start3A_202 = arith.constant 0 : i32
      %dma_start3A_203 = tpu.memref_slice %arg6[%dma_start3A_192, %dma_start3A_201, %dma_start3A_202] : memref<3x80x128xf32, #tpu.memory_space<vmem>> -> memref<1x80x128xf32, #tpu.memory_space<vmem>>
      %dma_start3A_204 = tpu.memref_squeeze %dma_start3A_203 : memref<1x80x128xf32, #tpu.memory_space<vmem>> -> memref<80x128xf32, #tpu.memory_space<vmem>>
      tpu.enqueue_dma source(%dma_start3A_204 : memref<80x128xf32, #tpu.memory_space<vmem>>) target(%dma_start3A_200 : memref<80x128xf32, #tpu.memory_space<vmem_shared>>) target_semaphore(%arg9 : memref<!tpu.dma_semaphore, #tpu.memory_space<semaphore_mem>>)
    }
    %sub3A_56 = arith.constant 125 : i32
    %sub3A_57 = arith.subi %sub3A_56, %arg1 : i32
    %sub3A_58 = arith.constant 16 : i32
    %sub3A_59 = arith.constant 1 : i32
    %sub3A_60 = arith.subi %sub3A_58, %sub3A_59 : i32
    %add3A_61 = arith.addi %sub3A_57, %sub3A_60 : i32
    %div3A_62 = arith.constant 16 : i32
    %div3A_63 = arith.divsi %add3A_61, %div3A_62 : i32
    %while3A_64 = arith.constant 16 : i32
    %while3A_65 = arith.constant 0 : i32
    %while3A_66 = arith.subi %div3A_63, %while3A_65 : i32
    %while3A_67 = arith.addi %while3A_65, %while3A_66 : i32
    %while3A_68 = arith.constant 1 : i32
    %while3A_69 = arith.divsi %while3A_66, %while3A_68 : i32
    %while3A_70 = arith.muli %while3A_69, %while3A_68 : i32
    %while3A_71 = arith.addi %while3A_65, %while3A_70 : i32
    %while3A_72 = arith.constant 1 : i32
    scf.for %while3A_187 = %while3A_65 to %while3A_71 step %while3A_72  : i32 {
      %mul3A_188 = arith.muli %while3A_187, %while3A_64 : i32
      %add3A_189 = arith.addi %arg1, %mul3A_188 : i32
      %mul3A_190 = arith.constant 80 : i32
      %mul3A_191 = arith.muli %add3A_189, %mul3A_190 : i32
      %dma_wait3A_192 = arith.constant 2 : i32
      %dma_wait3A_193 = arith.constant 0 : i32
      %dma_wait3A_194 = arith.constant 0 : i32
      %dma_wait3A_195 = tpu.memref_slice %arg6[%dma_wait3A_192, %dma_wait3A_193, %dma_wait3A_194] : memref<3x80x128xf32, #tpu.memory_space<vmem>> -> memref<1x80x128xf32, #tpu.memory_space<vmem>>
      %dma_wait3A_196 = tpu.memref_squeeze %dma_wait3A_195 : memref<1x80x128xf32, #tpu.memory_space<vmem>> -> memref<80x128xf32, #tpu.memory_space<vmem>>
      %dma_wait3A_197 = arith.constant 0 : i32
      %dma_wait3A_198 = tpu.memref_slice %arg7[%mul3A_191, %dma_wait3A_197] : memref<10000x128xf32, #tpu.memory_space<vmem_shared>> -> memref<80x128xf32, #tpu.memory_space<vmem_shared>>
      %dma_wait3A_199 = arith.constant 0 : i32
      %dma_wait3A_200 = tpu.memref_slice %arg7[%mul3A_191, %dma_wait3A_199] : memref<10000x128xf32, #tpu.memory_space<vmem_shared>> -> memref<80x128xf32, #tpu.memory_space<vmem_shared>>
      %dma_wait3A_201 = arith.constant 0 : i32
      %dma_wait3A_202 = arith.constant 0 : i32
      %dma_wait3A_203 = tpu.memref_slice %arg6[%dma_wait3A_192, %dma_wait3A_201, %dma_wait3A_202] : memref<3x80x128xf32, #tpu.memory_space<vmem>> -> memref<1x80x128xf32, #tpu.memory_space<vmem>>
      %dma_wait3A_204 = tpu.memref_squeeze %dma_wait3A_203 : memref<1x80x128xf32, #tpu.memory_space<vmem>> -> memref<80x128xf32, #tpu.memory_space<vmem>>
      tpu.wait_dma2 semaphore(%arg9 : memref<!tpu.dma_semaphore, #tpu.memory_space<semaphore_mem>>) src(%dma_wait3A_204 : memref<80x128xf32, #tpu.memory_space<vmem>>) dst(%dma_wait3A_200 : memref<80x128xf32, #tpu.memory_space<vmem_shared>>)
    }
    %while3A_73 = arith.constant 1 : i32
    scf.for %while3A_187 = %while3A_71 to %while3A_67 step %while3A_73  : i32 {
      %mul3A_188 = arith.muli %while3A_187, %while3A_64 : i32
      %add3A_189 = arith.addi %arg1, %mul3A_188 : i32
      %mul3A_190 = arith.constant 80 : i32
      %mul3A_191 = arith.muli %add3A_189, %mul3A_190 : i32
      %dma_wait3A_192 = arith.constant 2 : i32
      %dma_wait3A_193 = arith.constant 0 : i32
      %dma_wait3A_194 = arith.constant 0 : i32
      %dma_wait3A_195 = tpu.memref_slice %arg6[%dma_wait3A_192, %dma_wait3A_193, %dma_wait3A_194] : memref<3x80x128xf32, #tpu.memory_space<vmem>> -> memref<1x80x128xf32, #tpu.memory_space<vmem>>
      %dma_wait3A_196 = tpu.memref_squeeze %dma_wait3A_195 : memref<1x80x128xf32, #tpu.memory_space<vmem>> -> memref<80x128xf32, #tpu.memory_space<vmem>>
      %dma_wait3A_197 = arith.constant 0 : i32
      %dma_wait3A_198 = tpu.memref_slice %arg7[%mul3A_191, %dma_wait3A_197] : memref<10000x128xf32, #tpu.memory_space<vmem_shared>> -> memref<80x128xf32, #tpu.memory_space<vmem_shared>>
      %dma_wait3A_199 = arith.constant 0 : i32
      %dma_wait3A_200 = tpu.memref_slice %arg7[%mul3A_191, %dma_wait3A_199] : memref<10000x128xf32, #tpu.memory_space<vmem_shared>> -> memref<80x128xf32, #tpu.memory_space<vmem_shared>>
      %dma_wait3A_201 = arith.constant 0 : i32
      %dma_wait3A_202 = arith.constant 0 : i32
      %dma_wait3A_203 = tpu.memref_slice %arg6[%dma_wait3A_192, %dma_wait3A_201, %dma_wait3A_202] : memref<3x80x128xf32, #tpu.memory_space<vmem>> -> memref<1x80x128xf32, #tpu.memory_space<vmem>>
      %dma_wait3A_204 = tpu.memref_squeeze %dma_wait3A_203 : memref<1x80x128xf32, #tpu.memory_space<vmem>> -> memref<80x128xf32, #tpu.memory_space<vmem>>
      tpu.wait_dma2 semaphore(%arg9 : memref<!tpu.dma_semaphore, #tpu.memory_space<semaphore_mem>>) src(%dma_wait3A_204 : memref<80x128xf32, #tpu.memory_space<vmem>>) dst(%dma_wait3A_200 : memref<80x128xf32, #tpu.memory_space<vmem_shared>>)
    }
    %barrier3A = arith.constant 0 : index
    tpu.barrier barrier_id(%barrier3A)
    %dma_wait3A = arith.constant 0 : i32
    %dma_wait3A_74 = arith.constant 0 : i32
    %dma_wait3A_75 = arith.constant 0 : i32
    %dma_wait3A_76 = arith.constant 0 : i32
    %dma_wait3A_77 = tpu.memref_slice %arg5[%dma_wait3A_74, %dma_wait3A_75, %dma_wait3A_76] : memref<4x2x80xi32, #tpu.memory_space<vmem>> -> memref<1x2x80xi32, #tpu.memory_space<vmem>>
    %dma_wait3A_78 = tpu.memref_squeeze %dma_wait3A_77 : memref<1x2x80xi32, #tpu.memory_space<vmem>> -> memref<2x80xi32, #tpu.memory_space<vmem>>
    %dma_wait3A_79 = arith.constant 0 : i32
    %dma_wait3A_80 = arith.constant 0 : i32
    %dma_wait3A_81 = tpu.memref_slice %arg3[%add3A, %dma_wait3A, %dma_wait3A_79, %dma_wait3A_80] : memref<32x125x2x80xi32, #tpu.memory_space<hbm>> -> memref<1x1x2x80xi32, #tpu.memory_space<hbm>>
    %dma_wait3A_82 = tpu.memref_squeeze %dma_wait3A_81 : memref<1x1x2x80xi32, #tpu.memory_space<hbm>> -> memref<2x80xi32, #tpu.memory_space<hbm>>
    %dma_wait3A_83 = arith.constant 0 : i32
    %dma_wait3A_84 = arith.constant 0 : i32
    %dma_wait3A_85 = tpu.memref_slice %arg5[%dma_wait3A_74, %dma_wait3A_83, %dma_wait3A_84] : memref<4x2x80xi32, #tpu.memory_space<vmem>> -> memref<1x2x80xi32, #tpu.memory_space<vmem>>
    %dma_wait3A_86 = tpu.memref_squeeze %dma_wait3A_85 : memref<1x2x80xi32, #tpu.memory_space<vmem>> -> memref<2x80xi32, #tpu.memory_space<vmem>>
    %dma_wait3A_87 = arith.constant 0 : i32
    %dma_wait3A_88 = arith.constant 0 : i32
    %dma_wait3A_89 = tpu.memref_slice %arg3[%add3A, %dma_wait3A, %dma_wait3A_87, %dma_wait3A_88] : memref<32x125x2x80xi32, #tpu.memory_space<hbm>> -> memref<1x1x2x80xi32, #tpu.memory_space<hbm>>
    %dma_wait3A_90 = tpu.memref_squeeze %dma_wait3A_89 : memref<1x1x2x80xi32, #tpu.memory_space<hbm>> -> memref<2x80xi32, #tpu.memory_space<hbm>>
    tpu.wait_dma2 semaphore(%arg8 : memref<!tpu.dma_semaphore, #tpu.memory_space<semaphore_mem>>) src(%dma_wait3A_90 : memref<2x80xi32, #tpu.memory_space<hbm>>) dst(%dma_wait3A_86 : memref<2x80xi32, #tpu.memory_space<vmem>>)
    %dma_start3A_91 = arith.constant 0 : i32
    %dma_start3A_92 = arith.constant 0 : i32
    %dma_start3A_93 = arith.constant 0 : i32
    %dma_start3A_94 = arith.constant 0 : i32
    %dma_start3A_95 = arith.constant 0 : i32
    %dma_start3A_96 = tpu.memref_slice %arg6[%dma_start3A_93, %dma_start3A_94, %dma_start3A_95] : memref<3x80x128xf32, #tpu.memory_space<vmem>> -> memref<1x80x128xf32, #tpu.memory_space<vmem>>
    %dma_start3A_97 = tpu.memref_squeeze %dma_start3A_96 : memref<1x80x128xf32, #tpu.memory_space<vmem>> -> memref<80x128xf32, #tpu.memory_space<vmem>>
    %dma_start3A_98 = arith.constant 0 : i32
    %dma_start3A_99 = tpu.memref_slice %arg5[%dma_start3A_91, %dma_start3A_92, %dma_start3A_98] : memref<4x2x80xi32, #tpu.memory_space<vmem>> -> memref<1x1x80xi32, #tpu.memory_space<vmem>>
    %dma_start3A_100 = tpu.memref_squeeze %dma_start3A_99 : memref<1x1x80xi32, #tpu.memory_space<vmem>> -> memref<80xi32, #tpu.memory_space<vmem>>
    %dma_start3A_101 = arith.constant 0 : i32
    %dma_start3A_102 = arith.constant 0 : i32
    %dma_start3A_103 = tpu.memref_slice %arg2[%dma_start3A_101, %dma_start3A_102] : memref<10000x128xf32, #tpu.memory_space<hbm>> -> memref<10000x128xf32, #tpu.memory_space<hbm>>
    tpu.enqueue_indirect_dma source(%dma_start3A_103 : memref<10000x128xf32, #tpu.memory_space<hbm>>) target(%dma_start3A_97 : memref<80x128xf32, #tpu.memory_space<vmem>>) offsets(%dma_start3A_100 : memref<80xi32, #tpu.memory_space<vmem>>) semaphore(%arg9 : memref<!tpu.dma_semaphore, #tpu.memory_space<semaphore_mem>>)
    %scan3A_104 = arith.constant 0 : i32
    %scan3A_105 = arith.constant 124 : i32
    %scan3A_106 = arith.addi %scan3A_104, %scan3A_105 : i32
    %scan3A_107 = arith.constant 1 : i32
    scf.for %scan3A_187 = %scan3A_104 to %scan3A_106 step %scan3A_107  : i32 {
      %mul3A_188 = arith.constant 1 : i32
      %mul3A_189 = arith.muli %scan3A_187, %mul3A_188 : i32
      %add3A_190 = arith.constant 0 : i32
      %add3A_191 = arith.addi %add3A_190, %mul3A_189 : i32
      %rem3A = arith.constant 3 : i32
      %rem3A_192 = arith.remsi %add3A_191, %rem3A : i32
      %add3A_193 = arith.constant 1 : i32
      %add3A_194 = arith.addi %add3A_191, %add3A_193 : i32
      %rem3A_195 = arith.constant 3 : i32
      %rem3A_196 = arith.remsi %add3A_194, %rem3A_195 : i32
      %rem3A_197 = arith.constant 4 : i32
      %rem3A_198 = arith.remsi %add3A_191, %rem3A_197 : i32
      %add3A_199 = arith.constant 1 : i32
      %add3A_200 = arith.addi %add3A_191, %add3A_199 : i32
      %rem3A_201 = arith.constant 4 : i32
      %rem3A_202 = arith.remsi %add3A_200, %rem3A_201 : i32
      %add3A_203 = arith.constant 2 : i32
      %add3A_204 = arith.addi %add3A_191, %add3A_203 : i32
      %rem3A_205 = arith.constant 4 : i32
      %rem3A_206 = arith.remsi %add3A_204, %rem3A_205 : i32
      %add3A_207 = arith.constant 1 : i32
      %add3A_208 = arith.addi %add3A_191, %add3A_207 : i32
      %dma_wait3A_209 = arith.constant 0 : i32
      %dma_wait3A_210 = arith.constant 0 : i32
      %dma_wait3A_211 = tpu.memref_slice %arg5[%rem3A_202, %dma_wait3A_209, %dma_wait3A_210] : memref<4x2x80xi32, #tpu.memory_space<vmem>> -> memref<1x2x80xi32, #tpu.memory_space<vmem>>
      %dma_wait3A_212 = tpu.memref_squeeze %dma_wait3A_211 : memref<1x2x80xi32, #tpu.memory_space<vmem>> -> memref<2x80xi32, #tpu.memory_space<vmem>>
      %dma_wait3A_213 = arith.constant 0 : i32
      %dma_wait3A_214 = arith.constant 0 : i32
      %dma_wait3A_215 = tpu.memref_slice %arg3[%add3A, %add3A_208, %dma_wait3A_213, %dma_wait3A_214] : memref<32x125x2x80xi32, #tpu.memory_space<hbm>> -> memref<1x1x2x80xi32, #tpu.memory_space<hbm>>
      %dma_wait3A_216 = tpu.memref_squeeze %dma_wait3A_215 : memref<1x1x2x80xi32, #tpu.memory_space<hbm>> -> memref<2x80xi32, #tpu.memory_space<hbm>>
      %dma_wait3A_217 = arith.constant 0 : i32
      %dma_wait3A_218 = arith.constant 0 : i32
      %dma_wait3A_219 = tpu.memref_slice %arg5[%rem3A_202, %dma_wait3A_217, %dma_wait3A_218] : memref<4x2x80xi32, #tpu.memory_space<vmem>> -> memref<1x2x80xi32, #tpu.memory_space<vmem>>
      %dma_wait3A_220 = tpu.memref_squeeze %dma_wait3A_219 : memref<1x2x80xi32, #tpu.memory_space<vmem>> -> memref<2x80xi32, #tpu.memory_space<vmem>>
      %dma_wait3A_221 = arith.constant 0 : i32
      %dma_wait3A_222 = arith.constant 0 : i32
      %dma_wait3A_223 = tpu.memref_slice %arg3[%add3A, %add3A_208, %dma_wait3A_221, %dma_wait3A_222] : memref<32x125x2x80xi32, #tpu.memory_space<hbm>> -> memref<1x1x2x80xi32, #tpu.memory_space<hbm>>
      %dma_wait3A_224 = tpu.memref_squeeze %dma_wait3A_223 : memref<1x1x2x80xi32, #tpu.memory_space<hbm>> -> memref<2x80xi32, #tpu.memory_space<hbm>>
      tpu.wait_dma2 semaphore(%arg8 : memref<!tpu.dma_semaphore, #tpu.memory_space<semaphore_mem>>) src(%dma_wait3A_224 : memref<2x80xi32, #tpu.memory_space<hbm>>) dst(%dma_wait3A_220 : memref<2x80xi32, #tpu.memory_space<vmem>>)
      %ge3A = arith.constant 2 : i32
      %ge3A_225 = arith.cmpi sge, %add3A_191, %ge3A : i32
      %convert_element_type3A = arith.extui %ge3A_225 : i1 to i32
      %cond3A = arith.constant 0 : i32
      %cond3A_226 = arith.cmpi ne, %convert_element_type3A, %cond3A : i32
      scf.if %cond3A_226 {
        %dma_wait3A_264 = arith.constant 1 : i32
        %dma_wait3A_265 = arith.constant 0 : i32
        %dma_wait3A_266 = arith.constant 0 : i32
        %dma_wait3A_267 = tpu.memref_slice %arg6[%rem3A_196, %dma_wait3A_265, %dma_wait3A_266] : memref<3x80x128xf32, #tpu.memory_space<vmem>> -> memref<1x80x128xf32, #tpu.memory_space<vmem>>
        %dma_wait3A_268 = tpu.memref_squeeze %dma_wait3A_267 : memref<1x80x128xf32, #tpu.memory_space<vmem>> -> memref<80x128xf32, #tpu.memory_space<vmem>>
        %dma_wait3A_269 = arith.constant 0 : i32
        %dma_wait3A_270 = tpu.memref_slice %arg5[%rem3A_206, %dma_wait3A_264, %dma_wait3A_269] : memref<4x2x80xi32, #tpu.memory_space<vmem>> -> memref<1x1x80xi32, #tpu.memory_space<vmem>>
        %dma_wait3A_271 = tpu.memref_squeeze %dma_wait3A_270 : memref<1x1x80xi32, #tpu.memory_space<vmem>> -> memref<80xi32, #tpu.memory_space<vmem>>
        %dma_wait3A_272 = arith.constant 0 : i32
        %dma_wait3A_273 = arith.constant 0 : i32
        %dma_wait3A_274 = tpu.memref_slice %arg7[%dma_wait3A_272, %dma_wait3A_273] : memref<10000x128xf32, #tpu.memory_space<vmem_shared>> -> memref<10000x128xf32, #tpu.memory_space<vmem_shared>>
        tpu.wait_indirect_dma semaphore(%arg10 : memref<!tpu.dma_semaphore, #tpu.memory_space<semaphore_mem>>) src(%dma_wait3A_268 : memref<80x128xf32, #tpu.memory_space<vmem>>) dst(%dma_wait3A_274 : memref<10000x128xf32, #tpu.memory_space<vmem_shared>>)
      } else {
      }
      %dma_start3A_227 = arith.constant 0 : i32
      %dma_start3A_228 = arith.constant 0 : i32
      %dma_start3A_229 = arith.constant 0 : i32
      %dma_start3A_230 = tpu.memref_slice %arg6[%rem3A_196, %dma_start3A_228, %dma_start3A_229] : memref<3x80x128xf32, #tpu.memory_space<vmem>> -> memref<1x80x128xf32, #tpu.memory_space<vmem>>
      %dma_start3A_231 = tpu.memref_squeeze %dma_start3A_230 : memref<1x80x128xf32, #tpu.memory_space<vmem>> -> memref<80x128xf32, #tpu.memory_space<vmem>>
      %dma_start3A_232 = arith.constant 0 : i32
      %dma_start3A_233 = tpu.memref_slice %arg5[%rem3A_202, %dma_start3A_227, %dma_start3A_232] : memref<4x2x80xi32, #tpu.memory_space<vmem>> -> memref<1x1x80xi32, #tpu.memory_space<vmem>>
      %dma_start3A_234 = tpu.memref_squeeze %dma_start3A_233 : memref<1x1x80xi32, #tpu.memory_space<vmem>> -> memref<80xi32, #tpu.memory_space<vmem>>
      %dma_start3A_235 = arith.constant 0 : i32
      %dma_start3A_236 = arith.constant 0 : i32
      %dma_start3A_237 = tpu.memref_slice %arg2[%dma_start3A_235, %dma_start3A_236] : memref<10000x128xf32, #tpu.memory_space<hbm>> -> memref<10000x128xf32, #tpu.memory_space<hbm>>
      tpu.enqueue_indirect_dma source(%dma_start3A_237 : memref<10000x128xf32, #tpu.memory_space<hbm>>) target(%dma_start3A_231 : memref<80x128xf32, #tpu.memory_space<vmem>>) offsets(%dma_start3A_234 : memref<80xi32, #tpu.memory_space<vmem>>) semaphore(%arg9 : memref<!tpu.dma_semaphore, #tpu.memory_space<semaphore_mem>>)
      %dma_wait3A_238 = arith.constant 0 : i32
      %dma_wait3A_239 = arith.constant 0 : i32
      %dma_wait3A_240 = arith.constant 0 : i32
      %dma_wait3A_241 = tpu.memref_slice %arg6[%rem3A_192, %dma_wait3A_239, %dma_wait3A_240] : memref<3x80x128xf32, #tpu.memory_space<vmem>> -> memref<1x80x128xf32, #tpu.memory_space<vmem>>
      %dma_wait3A_242 = tpu.memref_squeeze %dma_wait3A_241 : memref<1x80x128xf32, #tpu.memory_space<vmem>> -> memref<80x128xf32, #tpu.memory_space<vmem>>
      %dma_wait3A_243 = arith.constant 0 : i32
      %dma_wait3A_244 = tpu.memref_slice %arg5[%rem3A_198, %dma_wait3A_238, %dma_wait3A_243] : memref<4x2x80xi32, #tpu.memory_space<vmem>> -> memref<1x1x80xi32, #tpu.memory_space<vmem>>
      %dma_wait3A_245 = tpu.memref_squeeze %dma_wait3A_244 : memref<1x1x80xi32, #tpu.memory_space<vmem>> -> memref<80xi32, #tpu.memory_space<vmem>>
      %dma_wait3A_246 = arith.constant 0 : i32
      %dma_wait3A_247 = arith.constant 0 : i32
      %dma_wait3A_248 = tpu.memref_slice %arg2[%dma_wait3A_246, %dma_wait3A_247] : memref<10000x128xf32, #tpu.memory_space<hbm>> -> memref<10000x128xf32, #tpu.memory_space<hbm>>
      tpu.wait_indirect_dma semaphore(%arg9 : memref<!tpu.dma_semaphore, #tpu.memory_space<semaphore_mem>>) src(%dma_wait3A_248 : memref<10000x128xf32, #tpu.memory_space<hbm>>) dst(%dma_wait3A_242 : memref<80x128xf32, #tpu.memory_space<vmem>>)
      %dma_start3A_249 = arith.constant 1 : i32
      %dma_start3A_250 = arith.constant 0 : i32
      %dma_start3A_251 = arith.constant 0 : i32
      %dma_start3A_252 = tpu.memref_slice %arg6[%rem3A_192, %dma_start3A_250, %dma_start3A_251] : memref<3x80x128xf32, #tpu.memory_space<vmem>> -> memref<1x80x128xf32, #tpu.memory_space<vmem>>
      %dma_start3A_253 = tpu.memref_squeeze %dma_start3A_252 : memref<1x80x128xf32, #tpu.memory_space<vmem>> -> memref<80x128xf32, #tpu.memory_space<vmem>>
      %dma_start3A_254 = arith.constant 0 : i32
      %dma_start3A_255 = tpu.memref_slice %arg5[%rem3A_198, %dma_start3A_249, %dma_start3A_254] : memref<4x2x80xi32, #tpu.memory_space<vmem>> -> memref<1x1x80xi32, #tpu.memory_space<vmem>>
      %dma_start3A_256 = tpu.memref_squeeze %dma_start3A_255 : memref<1x1x80xi32, #tpu.memory_space<vmem>> -> memref<80xi32, #tpu.memory_space<vmem>>
      %dma_start3A_257 = arith.constant 0 : i32
      %dma_start3A_258 = arith.constant 0 : i32
      %dma_start3A_259 = tpu.memref_slice %arg7[%dma_start3A_257, %dma_start3A_258] : memref<10000x128xf32, #tpu.memory_space<vmem_shared>> -> memref<10000x128xf32, #tpu.memory_space<vmem_shared>>
      tpu.enqueue_indirect_dma source(%dma_start3A_253 : memref<80x128xf32, #tpu.memory_space<vmem>>) target(%dma_start3A_259 : memref<10000x128xf32, #tpu.memory_space<vmem_shared>>) offsets(%dma_start3A_256 : memref<80xi32, #tpu.memory_space<vmem>>) semaphore(%arg10 : memref<!tpu.dma_semaphore, #tpu.memory_space<semaphore_mem>>) {add = true}
      %lt3A = arith.constant 123 : i32
      %lt3A_260 = arith.cmpi slt, %add3A_191, %lt3A : i32
      %convert_element_type3A_261 = arith.extui %lt3A_260 : i1 to i32
      %cond3A_262 = arith.constant 0 : i32
      %cond3A_263 = arith.cmpi ne, %convert_element_type3A_261, %cond3A_262 : i32
      scf.if %cond3A_263 {
        %add3A_264 = arith.constant 2 : i32
        %add3A_265 = arith.addi %add3A_191, %add3A_264 : i32
        %dma_start3A_266 = arith.constant 0 : i32
        %dma_start3A_267 = arith.constant 0 : i32
        %dma_start3A_268 = tpu.memref_slice %arg5[%rem3A_206, %dma_start3A_266, %dma_start3A_267] : memref<4x2x80xi32, #tpu.memory_space<vmem>> -> memref<1x2x80xi32, #tpu.memory_space<vmem>>
        %dma_start3A_269 = tpu.memref_squeeze %dma_start3A_268 : memref<1x2x80xi32, #tpu.memory_space<vmem>> -> memref<2x80xi32, #tpu.memory_space<vmem>>
        %dma_start3A_270 = arith.constant 0 : i32
        %dma_start3A_271 = arith.constant 0 : i32
        %dma_start3A_272 = tpu.memref_slice %arg3[%add3A, %add3A_265, %dma_start3A_270, %dma_start3A_271] : memref<32x125x2x80xi32, #tpu.memory_space<hbm>> -> memref<1x1x2x80xi32, #tpu.memory_space<hbm>>
        %dma_start3A_273 = tpu.memref_squeeze %dma_start3A_272 : memref<1x1x2x80xi32, #tpu.memory_space<hbm>> -> memref<2x80xi32, #tpu.memory_space<hbm>>
        %dma_start3A_274 = arith.constant 0 : i32
        %dma_start3A_275 = arith.constant 0 : i32
        %dma_start3A_276 = tpu.memref_slice %arg5[%rem3A_206, %dma_start3A_274, %dma_start3A_275] : memref<4x2x80xi32, #tpu.memory_space<vmem>> -> memref<1x2x80xi32, #tpu.memory_space<vmem>>
        %dma_start3A_277 = tpu.memref_squeeze %dma_start3A_276 : memref<1x2x80xi32, #tpu.memory_space<vmem>> -> memref<2x80xi32, #tpu.memory_space<vmem>>
        %dma_start3A_278 = arith.constant 0 : i32
        %dma_start3A_279 = arith.constant 0 : i32
        %dma_start3A_280 = tpu.memref_slice %arg3[%add3A, %add3A_265, %dma_start3A_278, %dma_start3A_279] : memref<32x125x2x80xi32, #tpu.memory_space<hbm>> -> memref<1x1x2x80xi32, #tpu.memory_space<hbm>>
        %dma_start3A_281 = tpu.memref_squeeze %dma_start3A_280 : memref<1x1x2x80xi32, #tpu.memory_space<hbm>> -> memref<2x80xi32, #tpu.memory_space<hbm>>
        tpu.enqueue_dma source(%dma_start3A_281 : memref<2x80xi32, #tpu.memory_space<hbm>>) target(%dma_start3A_277 : memref<2x80xi32, #tpu.memory_space<vmem>>) target_semaphore(%arg8 : memref<!tpu.dma_semaphore, #tpu.memory_space<semaphore_mem>>)
      } else {
      }
    }
    %scan3A_108 = arith.constant 124 : i32
    %dma_wait3A_109 = arith.constant 0 : i32
    %dma_wait3A_110 = arith.constant 0 : i32
    %dma_wait3A_111 = arith.constant 1 : i32
    %dma_wait3A_112 = arith.constant 0 : i32
    %dma_wait3A_113 = arith.constant 0 : i32
    %dma_wait3A_114 = tpu.memref_slice %arg6[%dma_wait3A_109, %dma_wait3A_112, %dma_wait3A_113] : memref<3x80x128xf32, #tpu.memory_space<vmem>> -> memref<1x80x128xf32, #tpu.memory_space<vmem>>
    %dma_wait3A_115 = tpu.memref_squeeze %dma_wait3A_114 : memref<1x80x128xf32, #tpu.memory_space<vmem>> -> memref<80x128xf32, #tpu.memory_space<vmem>>
    %dma_wait3A_116 = arith.constant 0 : i32
    %dma_wait3A_117 = tpu.memref_slice %arg5[%dma_wait3A_110, %dma_wait3A_111, %dma_wait3A_116] : memref<4x2x80xi32, #tpu.memory_space<vmem>> -> memref<1x1x80xi32, #tpu.memory_space<vmem>>
    %dma_wait3A_118 = tpu.memref_squeeze %dma_wait3A_117 : memref<1x1x80xi32, #tpu.memory_space<vmem>> -> memref<80xi32, #tpu.memory_space<vmem>>
    %dma_wait3A_119 = arith.constant 0 : i32
    %dma_wait3A_120 = arith.constant 0 : i32
    %dma_wait3A_121 = tpu.memref_slice %arg7[%dma_wait3A_119, %dma_wait3A_120] : memref<10000x128xf32, #tpu.memory_space<vmem_shared>> -> memref<10000x128xf32, #tpu.memory_space<vmem_shared>>
    tpu.wait_indirect_dma semaphore(%arg10 : memref<!tpu.dma_semaphore, #tpu.memory_space<semaphore_mem>>) src(%dma_wait3A_115 : memref<80x128xf32, #tpu.memory_space<vmem>>) dst(%dma_wait3A_121 : memref<10000x128xf32, #tpu.memory_space<vmem_shared>>)
    %dma_wait3A_122 = arith.constant 0 : i32
    %dma_wait3A_123 = arith.constant 0 : i32
    %dma_wait3A_124 = arith.constant 1 : i32
    %dma_wait3A_125 = arith.constant 0 : i32
    %dma_wait3A_126 = arith.constant 0 : i32
    %dma_wait3A_127 = tpu.memref_slice %arg6[%dma_wait3A_122, %dma_wait3A_125, %dma_wait3A_126] : memref<3x80x128xf32, #tpu.memory_space<vmem>> -> memref<1x80x128xf32, #tpu.memory_space<vmem>>
    %dma_wait3A_128 = tpu.memref_squeeze %dma_wait3A_127 : memref<1x80x128xf32, #tpu.memory_space<vmem>> -> memref<80x128xf32, #tpu.memory_space<vmem>>
    %dma_wait3A_129 = arith.constant 0 : i32
    %dma_wait3A_130 = tpu.memref_slice %arg5[%dma_wait3A_123, %dma_wait3A_124, %dma_wait3A_129] : memref<4x2x80xi32, #tpu.memory_space<vmem>> -> memref<1x1x80xi32, #tpu.memory_space<vmem>>
    %dma_wait3A_131 = tpu.memref_squeeze %dma_wait3A_130 : memref<1x1x80xi32, #tpu.memory_space<vmem>> -> memref<80xi32, #tpu.memory_space<vmem>>
    %dma_wait3A_132 = arith.constant 0 : i32
    %dma_wait3A_133 = arith.constant 0 : i32
    %dma_wait3A_134 = tpu.memref_slice %arg7[%dma_wait3A_132, %dma_wait3A_133] : memref<10000x128xf32, #tpu.memory_space<vmem_shared>> -> memref<10000x128xf32, #tpu.memory_space<vmem_shared>>
    tpu.wait_indirect_dma semaphore(%arg10 : memref<!tpu.dma_semaphore, #tpu.memory_space<semaphore_mem>>) src(%dma_wait3A_128 : memref<80x128xf32, #tpu.memory_space<vmem>>) dst(%dma_wait3A_134 : memref<10000x128xf32, #tpu.memory_space<vmem_shared>>)
    %dma_wait3A_135 = arith.constant 0 : i32
    %dma_wait3A_136 = arith.constant 0 : i32
    %dma_wait3A_137 = arith.constant 1 : i32
    %dma_wait3A_138 = arith.constant 0 : i32
    %dma_wait3A_139 = arith.constant 0 : i32
    %dma_wait3A_140 = tpu.memref_slice %arg6[%dma_wait3A_137, %dma_wait3A_138, %dma_wait3A_139] : memref<3x80x128xf32, #tpu.memory_space<vmem>> -> memref<1x80x128xf32, #tpu.memory_space<vmem>>
    %dma_wait3A_141 = tpu.memref_squeeze %dma_wait3A_140 : memref<1x80x128xf32, #tpu.memory_space<vmem>> -> memref<80x128xf32, #tpu.memory_space<vmem>>
    %dma_wait3A_142 = arith.constant 0 : i32
    %dma_wait3A_143 = tpu.memref_slice %arg5[%dma_wait3A_135, %dma_wait3A_136, %dma_wait3A_142] : memref<4x2x80xi32, #tpu.memory_space<vmem>> -> memref<1x1x80xi32, #tpu.memory_space<vmem>>
    %dma_wait3A_144 = tpu.memref_squeeze %dma_wait3A_143 : memref<1x1x80xi32, #tpu.memory_space<vmem>> -> memref<80xi32, #tpu.memory_space<vmem>>
    %dma_wait3A_145 = arith.constant 0 : i32
    %dma_wait3A_146 = arith.constant 0 : i32
    %dma_wait3A_147 = tpu.memref_slice %arg2[%dma_wait3A_145, %dma_wait3A_146] : memref<10000x128xf32, #tpu.memory_space<hbm>> -> memref<10000x128xf32, #tpu.memory_space<hbm>>
    tpu.wait_indirect_dma semaphore(%arg9 : memref<!tpu.dma_semaphore, #tpu.memory_space<semaphore_mem>>) src(%dma_wait3A_147 : memref<10000x128xf32, #tpu.memory_space<hbm>>) dst(%dma_wait3A_141 : memref<80x128xf32, #tpu.memory_space<vmem>>)
    %run_scoped3A = arith.constant 1 : i32
    %run_scoped3A_148 = arith.constant 0 : i32
    %run_scoped3A_149 = arith.constant 1 : i32
    "tpu.region"() ({
      %run_scoped3A_187 = tpu.sem_alloc : memref<!tpu.dma_semaphore, #tpu.memory_space<semaphore_mem>>
      %dma_start3A_188 = arith.constant 0 : i32
      %dma_start3A_189 = arith.constant 0 : i32
      %dma_start3A_190 = tpu.memref_slice %arg6[%run_scoped3A, %dma_start3A_188, %dma_start3A_189] : memref<3x80x128xf32, #tpu.memory_space<vmem>> -> memref<1x80x128xf32, #tpu.memory_space<vmem>>
      %dma_start3A_191 = tpu.memref_squeeze %dma_start3A_190 : memref<1x80x128xf32, #tpu.memory_space<vmem>> -> memref<80x128xf32, #tpu.memory_space<vmem>>
      %dma_start3A_192 = arith.constant 0 : i32
      %dma_start3A_193 = tpu.memref_slice %arg5[%run_scoped3A_148, %run_scoped3A_149, %dma_start3A_192] : memref<4x2x80xi32, #tpu.memory_space<vmem>> -> memref<1x1x80xi32, #tpu.memory_space<vmem>>
      %dma_start3A_194 = tpu.memref_squeeze %dma_start3A_193 : memref<1x1x80xi32, #tpu.memory_space<vmem>> -> memref<80xi32, #tpu.memory_space<vmem>>
      %dma_start3A_195 = arith.constant 0 : i32
      %dma_start3A_196 = arith.constant 0 : i32
      %dma_start3A_197 = tpu.memref_slice %arg7[%dma_start3A_195, %dma_start3A_196] : memref<10000x128xf32, #tpu.memory_space<vmem_shared>> -> memref<10000x128xf32, #tpu.memory_space<vmem_shared>>
      tpu.enqueue_indirect_dma source(%dma_start3A_191 : memref<80x128xf32, #tpu.memory_space<vmem>>) target(%dma_start3A_197 : memref<10000x128xf32, #tpu.memory_space<vmem_shared>>) offsets(%dma_start3A_194 : memref<80xi32, #tpu.memory_space<vmem>>) semaphore(%run_scoped3A_187 : memref<!tpu.dma_semaphore, #tpu.memory_space<semaphore_mem>>) {add = true}
      %dma_wait3A_198 = arith.constant 0 : i32
      %dma_wait3A_199 = arith.constant 0 : i32
      %dma_wait3A_200 = tpu.memref_slice %arg6[%run_scoped3A, %dma_wait3A_198, %dma_wait3A_199] : memref<3x80x128xf32, #tpu.memory_space<vmem>> -> memref<1x80x128xf32, #tpu.memory_space<vmem>>
      %dma_wait3A_201 = tpu.memref_squeeze %dma_wait3A_200 : memref<1x80x128xf32, #tpu.memory_space<vmem>> -> memref<80x128xf32, #tpu.memory_space<vmem>>
      %dma_wait3A_202 = arith.constant 0 : i32
      %dma_wait3A_203 = tpu.memref_slice %arg5[%run_scoped3A_148, %run_scoped3A_149, %dma_wait3A_202] : memref<4x2x80xi32, #tpu.memory_space<vmem>> -> memref<1x1x80xi32, #tpu.memory_space<vmem>>
      %dma_wait3A_204 = tpu.memref_squeeze %dma_wait3A_203 : memref<1x1x80xi32, #tpu.memory_space<vmem>> -> memref<80xi32, #tpu.memory_space<vmem>>
      %dma_wait3A_205 = arith.constant 0 : i32
      %dma_wait3A_206 = arith.constant 0 : i32
      %dma_wait3A_207 = tpu.memref_slice %arg7[%dma_wait3A_205, %dma_wait3A_206] : memref<10000x128xf32, #tpu.memory_space<vmem_shared>> -> memref<10000x128xf32, #tpu.memory_space<vmem_shared>>
      tpu.wait_indirect_dma semaphore(%run_scoped3A_187 : memref<!tpu.dma_semaphore, #tpu.memory_space<semaphore_mem>>) src(%dma_wait3A_201 : memref<80x128xf32, #tpu.memory_space<vmem>>) dst(%dma_wait3A_207 : memref<10000x128xf32, #tpu.memory_space<vmem_shared>>)
      tpu.yield
    }) : () -> ()
    %barrier3A_150 = arith.constant 0 : index
    tpu.barrier barrier_id(%barrier3A_150)
    %sub3A_151 = arith.constant 125 : i32
    %sub3A_152 = arith.subi %sub3A_151, %arg1 : i32
    %sub3A_153 = arith.constant 16 : i32
    %sub3A_154 = arith.constant 1 : i32
    %sub3A_155 = arith.subi %sub3A_153, %sub3A_154 : i32
    %add3A_156 = arith.addi %sub3A_152, %sub3A_155 : i32
    %div3A_157 = arith.constant 16 : i32
    %div3A_158 = arith.divsi %add3A_156, %div3A_157 : i32
    %while3A_159 = arith.constant 16 : i32
    %while3A_160 = arith.constant 0 : i32
    %while3A_161 = arith.subi %div3A_158, %while3A_160 : i32
    %while3A_162 = arith.addi %while3A_160, %while3A_161 : i32
    %while3A_163 = arith.constant 1 : i32
    %while3A_164 = arith.divsi %while3A_161, %while3A_163 : i32
    %while3A_165 = arith.muli %while3A_164, %while3A_163 : i32
    %while3A_166 = arith.addi %while3A_160, %while3A_165 : i32
    %while3A_167 = arith.constant 1 : i32
    scf.for %while3A_187 = %while3A_160 to %while3A_166 step %while3A_167  : i32 {
      %mul3A_188 = arith.muli %while3A_187, %while3A_159 : i32
      %add3A_189 = arith.addi %arg1, %mul3A_188 : i32
      %mul3A_190 = arith.constant 80 : i32
      %mul3A_191 = arith.muli %add3A_189, %mul3A_190 : i32
      %dma_start3A_192 = arith.constant 0 : i32
      %dma_start3A_193 = tpu.memref_slice %arg4[%arg0, %mul3A_191, %dma_start3A_192] : memref<2x10000x128xf32, #tpu.memory_space<hbm>> -> memref<1x80x128xf32, #tpu.memory_space<hbm>>
      %dma_start3A_194 = tpu.memref_squeeze %dma_start3A_193 : memref<1x80x128xf32, #tpu.memory_space<hbm>> -> memref<80x128xf32, #tpu.memory_space<hbm>>
      %dma_start3A_195 = arith.constant 0 : i32
      %dma_start3A_196 = tpu.memref_slice %arg7[%mul3A_191, %dma_start3A_195] : memref<10000x128xf32, #tpu.memory_space<vmem_shared>> -> memref<80x128xf32, #tpu.memory_space<vmem_shared>>
      tpu.enqueue_dma source(%dma_start3A_196 : memref<80x128xf32, #tpu.memory_space<vmem_shared>>) target(%dma_start3A_194 : memref<80x128xf32, #tpu.memory_space<hbm>>) target_semaphore(%arg9 : memref<!tpu.dma_semaphore, #tpu.memory_space<semaphore_mem>>)
    }
    %while3A_168 = arith.constant 1 : i32
    scf.for %while3A_187 = %while3A_166 to %while3A_162 step %while3A_168  : i32 {
      %mul3A_188 = arith.muli %while3A_187, %while3A_159 : i32
      %add3A_189 = arith.addi %arg1, %mul3A_188 : i32
      %mul3A_190 = arith.constant 80 : i32
      %mul3A_191 = arith.muli %add3A_189, %mul3A_190 : i32
      %dma_start3A_192 = arith.constant 0 : i32
      %dma_start3A_193 = tpu.memref_slice %arg4[%arg0, %mul3A_191, %dma_start3A_192] : memref<2x10000x128xf32, #tpu.memory_space<hbm>> -> memref<1x80x128xf32, #tpu.memory_space<hbm>>
      %dma_start3A_194 = tpu.memref_squeeze %dma_start3A_193 : memref<1x80x128xf32, #tpu.memory_space<hbm>> -> memref<80x128xf32, #tpu.memory_space<hbm>>
      %dma_start3A_195 = arith.constant 0 : i32
      %dma_start3A_196 = tpu.memref_slice %arg7[%mul3A_191, %dma_start3A_195] : memref<10000x128xf32, #tpu.memory_space<vmem_shared>> -> memref<80x128xf32, #tpu.memory_space<vmem_shared>>
      tpu.enqueue_dma source(%dma_start3A_196 : memref<80x128xf32, #tpu.memory_space<vmem_shared>>) target(%dma_start3A_194 : memref<80x128xf32, #tpu.memory_space<hbm>>) target_semaphore(%arg9 : memref<!tpu.dma_semaphore, #tpu.memory_space<semaphore_mem>>)
    }
    %sub3A_169 = arith.constant 125 : i32
    %sub3A_170 = arith.subi %sub3A_169, %arg1 : i32
    %sub3A_171 = arith.constant 16 : i32
    %sub3A_172 = arith.constant 1 : i32
    %sub3A_173 = arith.subi %sub3A_171, %sub3A_172 : i32
    %add3A_174 = arith.addi %sub3A_170, %sub3A_173 : i32
    %div3A_175 = arith.constant 16 : i32
    %div3A_176 = arith.divsi %add3A_174, %div3A_175 : i32
    %while3A_177 = arith.constant 16 : i32
    %while3A_178 = arith.constant 0 : i32
    %while3A_179 = arith.subi %div3A_176, %while3A_178 : i32
    %while3A_180 = arith.addi %while3A_178, %while3A_179 : i32
    %while3A_181 = arith.constant 1 : i32
    %while3A_182 = arith.divsi %while3A_179, %while3A_181 : i32
    %while3A_183 = arith.muli %while3A_182, %while3A_181 : i32
    %while3A_184 = arith.addi %while3A_178, %while3A_183 : i32
    %while3A_185 = arith.constant 1 : i32
    scf.for %while3A_187 = %while3A_178 to %while3A_184 step %while3A_185  : i32 {
      %mul3A_188 = arith.muli %while3A_187, %while3A_177 : i32
      %add3A_189 = arith.addi %arg1, %mul3A_188 : i32
      %mul3A_190 = arith.constant 80 : i32
      %mul3A_191 = arith.muli %add3A_189, %mul3A_190 : i32
      %dma_wait3A_192 = arith.constant 0 : i32
      %dma_wait3A_193 = tpu.memref_slice %arg4[%arg0, %mul3A_191, %dma_wait3A_192] : memref<2x10000x128xf32, #tpu.memory_space<hbm>> -> memref<1x80x128xf32, #tpu.memory_space<hbm>>
      %dma_wait3A_194 = tpu.memref_squeeze %dma_wait3A_193 : memref<1x80x128xf32, #tpu.memory_space<hbm>> -> memref<80x128xf32, #tpu.memory_space<hbm>>
      %dma_wait3A_195 = arith.constant 0 : i32
      %dma_wait3A_196 = tpu.memref_slice %arg7[%mul3A_191, %dma_wait3A_195] : memref<10000x128xf32, #tpu.memory_space<vmem_shared>> -> memref<80x128xf32, #tpu.memory_space<vmem_shared>>
      tpu.wait_dma2 semaphore(%arg9 : memref<!tpu.dma_semaphore, #tpu.memory_space<semaphore_mem>>) src(%dma_wait3A_196 : memref<80x128xf32, #tpu.memory_space<vmem_shared>>) dst(%dma_wait3A_194 : memref<80x128xf32, #tpu.memory_space<hbm>>)
    }
    %while3A_186 = arith.constant 1 : i32
    scf.for %while3A_187 = %while3A_184 to %while3A_180 step %while3A_186  : i32 {
      %mul3A_188 = arith.muli %while3A_187, %while3A_177 : i32
      %add3A_189 = arith.addi %arg1, %mul3A_188 : i32
      %mul3A_190 = arith.constant 80 : i32
      %mul3A_191 = arith.muli %add3A_189, %mul3A_190 : i32
      %dma_wait3A_192 = arith.constant 0 : i32
      %dma_wait3A_193 = tpu.memref_slice %arg4[%arg0, %mul3A_191, %dma_wait3A_192] : memref<2x10000x128xf32, #tpu.memory_space<hbm>> -> memref<1x80x128xf32, #tpu.memory_space<hbm>>
      %dma_wait3A_194 = tpu.memref_squeeze %dma_wait3A_193 : memref<1x80x128xf32, #tpu.memory_space<hbm>> -> memref<80x128xf32, #tpu.memory_space<hbm>>
      %dma_wait3A_195 = arith.constant 0 : i32
      %dma_wait3A_196 = tpu.memref_slice %arg7[%mul3A_191, %dma_wait3A_195] : memref<10000x128xf32, #tpu.memory_space<vmem_shared>> -> memref<80x128xf32, #tpu.memory_space<vmem_shared>>
      tpu.wait_dma2 semaphore(%arg9 : memref<!tpu.dma_semaphore, #tpu.memory_space<semaphore_mem>>) src(%dma_wait3A_196 : memref<80x128xf32, #tpu.memory_space<vmem_shared>>) dst(%dma_wait3A_194 : memref<80x128xf32, #tpu.memory_space<hbm>>)
    }
    return
  }
}

#map = affine_map<(d0, d1) -> (0, 0, 0)>
module attributes {stable_mosaic.version = 14 : i64} {
  func.func @_deg_body(%arg0: i32, %arg1: i32, %arg2: memref<32x125x80xi32, #tpu.memory_space<hbm>>, %arg3: memref<2x10000x16xf32, #tpu.memory_space<hbm>>, %arg4: memref<125x80xi32, #tpu.memory_space<vmem>>, %arg5: memref<80x16xf32, #tpu.memory_space<vmem>>, %arg6: memref<80x16xf32, #tpu.memory_space<vmem>>, %arg7: memref<10000x16xf32, #tpu.memory_space<vmem_shared>>, %arg8: memref<!tpu.dma_semaphore, #tpu.memory_space<semaphore_mem>>, %arg9: memref<!tpu.dma_semaphore, #tpu.memory_space<semaphore_mem>>, %arg10: memref<!tpu.dma_semaphore, #tpu.memory_space<semaphore_mem>>) attributes {dimension_semantics = [#tpu.dimension_semantics<core_parallel>, #tpu.dimension_semantics<subcore_parallel>], iteration_bounds = array<i64: 2, 16>, scalar_prefetch = 0 : i64, scratch_operands = 7 : i64, tpu.core_type = #tpu.core_type<sc_vector_subcore>, window_params = [{transform_indices = #map}, {transform_indices = #map}]} {
    %mul3A = arith.constant 16 : i32
    %mul3A_0 = arith.muli %arg0, %mul3A : i32
    %add3A = arith.addi %mul3A_0, %arg1 : i32
    %broadcast_in_dim3A = arith.constant 1.000000e+00 : f32
    %broadcast_in_dim3A_1 = vector.broadcast %broadcast_in_dim3A : f32 to vector<16xf32>
    %broadcast_in_dim3A_2 = arith.constant 0.000000e+00 : f32
    %broadcast_in_dim3A_3 = vector.broadcast %broadcast_in_dim3A_2 : f32 to vector<16xf32>
    %dma_start3A = arith.constant 0 : i32
    %dma_start3A_4 = arith.constant 0 : i32
    %dma_start3A_5 = tpu.memref_slice %arg2[%add3A, %dma_start3A, %dma_start3A_4] : memref<32x125x80xi32, #tpu.memory_space<hbm>> -> memref<1x125x80xi32, #tpu.memory_space<hbm>>
    %dma_start3A_6 = tpu.memref_squeeze %dma_start3A_5 : memref<1x125x80xi32, #tpu.memory_space<hbm>> -> memref<125x80xi32, #tpu.memory_space<hbm>>
    %dma_start3A_7 = arith.constant 0 : i32
    %dma_start3A_8 = arith.constant 0 : i32
    %dma_start3A_9 = tpu.memref_slice %arg2[%add3A, %dma_start3A_7, %dma_start3A_8] : memref<32x125x80xi32, #tpu.memory_space<hbm>> -> memref<1x125x80xi32, #tpu.memory_space<hbm>>
    %dma_start3A_10 = tpu.memref_squeeze %dma_start3A_9 : memref<1x125x80xi32, #tpu.memory_space<hbm>> -> memref<125x80xi32, #tpu.memory_space<hbm>>
    tpu.enqueue_dma source(%dma_start3A_10 : memref<125x80xi32, #tpu.memory_space<hbm>>) target(%arg4 : memref<125x80xi32, #tpu.memory_space<vmem>>) target_semaphore(%arg8 : memref<!tpu.dma_semaphore, #tpu.memory_space<semaphore_mem>>)
    %scan3A = arith.constant 0 : i32
    %scan3A_11 = arith.constant 80 : i32
    %scan3A_12 = arith.addi %scan3A, %scan3A_11 : i32
    %scan3A_13 = arith.constant 1 : i32
    scf.for %scan3A_130 = %scan3A to %scan3A_12 step %scan3A_13  : i32 {
      %mul3A_131 = arith.constant 1 : i32
      %mul3A_132 = arith.muli %scan3A_130, %mul3A_131 : i32
      %add3A_133 = arith.constant 0 : i32
      %add3A_134 = arith.addi %add3A_133, %mul3A_132 : i32
      %swap3A = arith.index_cast %add3A_134 : i32 to index
      %swap3A_135 = arith.constant 0 : index
      %swap3A_136 = tpu.vector_load %arg5[%swap3A, %swap3A_135] {strides = array<i32>} : memref<80x16xf32, #tpu.memory_space<vmem>>, vector<1x16xf32>,
      %swap3A_137 = vector.shape_cast %swap3A_136 : vector<1x16xf32> to vector<16xf32>
      %swap3A_138 = vector.shape_cast %broadcast_in_dim3A_1 : vector<16xf32> to vector<1x16xf32>
      tpu.vector_store %arg5[%swap3A, %swap3A_135], %swap3A_138 {strides = array<i32>} : memref<80x16xf32, #tpu.memory_space<vmem>>, vector<1x16xf32>,
    }
    %scan3A_14 = arith.constant 80 : i32
    %scan3A_15 = arith.constant 0 : i32
    %scan3A_16 = arith.constant 80 : i32
    %scan3A_17 = arith.addi %scan3A_15, %scan3A_16 : i32
    %scan3A_18 = arith.constant 1 : i32
    scf.for %scan3A_130 = %scan3A_15 to %scan3A_17 step %scan3A_18  : i32 {
      %mul3A_131 = arith.constant 1 : i32
      %mul3A_132 = arith.muli %scan3A_130, %mul3A_131 : i32
      %add3A_133 = arith.constant 0 : i32
      %add3A_134 = arith.addi %add3A_133, %mul3A_132 : i32
      %swap3A = arith.index_cast %add3A_134 : i32 to index
      %swap3A_135 = arith.constant 0 : index
      %swap3A_136 = tpu.vector_load %arg6[%swap3A, %swap3A_135] {strides = array<i32>} : memref<80x16xf32, #tpu.memory_space<vmem>>, vector<1x16xf32>,
      %swap3A_137 = vector.shape_cast %swap3A_136 : vector<1x16xf32> to vector<16xf32>
      %swap3A_138 = vector.shape_cast %broadcast_in_dim3A_3 : vector<16xf32> to vector<1x16xf32>
      tpu.vector_store %arg6[%swap3A, %swap3A_135], %swap3A_138 {strides = array<i32>} : memref<80x16xf32, #tpu.memory_space<vmem>>, vector<1x16xf32>,
    }
    %scan3A_19 = arith.constant 80 : i32
    %sub3A = arith.constant 125 : i32
    %sub3A_20 = arith.subi %sub3A, %arg1 : i32
    %sub3A_21 = arith.constant 16 : i32
    %sub3A_22 = arith.constant 1 : i32
    %sub3A_23 = arith.subi %sub3A_21, %sub3A_22 : i32
    %add3A_24 = arith.addi %sub3A_20, %sub3A_23 : i32
    %div3A = arith.constant 16 : i32
    %div3A_25 = arith.divsi %add3A_24, %div3A : i32
    %while3A = arith.constant 16 : i32
    %while3A_26 = arith.constant 0 : i32
    %while3A_27 = arith.subi %div3A_25, %while3A_26 : i32
    %while3A_28 = arith.addi %while3A_26, %while3A_27 : i32
    %while3A_29 = arith.constant 1 : i32
    %while3A_30 = arith.divsi %while3A_27, %while3A_29 : i32
    %while3A_31 = arith.muli %while3A_30, %while3A_29 : i32
    %while3A_32 = arith.addi %while3A_26, %while3A_31 : i32
    %while3A_33 = arith.constant 1 : i32
    scf.for %while3A_130 = %while3A_26 to %while3A_32 step %while3A_33  : i32 {
      %mul3A_131 = arith.muli %while3A_130, %while3A : i32
      %add3A_132 = arith.addi %arg1, %mul3A_131 : i32
      %mul3A_133 = arith.constant 80 : i32
      %mul3A_134 = arith.muli %add3A_132, %mul3A_133 : i32
      %dma_start3A_135 = arith.constant 0 : i32
      %dma_start3A_136 = tpu.memref_slice %arg7[%mul3A_134, %dma_start3A_135] : memref<10000x16xf32, #tpu.memory_space<vmem_shared>> -> memref<80x16xf32, #tpu.memory_space<vmem_shared>>
      %dma_start3A_137 = arith.constant 0 : i32
      %dma_start3A_138 = tpu.memref_slice %arg7[%mul3A_134, %dma_start3A_137] : memref<10000x16xf32, #tpu.memory_space<vmem_shared>> -> memref<80x16xf32, #tpu.memory_space<vmem_shared>>
      tpu.enqueue_dma source(%arg6 : memref<80x16xf32, #tpu.memory_space<vmem>>) target(%dma_start3A_138 : memref<80x16xf32, #tpu.memory_space<vmem_shared>>) target_semaphore(%arg9 : memref<!tpu.dma_semaphore, #tpu.memory_space<semaphore_mem>>)
    }
    %while3A_34 = arith.constant 1 : i32
    scf.for %while3A_130 = %while3A_32 to %while3A_28 step %while3A_34  : i32 {
      %mul3A_131 = arith.muli %while3A_130, %while3A : i32
      %add3A_132 = arith.addi %arg1, %mul3A_131 : i32
      %mul3A_133 = arith.constant 80 : i32
      %mul3A_134 = arith.muli %add3A_132, %mul3A_133 : i32
      %dma_start3A_135 = arith.constant 0 : i32
      %dma_start3A_136 = tpu.memref_slice %arg7[%mul3A_134, %dma_start3A_135] : memref<10000x16xf32, #tpu.memory_space<vmem_shared>> -> memref<80x16xf32, #tpu.memory_space<vmem_shared>>
      %dma_start3A_137 = arith.constant 0 : i32
      %dma_start3A_138 = tpu.memref_slice %arg7[%mul3A_134, %dma_start3A_137] : memref<10000x16xf32, #tpu.memory_space<vmem_shared>> -> memref<80x16xf32, #tpu.memory_space<vmem_shared>>
      tpu.enqueue_dma source(%arg6 : memref<80x16xf32, #tpu.memory_space<vmem>>) target(%dma_start3A_138 : memref<80x16xf32, #tpu.memory_space<vmem_shared>>) target_semaphore(%arg9 : memref<!tpu.dma_semaphore, #tpu.memory_space<semaphore_mem>>)
    }
    %sub3A_35 = arith.constant 125 : i32
    %sub3A_36 = arith.subi %sub3A_35, %arg1 : i32
    %sub3A_37 = arith.constant 16 : i32
    %sub3A_38 = arith.constant 1 : i32
    %sub3A_39 = arith.subi %sub3A_37, %sub3A_38 : i32
    %add3A_40 = arith.addi %sub3A_36, %sub3A_39 : i32
    %div3A_41 = arith.constant 16 : i32
    %div3A_42 = arith.divsi %add3A_40, %div3A_41 : i32
    %while3A_43 = arith.constant 16 : i32
    %while3A_44 = arith.constant 0 : i32
    %while3A_45 = arith.subi %div3A_42, %while3A_44 : i32
    %while3A_46 = arith.addi %while3A_44, %while3A_45 : i32
    %while3A_47 = arith.constant 1 : i32
    %while3A_48 = arith.divsi %while3A_45, %while3A_47 : i32
    %while3A_49 = arith.muli %while3A_48, %while3A_47 : i32
    %while3A_50 = arith.addi %while3A_44, %while3A_49 : i32
    %while3A_51 = arith.constant 1 : i32
    scf.for %while3A_130 = %while3A_44 to %while3A_50 step %while3A_51  : i32 {
      %mul3A_131 = arith.muli %while3A_130, %while3A_43 : i32
      %add3A_132 = arith.addi %arg1, %mul3A_131 : i32
      %mul3A_133 = arith.constant 80 : i32
      %mul3A_134 = arith.muli %add3A_132, %mul3A_133 : i32
      %dma_wait3A_135 = arith.constant 0 : i32
      %dma_wait3A_136 = tpu.memref_slice %arg7[%mul3A_134, %dma_wait3A_135] : memref<10000x16xf32, #tpu.memory_space<vmem_shared>> -> memref<80x16xf32, #tpu.memory_space<vmem_shared>>
      %dma_wait3A_137 = arith.constant 0 : i32
      %dma_wait3A_138 = tpu.memref_slice %arg7[%mul3A_134, %dma_wait3A_137] : memref<10000x16xf32, #tpu.memory_space<vmem_shared>> -> memref<80x16xf32, #tpu.memory_space<vmem_shared>>
      tpu.wait_dma2 semaphore(%arg9 : memref<!tpu.dma_semaphore, #tpu.memory_space<semaphore_mem>>) src(%arg6 : memref<80x16xf32, #tpu.memory_space<vmem>>) dst(%dma_wait3A_138 : memref<80x16xf32, #tpu.memory_space<vmem_shared>>)
    }
    %while3A_52 = arith.constant 1 : i32
    scf.for %while3A_130 = %while3A_50 to %while3A_46 step %while3A_52  : i32 {
      %mul3A_131 = arith.muli %while3A_130, %while3A_43 : i32
      %add3A_132 = arith.addi %arg1, %mul3A_131 : i32
      %mul3A_133 = arith.constant 80 : i32
      %mul3A_134 = arith.muli %add3A_132, %mul3A_133 : i32
      %dma_wait3A_135 = arith.constant 0 : i32
      %dma_wait3A_136 = tpu.memref_slice %arg7[%mul3A_134, %dma_wait3A_135] : memref<10000x16xf32, #tpu.memory_space<vmem_shared>> -> memref<80x16xf32, #tpu.memory_space<vmem_shared>>
      %dma_wait3A_137 = arith.constant 0 : i32
      %dma_wait3A_138 = tpu.memref_slice %arg7[%mul3A_134, %dma_wait3A_137] : memref<10000x16xf32, #tpu.memory_space<vmem_shared>> -> memref<80x16xf32, #tpu.memory_space<vmem_shared>>
      tpu.wait_dma2 semaphore(%arg9 : memref<!tpu.dma_semaphore, #tpu.memory_space<semaphore_mem>>) src(%arg6 : memref<80x16xf32, #tpu.memory_space<vmem>>) dst(%dma_wait3A_138 : memref<80x16xf32, #tpu.memory_space<vmem_shared>>)
    }
    %dma_wait3A = arith.constant 0 : i32
    %dma_wait3A_53 = arith.constant 0 : i32
    %dma_wait3A_54 = tpu.memref_slice %arg2[%add3A, %dma_wait3A, %dma_wait3A_53] : memref<32x125x80xi32, #tpu.memory_space<hbm>> -> memref<1x125x80xi32, #tpu.memory_space<hbm>>
    %dma_wait3A_55 = tpu.memref_squeeze %dma_wait3A_54 : memref<1x125x80xi32, #tpu.memory_space<hbm>> -> memref<125x80xi32, #tpu.memory_space<hbm>>
    %dma_wait3A_56 = arith.constant 0 : i32
    %dma_wait3A_57 = arith.constant 0 : i32
    %dma_wait3A_58 = tpu.memref_slice %arg2[%add3A, %dma_wait3A_56, %dma_wait3A_57] : memref<32x125x80xi32, #tpu.memory_space<hbm>> -> memref<1x125x80xi32, #tpu.memory_space<hbm>>
    %dma_wait3A_59 = tpu.memref_squeeze %dma_wait3A_58 : memref<1x125x80xi32, #tpu.memory_space<hbm>> -> memref<125x80xi32, #tpu.memory_space<hbm>>
    tpu.wait_dma2 semaphore(%arg8 : memref<!tpu.dma_semaphore, #tpu.memory_space<semaphore_mem>>) src(%dma_wait3A_59 : memref<125x80xi32, #tpu.memory_space<hbm>>) dst(%arg4 : memref<125x80xi32, #tpu.memory_space<vmem>>)
    %barrier3A = arith.constant 0 : index
    tpu.barrier barrier_id(%barrier3A)
    %dma_start3A_60 = arith.constant 0 : i32
    %dma_start3A_61 = arith.constant 0 : i32
    %dma_start3A_62 = tpu.memref_slice %arg4[%dma_start3A_60, %dma_start3A_61] : memref<125x80xi32, #tpu.memory_space<vmem>> -> memref<1x80xi32, #tpu.memory_space<vmem>>
    %dma_start3A_63 = tpu.memref_squeeze %dma_start3A_62 : memref<1x80xi32, #tpu.memory_space<vmem>> -> memref<80xi32, #tpu.memory_space<vmem>>
    %dma_start3A_64 = arith.constant 0 : i32
    %dma_start3A_65 = arith.constant 0 : i32
    %dma_start3A_66 = tpu.memref_slice %arg7[%dma_start3A_64, %dma_start3A_65] : memref<10000x16xf32, #tpu.memory_space<vmem_shared>> -> memref<10000x16xf32, #tpu.memory_space<vmem_shared>>
    tpu.enqueue_indirect_dma source(%arg5 : memref<80x16xf32, #tpu.memory_space<vmem>>) target(%dma_start3A_66 : memref<10000x16xf32, #tpu.memory_space<vmem_shared>>) offsets(%dma_start3A_63 : memref<80xi32, #tpu.memory_space<vmem>>) semaphore(%arg10 : memref<!tpu.dma_semaphore, #tpu.memory_space<semaphore_mem>>) {add = true}
    %dma_start3A_67 = arith.constant 1 : i32
    %dma_start3A_68 = arith.constant 0 : i32
    %dma_start3A_69 = tpu.memref_slice %arg4[%dma_start3A_67, %dma_start3A_68] : memref<125x80xi32, #tpu.memory_space<vmem>> -> memref<1x80xi32, #tpu.memory_space<vmem>>
    %dma_start3A_70 = tpu.memref_squeeze %dma_start3A_69 : memref<1x80xi32, #tpu.memory_space<vmem>> -> memref<80xi32, #tpu.memory_space<vmem>>
    %dma_start3A_71 = arith.constant 0 : i32
    %dma_start3A_72 = arith.constant 0 : i32
    %dma_start3A_73 = tpu.memref_slice %arg7[%dma_start3A_71, %dma_start3A_72] : memref<10000x16xf32, #tpu.memory_space<vmem_shared>> -> memref<10000x16xf32, #tpu.memory_space<vmem_shared>>
    tpu.enqueue_indirect_dma source(%arg5 : memref<80x16xf32, #tpu.memory_space<vmem>>) target(%dma_start3A_73 : memref<10000x16xf32, #tpu.memory_space<vmem_shared>>) offsets(%dma_start3A_70 : memref<80xi32, #tpu.memory_space<vmem>>) semaphore(%arg10 : memref<!tpu.dma_semaphore, #tpu.memory_space<semaphore_mem>>) {add = true}
    %scan3A_74 = arith.constant 0 : i32
    %scan3A_75 = arith.constant 123 : i32
    %scan3A_76 = arith.addi %scan3A_74, %scan3A_75 : i32
    %scan3A_77 = arith.constant 1 : i32
    scf.for %scan3A_130 = %scan3A_74 to %scan3A_76 step %scan3A_77  : i32 {
      %mul3A_131 = arith.constant 1 : i32
      %mul3A_132 = arith.muli %scan3A_130, %mul3A_131 : i32
      %add3A_133 = arith.constant 0 : i32
      %add3A_134 = arith.addi %add3A_133, %mul3A_132 : i32
      %add3A_135 = arith.constant 2 : i32
      %add3A_136 = arith.addi %add3A_134, %add3A_135 : i32
      %dma_start3A_137 = arith.constant 0 : i32
      %dma_start3A_138 = tpu.memref_slice %arg4[%add3A_136, %dma_start3A_137] : memref<125x80xi32, #tpu.memory_space<vmem>> -> memref<1x80xi32, #tpu.memory_space<vmem>>
      %dma_start3A_139 = tpu.memref_squeeze %dma_start3A_138 : memref<1x80xi32, #tpu.memory_space<vmem>> -> memref<80xi32, #tpu.memory_space<vmem>>
      %dma_start3A_140 = arith.constant 0 : i32
      %dma_start3A_141 = arith.constant 0 : i32
      %dma_start3A_142 = tpu.memref_slice %arg7[%dma_start3A_140, %dma_start3A_141] : memref<10000x16xf32, #tpu.memory_space<vmem_shared>> -> memref<10000x16xf32, #tpu.memory_space<vmem_shared>>
      tpu.enqueue_indirect_dma source(%arg5 : memref<80x16xf32, #tpu.memory_space<vmem>>) target(%dma_start3A_142 : memref<10000x16xf32, #tpu.memory_space<vmem_shared>>) offsets(%dma_start3A_139 : memref<80xi32, #tpu.memory_space<vmem>>) semaphore(%arg10 : memref<!tpu.dma_semaphore, #tpu.memory_space<semaphore_mem>>) {add = true}
      %dma_wait3A_143 = arith.constant 0 : i32
      %dma_wait3A_144 = tpu.memref_slice %arg4[%add3A_134, %dma_wait3A_143] : memref<125x80xi32, #tpu.memory_space<vmem>> -> memref<1x80xi32, #tpu.memory_space<vmem>>
      %dma_wait3A_145 = tpu.memref_squeeze %dma_wait3A_144 : memref<1x80xi32, #tpu.memory_space<vmem>> -> memref<80xi32, #tpu.memory_space<vmem>>
      %dma_wait3A_146 = arith.constant 0 : i32
      %dma_wait3A_147 = arith.constant 0 : i32
      %dma_wait3A_148 = tpu.memref_slice %arg7[%dma_wait3A_146, %dma_wait3A_147] : memref<10000x16xf32, #tpu.memory_space<vmem_shared>> -> memref<10000x16xf32, #tpu.memory_space<vmem_shared>>
      tpu.wait_indirect_dma semaphore(%arg10 : memref<!tpu.dma_semaphore, #tpu.memory_space<semaphore_mem>>) src(%arg5 : memref<80x16xf32, #tpu.memory_space<vmem>>) dst(%dma_wait3A_148 : memref<10000x16xf32, #tpu.memory_space<vmem_shared>>)
    }
    %scan3A_78 = arith.constant 123 : i32
    %dma_wait3A_79 = arith.constant 123 : i32
    %dma_wait3A_80 = arith.constant 0 : i32
    %dma_wait3A_81 = tpu.memref_slice %arg4[%dma_wait3A_79, %dma_wait3A_80] : memref<125x80xi32, #tpu.memory_space<vmem>> -> memref<1x80xi32, #tpu.memory_space<vmem>>
    %dma_wait3A_82 = tpu.memref_squeeze %dma_wait3A_81 : memref<1x80xi32, #tpu.memory_space<vmem>> -> memref<80xi32, #tpu.memory_space<vmem>>
    %dma_wait3A_83 = arith.constant 0 : i32
    %dma_wait3A_84 = arith.constant 0 : i32
    %dma_wait3A_85 = tpu.memref_slice %arg7[%dma_wait3A_83, %dma_wait3A_84] : memref<10000x16xf32, #tpu.memory_space<vmem_shared>> -> memref<10000x16xf32, #tpu.memory_space<vmem_shared>>
    tpu.wait_indirect_dma semaphore(%arg10 : memref<!tpu.dma_semaphore, #tpu.memory_space<semaphore_mem>>) src(%arg5 : memref<80x16xf32, #tpu.memory_space<vmem>>) dst(%dma_wait3A_85 : memref<10000x16xf32, #tpu.memory_space<vmem_shared>>)
    %dma_wait3A_86 = arith.constant 124 : i32
    %dma_wait3A_87 = arith.constant 0 : i32
    %dma_wait3A_88 = tpu.memref_slice %arg4[%dma_wait3A_86, %dma_wait3A_87] : memref<125x80xi32, #tpu.memory_space<vmem>> -> memref<1x80xi32, #tpu.memory_space<vmem>>
    %dma_wait3A_89 = tpu.memref_squeeze %dma_wait3A_88 : memref<1x80xi32, #tpu.memory_space<vmem>> -> memref<80xi32, #tpu.memory_space<vmem>>
    %dma_wait3A_90 = arith.constant 0 : i32
    %dma_wait3A_91 = arith.constant 0 : i32
    %dma_wait3A_92 = tpu.memref_slice %arg7[%dma_wait3A_90, %dma_wait3A_91] : memref<10000x16xf32, #tpu.memory_space<vmem_shared>> -> memref<10000x16xf32, #tpu.memory_space<vmem_shared>>
    tpu.wait_indirect_dma semaphore(%arg10 : memref<!tpu.dma_semaphore, #tpu.memory_space<semaphore_mem>>) src(%arg5 : memref<80x16xf32, #tpu.memory_space<vmem>>) dst(%dma_wait3A_92 : memref<10000x16xf32, #tpu.memory_space<vmem_shared>>)
    %barrier3A_93 = arith.constant 0 : index
    tpu.barrier barrier_id(%barrier3A_93)
    %sub3A_94 = arith.constant 125 : i32
    %sub3A_95 = arith.subi %sub3A_94, %arg1 : i32
    %sub3A_96 = arith.constant 16 : i32
    %sub3A_97 = arith.constant 1 : i32
    %sub3A_98 = arith.subi %sub3A_96, %sub3A_97 : i32
    %add3A_99 = arith.addi %sub3A_95, %sub3A_98 : i32
    %div3A_100 = arith.constant 16 : i32
    %div3A_101 = arith.divsi %add3A_99, %div3A_100 : i32
    %while3A_102 = arith.constant 16 : i32
    %while3A_103 = arith.constant 0 : i32
    %while3A_104 = arith.subi %div3A_101, %while3A_103 : i32
    %while3A_105 = arith.addi %while3A_103, %while3A_104 : i32
    %while3A_106 = arith.constant 1 : i32
    %while3A_107 = arith.divsi %while3A_104, %while3A_106 : i32
    %while3A_108 = arith.muli %while3A_107, %while3A_106 : i32
    %while3A_109 = arith.addi %while3A_103, %while3A_108 : i32
    %while3A_110 = arith.constant 1 : i32
    scf.for %while3A_130 = %while3A_103 to %while3A_109 step %while3A_110  : i32 {
      %mul3A_131 = arith.muli %while3A_130, %while3A_102 : i32
      %add3A_132 = arith.addi %arg1, %mul3A_131 : i32
      %mul3A_133 = arith.constant 80 : i32
      %mul3A_134 = arith.muli %add3A_132, %mul3A_133 : i32
      %dma_start3A_135 = arith.constant 0 : i32
      %dma_start3A_136 = tpu.memref_slice %arg3[%arg0, %mul3A_134, %dma_start3A_135] : memref<2x10000x16xf32, #tpu.memory_space<hbm>> -> memref<1x80x16xf32, #tpu.memory_space<hbm>>
      %dma_start3A_137 = tpu.memref_squeeze %dma_start3A_136 : memref<1x80x16xf32, #tpu.memory_space<hbm>> -> memref<80x16xf32, #tpu.memory_space<hbm>>
      %dma_start3A_138 = arith.constant 0 : i32
      %dma_start3A_139 = tpu.memref_slice %arg7[%mul3A_134, %dma_start3A_138] : memref<10000x16xf32, #tpu.memory_space<vmem_shared>> -> memref<80x16xf32, #tpu.memory_space<vmem_shared>>
      tpu.enqueue_dma source(%dma_start3A_139 : memref<80x16xf32, #tpu.memory_space<vmem_shared>>) target(%dma_start3A_137 : memref<80x16xf32, #tpu.memory_space<hbm>>) target_semaphore(%arg9 : memref<!tpu.dma_semaphore, #tpu.memory_space<semaphore_mem>>)
    }
    %while3A_111 = arith.constant 1 : i32
    scf.for %while3A_130 = %while3A_109 to %while3A_105 step %while3A_111  : i32 {
      %mul3A_131 = arith.muli %while3A_130, %while3A_102 : i32
      %add3A_132 = arith.addi %arg1, %mul3A_131 : i32
      %mul3A_133 = arith.constant 80 : i32
      %mul3A_134 = arith.muli %add3A_132, %mul3A_133 : i32
      %dma_start3A_135 = arith.constant 0 : i32
      %dma_start3A_136 = tpu.memref_slice %arg3[%arg0, %mul3A_134, %dma_start3A_135] : memref<2x10000x16xf32, #tpu.memory_space<hbm>> -> memref<1x80x16xf32, #tpu.memory_space<hbm>>
      %dma_start3A_137 = tpu.memref_squeeze %dma_start3A_136 : memref<1x80x16xf32, #tpu.memory_space<hbm>> -> memref<80x16xf32, #tpu.memory_space<hbm>>
      %dma_start3A_138 = arith.constant 0 : i32
      %dma_start3A_139 = tpu.memref_slice %arg7[%mul3A_134, %dma_start3A_138] : memref<10000x16xf32, #tpu.memory_space<vmem_shared>> -> memref<80x16xf32, #tpu.memory_space<vmem_shared>>
      tpu.enqueue_dma source(%dma_start3A_139 : memref<80x16xf32, #tpu.memory_space<vmem_shared>>) target(%dma_start3A_137 : memref<80x16xf32, #tpu.memory_space<hbm>>) target_semaphore(%arg9 : memref<!tpu.dma_semaphore, #tpu.memory_space<semaphore_mem>>)
    }
    %sub3A_112 = arith.constant 125 : i32
    %sub3A_113 = arith.subi %sub3A_112, %arg1 : i32
    %sub3A_114 = arith.constant 16 : i32
    %sub3A_115 = arith.constant 1 : i32
    %sub3A_116 = arith.subi %sub3A_114, %sub3A_115 : i32
    %add3A_117 = arith.addi %sub3A_113, %sub3A_116 : i32
    %div3A_118 = arith.constant 16 : i32
    %div3A_119 = arith.divsi %add3A_117, %div3A_118 : i32
    %while3A_120 = arith.constant 16 : i32
    %while3A_121 = arith.constant 0 : i32
    %while3A_122 = arith.subi %div3A_119, %while3A_121 : i32
    %while3A_123 = arith.addi %while3A_121, %while3A_122 : i32
    %while3A_124 = arith.constant 1 : i32
    %while3A_125 = arith.divsi %while3A_122, %while3A_124 : i32
    %while3A_126 = arith.muli %while3A_125, %while3A_124 : i32
    %while3A_127 = arith.addi %while3A_121, %while3A_126 : i32
    %while3A_128 = arith.constant 1 : i32
    scf.for %while3A_130 = %while3A_121 to %while3A_127 step %while3A_128  : i32 {
      %mul3A_131 = arith.muli %while3A_130, %while3A_120 : i32
      %add3A_132 = arith.addi %arg1, %mul3A_131 : i32
      %mul3A_133 = arith.constant 80 : i32
      %mul3A_134 = arith.muli %add3A_132, %mul3A_133 : i32
      %dma_wait3A_135 = arith.constant 0 : i32
      %dma_wait3A_136 = tpu.memref_slice %arg3[%arg0, %mul3A_134, %dma_wait3A_135] : memref<2x10000x16xf32, #tpu.memory_space<hbm>> -> memref<1x80x16xf32, #tpu.memory_space<hbm>>
      %dma_wait3A_137 = tpu.memref_squeeze %dma_wait3A_136 : memref<1x80x16xf32, #tpu.memory_space<hbm>> -> memref<80x16xf32, #tpu.memory_space<hbm>>
      %dma_wait3A_138 = arith.constant 0 : i32
      %dma_wait3A_139 = tpu.memref_slice %arg7[%mul3A_134, %dma_wait3A_138] : memref<10000x16xf32, #tpu.memory_space<vmem_shared>> -> memref<80x16xf32, #tpu.memory_space<vmem_shared>>
      tpu.wait_dma2 semaphore(%arg9 : memref<!tpu.dma_semaphore, #tpu.memory_space<semaphore_mem>>) src(%dma_wait3A_139 : memref<80x16xf32, #tpu.memory_space<vmem_shared>>) dst(%dma_wait3A_137 : memref<80x16xf32, #tpu.memory_space<hbm>>)
    }
    %while3A_129 = arith.constant 1 : i32
    scf.for %while3A_130 = %while3A_127 to %while3A_123 step %while3A_129  : i32 {
      %mul3A_131 = arith.muli %while3A_130, %while3A_120 : i32
      %add3A_132 = arith.addi %arg1, %mul3A_131 : i32
      %mul3A_133 = arith.constant 80 : i32
      %mul3A_134 = arith.muli %add3A_132, %mul3A_133 : i32
      %dma_wait3A_135 = arith.constant 0 : i32
      %dma_wait3A_136 = tpu.memref_slice %arg3[%arg0, %mul3A_134, %dma_wait3A_135] : memref<2x10000x16xf32, #tpu.memory_space<hbm>> -> memref<1x80x16xf32, #tpu.memory_space<hbm>>
      %dma_wait3A_137 = tpu.memref_squeeze %dma_wait3A_136 : memref<1x80x16xf32, #tpu.memory_space<hbm>> -> memref<80x16xf32, #tpu.memory_space<hbm>>
      %dma_wait3A_138 = arith.constant 0 : i32
      %dma_wait3A_139 = tpu.memref_slice %arg7[%mul3A_134, %dma_wait3A_138] : memref<10000x16xf32, #tpu.memory_space<vmem_shared>> -> memref<80x16xf32, #tpu.memory_space<vmem_shared>>
      tpu.wait_dma2 semaphore(%arg9 : memref<!tpu.dma_semaphore, #tpu.memory_space<semaphore_mem>>) src(%dma_wait3A_139 : memref<80x16xf32, #tpu.memory_space<vmem_shared>>) dst(%dma_wait3A_137 : memref<80x16xf32, #tpu.memory_space<hbm>>)
    }
    return
  }
}

module attributes {stable_mosaic.version = 14 : i64} {
  func.func @_tc_first_body(%arg0: i32, %arg1: memref<1000x128xf32, #tpu.memory_space<vmem>>, %arg2: memref<128x128xf32, #tpu.memory_space<vmem>>, %arg3: memref<2x1000x16xf32, #tpu.memory_space<vmem>>, %arg4: memref<1000x128xf32, #tpu.memory_space<vmem>>, %arg5: memref<1000x1xf32, #tpu.memory_space<vmem>>) attributes {dimension_semantics = [#tpu.dimension_semantics<arbitrary>], iteration_bounds = array<i64: 10>, scalar_prefetch = 0 : i64, scratch_operands = 0 : i64, tpu.core_type = #tpu.core_type<tc>, window_params = [{transform_indices = @transform_0, window_bounds = array<i64: 1000, 128>}, {pipeline_mode = #tpu.pipeline_mode<synchronous>, transform_indices = @transform_1, window_bounds = array<i64: 128, 128>}, {transform_indices = @transform_2, window_bounds = array<i64: 2, 1000, 16>}, {transform_indices = @transform_3, window_bounds = array<i64: 1000, 128>}, {transform_indices = @transform_4, window_bounds = array<i64: 1000, 1>}]} {
    %get3A = arith.constant 0 : index
    %get3A_0 = arith.constant 0 : index
    %get3A_1 = arith.constant 0 : index
    %get3A_2 = vector.load %arg3[%get3A, %get3A_0, %get3A_1] : memref<2x1000x16xf32, #tpu.memory_space<vmem>>, vector<1x1000x1xf32>
    %get3A_3 = vector.shape_cast %get3A_2 : vector<1x1000x1xf32> to vector<1000x1xf32>
    %get3A_4 = arith.constant 1 : index
    %get3A_5 = arith.constant 0 : index
    %get3A_6 = arith.constant 0 : index
    %get3A_7 = vector.load %arg3[%get3A_4, %get3A_5, %get3A_6] : memref<2x1000x16xf32, #tpu.memory_space<vmem>>, vector<1x1000x1xf32>
    %get3A_8 = vector.shape_cast %get3A_7 : vector<1x1000x1xf32> to vector<1000x1xf32>
    %add3A = arith.addf %get3A_3, %get3A_8 : vector<1000x1xf32>
    %add3A_9 = arith.constant 1.000000e+00 : f32
    %add3A_10 = vector.broadcast %add3A_9 : f32 to vector<1000x1xf32>
    %add3A_11 = arith.addf %add3A, %add3A_10 : vector<1000x1xf32>
    %rsqrt3A = math.rsqrt %add3A_11 : vector<1000x1xf32>
    %swap3A = arith.constant 0 : index
    %swap3A_12 = arith.constant 0 : index
    %swap3A_13 = vector.load %arg5[%swap3A, %swap3A_12] : memref<1000x1xf32, #tpu.memory_space<vmem>>, vector<1000x1xf32>
    tpu.vector_store %arg5[%swap3A, %swap3A_12], %rsqrt3A {strides = array<i32>} : memref<1000x1xf32, #tpu.memory_space<vmem>>, vector<1000x1xf32>,
    %get3A_14 = arith.constant 0 : index
    %get3A_15 = arith.constant 0 : index
    %get3A_16 = vector.load %arg1[%get3A_14, %get3A_15] : memref<1000x128xf32, #tpu.memory_space<vmem>>, vector<1000x128xf32>
    %get3A_17 = arith.constant 0 : index
    %get3A_18 = arith.constant 0 : index
    %get3A_19 = vector.load %arg2[%get3A_17, %get3A_18] : memref<128x128xf32, #tpu.memory_space<vmem>>, vector<128x128xf32>
    %dot_general3A = arith.constant dense<0.000000e+00> : vector<1000x128xf32>
    %dot_general3A_20 = tpu.matmul %get3A_16, %get3A_19, %dot_general3A {dimension_numbers = #tpu.dot_dimension_numbers<[1], [0], [0], [1], [0, 0, 1, 1], [], []>, transpose_lhs_hint = false} : vector<1000x128xf32>, vector<128x128xf32>, vector<1000x128xf32> -> vector<1000x128xf32>
    %mul3A = vector.broadcast %rsqrt3A : vector<1000x1xf32> to vector<1000x128xf32>
    %mul3A_21 = arith.mulf %dot_general3A_20, %mul3A : vector<1000x128xf32>
    %swap3A_22 = arith.constant 0 : index
    %swap3A_23 = arith.constant 0 : index
    %swap3A_24 = vector.load %arg4[%swap3A_22, %swap3A_23] : memref<1000x128xf32, #tpu.memory_space<vmem>>, vector<1000x128xf32>
    tpu.vector_store %arg4[%swap3A_22, %swap3A_23], %mul3A_21 {strides = array<i32>} : memref<1000x128xf32, #tpu.memory_space<vmem>>, vector<1000x128xf32>,
    return
  }
  func.func @transform_0(%arg0: i32) -> (i32, i32) {
    %c0_i32 = arith.constant 0 : i32
    %c0_i32_0 = arith.constant 0 : i32
    return %arg0, %c0_i32 : i32, i32
  }
  func.func @transform_1(%arg0: i32) -> (i32, i32) {
    %c0_i32 = arith.constant 0 : i32
    %c0_i32_0 = arith.constant 0 : i32
    %c0_i32_1 = arith.constant 0 : i32
    return %c0_i32, %c0_i32_0 : i32, i32
  }
  func.func @transform_2(%arg0: i32) -> (i32, i32, i32) {
    %c0_i32 = arith.constant 0 : i32
    %c0_i32_0 = arith.constant 0 : i32
    %c0_i32_1 = arith.constant 0 : i32
    return %c0_i32, %arg0, %c0_i32_0 : i32, i32, i32
  }
  func.func @transform_3(%arg0: i32) -> (i32, i32) {
    %c0_i32 = arith.constant 0 : i32
    %c0_i32_0 = arith.constant 0 : i32
    return %arg0, %c0_i32 : i32, i32
  }
  func.func @transform_4(%arg0: i32) -> (i32, i32) {
    %c0_i32 = arith.constant 0 : i32
    %c0_i32_0 = arith.constant 0 : i32
    return %arg0, %c0_i32 : i32, i32
  }
}

module attributes {stable_mosaic.version = 14 : i64} {
  func.func @_tc_mid_body(%arg0: i32, %arg1: memref<2x1000x128xf32, #tpu.memory_space<vmem>>, %arg2: memref<1000x128xf32, #tpu.memory_space<vmem>>, %arg3: memref<1000x1xf32, #tpu.memory_space<vmem>>, %arg4: memref<1x128xf32, #tpu.memory_space<vmem>>, %arg5: memref<128x128xf32, #tpu.memory_space<vmem>>, %arg6: memref<1000x128xf32, #tpu.memory_space<vmem>>) attributes {dimension_semantics = [#tpu.dimension_semantics<arbitrary>], iteration_bounds = array<i64: 10>, scalar_prefetch = 0 : i64, scratch_operands = 0 : i64, tpu.core_type = #tpu.core_type<tc>, window_params = [{transform_indices = @transform_0, window_bounds = array<i64: 2, 1000, 128>}, {transform_indices = @transform_1, window_bounds = array<i64: 1000, 128>}, {transform_indices = @transform_2, window_bounds = array<i64: 1000, 1>}, {pipeline_mode = #tpu.pipeline_mode<synchronous>, transform_indices = @transform_3, window_bounds = array<i64: 1, 128>}, {pipeline_mode = #tpu.pipeline_mode<synchronous>, transform_indices = @transform_4, window_bounds = array<i64: 128, 128>}, {transform_indices = @transform_5, window_bounds = array<i64: 1000, 128>}]} {
    %get3A = arith.constant 0 : index
    %get3A_0 = arith.constant 0 : index
    %get3A_1 = vector.load %arg3[%get3A, %get3A_0] : memref<1000x1xf32, #tpu.memory_space<vmem>>, vector<1000x1xf32>
    %get3A_2 = arith.constant 0 : index
    %get3A_3 = arith.constant 0 : index
    %get3A_4 = arith.constant 0 : index
    %get3A_5 = vector.load %arg1[%get3A_2, %get3A_3, %get3A_4] : memref<2x1000x128xf32, #tpu.memory_space<vmem>>, vector<1x1000x128xf32>
    %get3A_6 = vector.shape_cast %get3A_5 : vector<1x1000x128xf32> to vector<1000x128xf32>
    %get3A_7 = arith.constant 1 : index
    %get3A_8 = arith.constant 0 : index
    %get3A_9 = arith.constant 0 : index
    %get3A_10 = vector.load %arg1[%get3A_7, %get3A_8, %get3A_9] : memref<2x1000x128xf32, #tpu.memory_space<vmem>>, vector<1x1000x128xf32>
    %get3A_11 = vector.shape_cast %get3A_10 : vector<1x1000x128xf32> to vector<1000x128xf32>
    %add3A = arith.addf %get3A_6, %get3A_11 : vector<1000x128xf32>
    %get3A_12 = arith.constant 0 : index
    %get3A_13 = arith.constant 0 : index
    %get3A_14 = vector.load %arg2[%get3A_12, %get3A_13] : memref<1000x128xf32, #tpu.memory_space<vmem>>, vector<1000x128xf32>
    %add3A_15 = arith.addf %add3A, %get3A_14 : vector<1000x128xf32>
    %mul3A = vector.broadcast %get3A_1 : vector<1000x1xf32> to vector<1000x128xf32>
    %mul3A_16 = arith.mulf %add3A_15, %mul3A : vector<1000x128xf32>
    %get3A_17 = arith.constant 0 : index
    %get3A_18 = arith.constant 0 : index
    %get3A_19 = vector.load %arg4[%get3A_17, %get3A_18] : memref<1x128xf32, #tpu.memory_space<vmem>>, vector<1x128xf32>
    %add3A_20 = vector.broadcast %get3A_19 : vector<1x128xf32> to vector<1000x128xf32>
    %add3A_21 = arith.addf %mul3A_16, %add3A_20 : vector<1000x128xf32>
    %max3A = arith.constant 0.000000e+00 : f32
    %max3A_22 = vector.broadcast %max3A : f32 to vector<1000x128xf32>
    %max3A_23 = arith.maximumf %add3A_21, %max3A_22 : vector<1000x128xf32>
    %get3A_24 = arith.constant 0 : index
    %get3A_25 = arith.constant 0 : index
    %get3A_26 = vector.load %arg5[%get3A_24, %get3A_25] : memref<128x128xf32, #tpu.memory_space<vmem>>, vector<128x128xf32>
    %dot_general3A = arith.constant dense<0.000000e+00> : vector<1000x128xf32>
    %dot_general3A_27 = tpu.matmul %max3A_23, %get3A_26, %dot_general3A {dimension_numbers = #tpu.dot_dimension_numbers<[1], [0], [0], [1], [0, 0, 1, 1], [], []>, transpose_lhs_hint = false} : vector<1000x128xf32>, vector<128x128xf32>, vector<1000x128xf32> -> vector<1000x128xf32>
    %mul3A_28 = vector.broadcast %get3A_1 : vector<1000x1xf32> to vector<1000x128xf32>
    %mul3A_29 = arith.mulf %dot_general3A_27, %mul3A_28 : vector<1000x128xf32>
    %swap3A = arith.constant 0 : index
    %swap3A_30 = arith.constant 0 : index
    %swap3A_31 = vector.load %arg6[%swap3A, %swap3A_30] : memref<1000x128xf32, #tpu.memory_space<vmem>>, vector<1000x128xf32>
    tpu.vector_store %arg6[%swap3A, %swap3A_30], %mul3A_29 {strides = array<i32>} : memref<1000x128xf32, #tpu.memory_space<vmem>>, vector<1000x128xf32>,
    return
  }
  func.func @transform_0(%arg0: i32) -> (i32, i32, i32) {
    %c0_i32 = arith.constant 0 : i32
    %c0_i32_0 = arith.constant 0 : i32
    %c0_i32_1 = arith.constant 0 : i32
    return %c0_i32, %arg0, %c0_i32_0 : i32, i32, i32
  }
  func.func @transform_1(%arg0: i32) -> (i32, i32) {
    %c0_i32 = arith.constant 0 : i32
    %c0_i32_0 = arith.constant 0 : i32
    return %arg0, %c0_i32 : i32, i32
  }
  func.func @transform_2(%arg0: i32) -> (i32, i32) {
    %c0_i32 = arith.constant 0 : i32
    %c0_i32_0 = arith.constant 0 : i32
    return %arg0, %c0_i32 : i32, i32
  }
  func.func @transform_3(%arg0: i32) -> (i32, i32) {
    %c0_i32 = arith.constant 0 : i32
    %c0_i32_0 = arith.constant 0 : i32
    %c0_i32_1 = arith.constant 0 : i32
    return %c0_i32, %c0_i32_0 : i32, i32
  }
  func.func @transform_4(%arg0: i32) -> (i32, i32) {
    %c0_i32 = arith.constant 0 : i32
    %c0_i32_0 = arith.constant 0 : i32
    %c0_i32_1 = arith.constant 0 : i32
    return %c0_i32, %c0_i32_0 : i32, i32
  }
  func.func @transform_5(%arg0: i32) -> (i32, i32) {
    %c0_i32 = arith.constant 0 : i32
    %c0_i32_0 = arith.constant 0 : i32
    return %arg0, %c0_i32 : i32, i32
  }
}

module attributes {stable_mosaic.version = 14 : i64} {
  func.func @_tc_last_body(%arg0: i32, %arg1: memref<2x1000x128xf32, #tpu.memory_space<vmem>>, %arg2: memref<1000x128xf32, #tpu.memory_space<vmem>>, %arg3: memref<1000x1xf32, #tpu.memory_space<vmem>>, %arg4: memref<1x128xf32, #tpu.memory_space<vmem>>, %arg5: memref<128x1xf32, #tpu.memory_space<vmem>>, %arg6: memref<1x1xf32, #tpu.memory_space<vmem>>, %arg7: memref<1000x1xf32, #tpu.memory_space<vmem>>) attributes {dimension_semantics = [#tpu.dimension_semantics<arbitrary>], iteration_bounds = array<i64: 10>, scalar_prefetch = 0 : i64, scratch_operands = 0 : i64, tpu.core_type = #tpu.core_type<tc>, window_params = [{transform_indices = @transform_0, window_bounds = array<i64: 2, 1000, 128>}, {transform_indices = @transform_1, window_bounds = array<i64: 1000, 128>}, {transform_indices = @transform_2, window_bounds = array<i64: 1000, 1>}, {pipeline_mode = #tpu.pipeline_mode<synchronous>, transform_indices = @transform_3, window_bounds = array<i64: 1, 128>}, {pipeline_mode = #tpu.pipeline_mode<synchronous>, transform_indices = @transform_4, window_bounds = array<i64: 128, 1>}, {pipeline_mode = #tpu.pipeline_mode<synchronous>, transform_indices = @transform_5, window_bounds = array<i64: 1, 1>}, {transform_indices = @transform_6, window_bounds = array<i64: 1000, 1>}]} {
    %get3A = arith.constant 0 : index
    %get3A_0 = arith.constant 0 : index
    %get3A_1 = arith.constant 0 : index
    %get3A_2 = vector.load %arg1[%get3A, %get3A_0, %get3A_1] : memref<2x1000x128xf32, #tpu.memory_space<vmem>>, vector<1x1000x128xf32>
    %get3A_3 = vector.shape_cast %get3A_2 : vector<1x1000x128xf32> to vector<1000x128xf32>
    %get3A_4 = arith.constant 1 : index
    %get3A_5 = arith.constant 0 : index
    %get3A_6 = arith.constant 0 : index
    %get3A_7 = vector.load %arg1[%get3A_4, %get3A_5, %get3A_6] : memref<2x1000x128xf32, #tpu.memory_space<vmem>>, vector<1x1000x128xf32>
    %get3A_8 = vector.shape_cast %get3A_7 : vector<1x1000x128xf32> to vector<1000x128xf32>
    %add3A = arith.addf %get3A_3, %get3A_8 : vector<1000x128xf32>
    %get3A_9 = arith.constant 0 : index
    %get3A_10 = arith.constant 0 : index
    %get3A_11 = vector.load %arg2[%get3A_9, %get3A_10] : memref<1000x128xf32, #tpu.memory_space<vmem>>, vector<1000x128xf32>
    %add3A_12 = arith.addf %add3A, %get3A_11 : vector<1000x128xf32>
    %get3A_13 = arith.constant 0 : index
    %get3A_14 = arith.constant 0 : index
    %get3A_15 = vector.load %arg3[%get3A_13, %get3A_14] : memref<1000x1xf32, #tpu.memory_space<vmem>>, vector<1000x1xf32>
    %mul3A = vector.broadcast %get3A_15 : vector<1000x1xf32> to vector<1000x128xf32>
    %mul3A_16 = arith.mulf %add3A_12, %mul3A : vector<1000x128xf32>
    %get3A_17 = arith.constant 0 : index
    %get3A_18 = arith.constant 0 : index
    %get3A_19 = vector.load %arg4[%get3A_17, %get3A_18] : memref<1x128xf32, #tpu.memory_space<vmem>>, vector<1x128xf32>
    %add3A_20 = vector.broadcast %get3A_19 : vector<1x128xf32> to vector<1000x128xf32>
    %add3A_21 = arith.addf %mul3A_16, %add3A_20 : vector<1000x128xf32>
    %max3A = arith.constant 0.000000e+00 : f32
    %max3A_22 = vector.broadcast %max3A : f32 to vector<1000x128xf32>
    %max3A_23 = arith.maximumf %add3A_21, %max3A_22 : vector<1000x128xf32>
    %get3A_24 = arith.constant 0 : index
    %get3A_25 = arith.constant 0 : index
    %get3A_26 = vector.load %arg5[%get3A_24, %get3A_25] : memref<128x1xf32, #tpu.memory_space<vmem>>, vector<128x1xf32>
    %dot_general3A = arith.constant dense<0.000000e+00> : vector<1000x1xf32>
    %dot_general3A_27 = tpu.matmul %max3A_23, %get3A_26, %dot_general3A {dimension_numbers = #tpu.dot_dimension_numbers<[1], [0], [0], [1], [0, 0, 1, 1], [], []>, transpose_lhs_hint = false} : vector<1000x128xf32>, vector<128x1xf32>, vector<1000x1xf32> -> vector<1000x1xf32>
    %get3A_28 = arith.constant 0 : index
    %get3A_29 = arith.constant 0 : index
    %get3A_30 = vector.load %arg6[%get3A_28, %get3A_29] : memref<1x1xf32, #tpu.memory_space<vmem>>, vector<1x1xf32>
    %add3A_31 = vector.broadcast %get3A_30 : vector<1x1xf32> to vector<1000x1xf32>
    %add3A_32 = arith.addf %dot_general3A_27, %add3A_31 : vector<1000x1xf32>
    %swap3A = arith.constant 0 : index
    %swap3A_33 = arith.constant 0 : index
    %swap3A_34 = vector.load %arg7[%swap3A, %swap3A_33] : memref<1000x1xf32, #tpu.memory_space<vmem>>, vector<1000x1xf32>
    tpu.vector_store %arg7[%swap3A, %swap3A_33], %add3A_32 {strides = array<i32>} : memref<1000x1xf32, #tpu.memory_space<vmem>>, vector<1000x1xf32>,
    return
  }
  func.func @transform_0(%arg0: i32) -> (i32, i32, i32) {
    %c0_i32 = arith.constant 0 : i32
    %c0_i32_0 = arith.constant 0 : i32
    %c0_i32_1 = arith.constant 0 : i32
    return %c0_i32, %arg0, %c0_i32_0 : i32, i32, i32
  }
  func.func @transform_1(%arg0: i32) -> (i32, i32) {
    %c0_i32 = arith.constant 0 : i32
    %c0_i32_0 = arith.constant 0 : i32
    return %arg0, %c0_i32 : i32, i32
  }
  func.func @transform_2(%arg0: i32) -> (i32, i32) {
    %c0_i32 = arith.constant 0 : i32
    %c0_i32_0 = arith.constant 0 : i32
    return %arg0, %c0_i32 : i32, i32
  }
  func.func @transform_3(%arg0: i32) -> (i32, i32) {
    %c0_i32 = arith.constant 0 : i32
    %c0_i32_0 = arith.constant 0 : i32
    %c0_i32_1 = arith.constant 0 : i32
    return %c0_i32, %c0_i32_0 : i32, i32
  }
  func.func @transform_4(%arg0: i32) -> (i32, i32) {
    %c0_i32 = arith.constant 0 : i32
    %c0_i32_0 = arith.constant 0 : i32
    %c0_i32_1 = arith.constant 0 : i32
    return %c0_i32, %c0_i32_0 : i32, i32
  }
  func.func @transform_5(%arg0: i32) -> (i32, i32) {
    %c0_i32 = arith.constant 0 : i32
    %c0_i32_0 = arith.constant 0 : i32
    %c0_i32_1 = arith.constant 0 : i32
    return %c0_i32, %c0_i32_0 : i32, i32
  }
  func.func @transform_6(%arg0: i32) -> (i32, i32) {
    %c0_i32 = arith.constant 0 : i32
    %c0_i32_0 = arith.constant 0 : i32
    return %arg0, %c0_i32 : i32, i32
  }
}

</mosaic_0001>

<sc_bundles>
// kernel: kernel.10.cloned.1.call-start
scs
__scs_entry_jumppad:
0x0: {  	(pc) =	sbr.rel $0x88, $3  }
0x1: {  	(tag) =	ssettag $0x0;
	lr =	simm.s32 $0x1  }
0x2: {  	[smem:$0x3F97] =	sst lr;
	_ =	strace $0xD0000000  }
0x3: {  	_ = 	snop  }
0x4: {  	_ = 	snop  }
0x5: {  	_ = 	snop  }
0x6: {  	_ = 	snop  }
0x7: {  	_ = 	snop  }
__scs_overlays_trampoline_lowered:
0x8: {  	[smem:$0x3FA6] =	sst s0  }
0x9: {  	[smem:$0x3FA7] =	sst s1  }
0xa: {  	[smem:$0x3FA8] =	sst s2  }
0xb: {  	[smem:$0x3FA9] =	sst s3  }
0xc: {  	[smem:$0x3FAA] =	sst s4  }
0xd: {  	[smem:$0x3FAB] =	sst s5  }
0xe: {  	[smem:$0x3FAC] =	sst s6  }
0xf: {  	[smem:$0x3FAD] =	sst s7  }
0x10: {  	[smem:$0x3FAE] =	sst s8  }
0x11: {  	[smem:$0x3FAF] =	sst s9;
	s0 =	simm.s32 @!p0 $0x0  }
0x12: {  	s1 =	sld [smem:$0x3F95];
	s0 =	simm.s32 @p0 $0x1  }
0x13: {  	[smem:$0x3FB0] =	sst s0;
	s0 =	simm.s32 @!p1 $0x0  }
0x14: {  	s2 =	sld [smem:$0x3F94];
	s0 =	simm.s32 @p1 $0x1  }
0x15: {  	[smem:$0x3FB1] =	sst s0;
	s0 =	simm.s32 @!p2 $0x0  }
0x16: {  	s3 =	sld [smem:$0x3FDB];
	s0 =	simm.s32 @p2 $0x1  }
0x17: {  	s4 =	simm.s32 $0x1BF5;
	[smem:$0x3FB3] =	sst s0  }
0x18: {  	s0 =	sld [smem:$0x3F96];
	_ =	swait.ge [sflag:s4], $0x0  }
0x19: {  	s7 =	sld [smem:$0x3F97]  }
0x1a: {  	s8 =	sadd.s32 $0xFFFFE003, lr  }
0x1b: {  	s9 =	sadd.s32 $0xFFFFFEF7, lr;
	s5 =	simm.s32 $0xFFFFFFFF;
	p2 =	slt.u32 s8, $0xFFFFF086  }
0x1c: {  	p1 =	slt.u32 s9, $0xF7A;
	s5 =	simm.s32 @!p2 $0x0  }
0x1d: {  	s5 =	simm.s32 @p1 $0x1;
	p0 =	seq.s32 s7, s2  }
0x1e: {  	s7 =	smul.u32 @!p0 $0xF7A, s2;
	p2 =	seq.s32 @!p0 s5, $0x0  }
0x1f: {  	s9 =	smul.u32 $0xF7A, s1;
	s8 =	simm.s32 @!p0 $0x1BF5;
	p2 =	por !p2, p0  }
0x20: {  	[sflag:s8] =	ssyncset.s32 @!p0 $0xFFFFF086;
	s6 =	sadd.s32 @!p0 s3, s7;
	s7 =	simm.s32 @!p0 $0x108  }
0x21: {  	s3 =	sadd.s32 s3, s9;
	s6 =	sadd.s32 @!p0 $0x88, s6;
	s7 =	simm.s32 @p2 $0x1082  }
0x22: {  	[simem:s7], [sflag:s8] =	dma.local @!p0 [hbm:s6], $0xF7A  }
0x23: {  	s9 =	sor.u32 $0xD0000000, s2;
	s6 =	simm.s32 $0x108;
	_ =	swait.ge @!p0 [sflag:s8], $0x0  }
0x24: {  	s3 =	sadd.s32 $0x88, s3;
	s6 =	simm.s32 @!p1 $0x1082;
	[sflag:s4] =	ssyncset.s32 $0xFFFFF086  }
0x25: {  	[simem:s6], [sflag:s4] =	dma.local [hbm:s3], $0xF7A  }
0x26: {  	[smem:$0x3F97] =	sst s1;
	(tag) =	ssettag s2;
	_ =	strace s9  }
0x27: {  	s1 =	sld [smem:$0x3FA7]  }
0x28: {  	s2 =	sld [smem:$0x3FA8]  }
0x29: {  	s4 =	sld [smem:$0x3FAA]  }
0x2a: {  	p0 =	seq.s32 s5, $0x0;
	s5 =	sld [smem:$0x3FAB]  }
0x2b: {  	s6 =	sld [smem:$0x3FAC]  }
0x2c: {  	s7 =	sld [smem:$0x3FAD]  }
0x2d: {  	s3 =	simm.s32 $0x108;
	s8 =	sld [smem:$0x3FAE]  }
0x2e: {  	s3 =	simm.s32 @!p0 $0x1082;
	s9 =	sld [smem:$0x3FAF]  }
0x2f: {  	lr =	sadd.s32 s0, s3;
	s0 =	sld [smem:$0x3FA6]  }
0x30: {  	s3 =	sld [smem:$0x3FA9]  }
0x31: {  	[smem:$0x3FB2] =	sst s10  }
0x32: {  	s10 =	sld [smem:$0x3FB0];
	_ =	sdelay $0x3  }
0x33: {  	p0 =	seq.s32 s10, $0x1;
	s10 =	sld [smem:$0x3FB2];
	_ =	sdelay $0x3  }
0x34: {  	[smem:$0x3FB2] =	sst s10  }
0x35: {  	s10 =	sld [smem:$0x3FB1];
	_ =	sdelay $0x3  }
0x36: {  	p1 =	seq.s32 s10, $0x1;
	s10 =	sld [smem:$0x3FB2];
	_ =	sdelay $0x3  }
0x37: {  	[smem:$0x3FB2] =	sst s10  }
0x38: {  	s10 =	sld [smem:$0x3FB3]  }
0x39: {  	_ = 	snop;
	(pc) =	sbr.ind lr, $3  }
0x3a: {  	_ = 	snop  }
0x3b: {  	_ = 	snop  }
0x3c: {  	p2 =	seq.s32 s10, $0x1;
	s10 =	sld [smem:$0x3FB2]  }
0x3d: {  	_ =	shalt  }
0x3e: {  	_ =	shalt  }
0x3f: {  	_ =	shalt  }
0x40: {  	_ =	shalt  }
0x41: {  	_ =	shalt  }
0x42: {  	_ =	shalt  }
0x43: {  	_ =	shalt  }
0x44: {  	_ =	shalt  }
0x45: {  	_ =	shalt  }
0x46: {  	_ =	shalt  }
0x47: {  	_ =	shalt  }
0x48: {  	_ =	shalt  }
0x49: {  	_ =	shalt  }
0x4a: {  	_ =	shalt  }
0x4b: {  	_ =	shalt  }
0x4c: {  	_ =	shalt  }
0x4d: {  	_ =	shalt  }
0x4e: {  	_ =	shalt  }
0x4f: {  	_ =	shalt  }
0x50: {  	_ =	shalt  }
0x51: {  	_ =	shalt  }
0x52: {  	_ =	shalt  }
0x53: {  	_ =	shalt  }
0x54: {  	_ =	shalt  }
0x55: {  	_ =	shalt  }
0x56: {  	_ =	shalt  }
0x57: {  	_ =	shalt  }
0x58: {  	_ =	shalt  }
0x59: {  	_ =	shalt  }
0x5a: {  	_ =	shalt  }
0x5b: {  	_ =	shalt  }
0x5c: {  	_ =	shalt  }
0x5d: {  	_ =	shalt  }
0x5e: {  	_ =	shalt  }
0x5f: {  	_ =	shalt  }
0x60: {  	_ =	shalt  }
0x61: {  	_ =	shalt  }
0x62: {  	_ =	shalt  }
0x63: {  	_ =	shalt  }
0x64: {  	_ =	shalt  }
0x65: {  	_ =	shalt  }
0x66: {  	_ =	shalt  }
0x67: {  	_ =	shalt  }
0x68: {  	_ =	shalt  }
0x69: {  	_ =	shalt  }
0x6a: {  	_ =	shalt  }
0x6b: {  	_ =	shalt  }
0x6c: {  	_ =	shalt  }
0x6d: {  	_ =	shalt  }
0x6e: {  	_ =	shalt  }
0x6f: {  	_ =	shalt  }
0x70: {  	_ =	shalt  }
0x71: {  	_ =	shalt  }
0x72: {  	_ =	shalt  }
0x73: {  	_ =	shalt  }
0x74: {  	_ =	shalt  }
0x75: {  	_ =	shalt  }
0x76: {  	_ =	shalt  }
0x77: {  	_ =	shalt  }
0x78: {  	_ =	shalt  }
0x79: {  	_ =	shalt  }
0x7a: {  	_ =	shalt  }
0x7b: {  	_ =	shalt  }
0x7c: {  	_ =	shalt  }
0x7d: {  	_ =	shalt  }
0x7e: {  	_ =	shalt  }
0x7f: {  	_ =	shalt  }
0x80: {  	_ =	shalt  }
0x81: {  	_ =	shalt  }
0x82: {  	_ =	shalt  }
0x83: {  	_ =	shalt  }
0x84: {  	_ =	shalt  }
0x85: {  	_ =	shalt  }
0x86: {  	_ =	shalt  }
0x87: {  	_ =	shalt  }
.Lfunc_end0:
.L_simem_size_0:
called_computation_lowered:
.L_overlay_start_0:
0x88: {  	s2 =	sld [smem:$0x3FD9]  }
0x89: {  	s3 =	sld [smem:$0x3FFE];
	_ =	sdelay $0x1  }
0x8a: {  	s1 =	srdreg.scid  }
0x8b: {  	s0 =	sand.u32 $0x1, s1  }
0x8c: {  	s16 =	sshll.u32 s0, $0xA;
	s2 =	sadd.s32 s3, s2  }
0x8d: {  	s2 =	sadd.s32 s2, s16  }
0x8e: {  	[smem:$0x3FBE] =	sst s2  }
0x8f: {  	_ = 	snop  }
0x90: {  	(tm) =	ssettm $0x1  }
0x91: {  	s17 =	sld [smem:$0x3FFB];
	_ =	sdelay $0x3  }
0x92: {  	_ =	strace s17  }
0x93: {  	s2 =	sld [smem:$0x3FFC];
	_ =	sdelay $0x3  }
0x94: {  	_ =	strace s2  }
0x95: {  	s2 =	sld [smem:$0x3FFD];
	_ =	sdelay $0x3  }
0x96: {  	_ =	strace s2  }
0x97: {  	_ =	strace $0x8FFFFFFF  }
0x98: {  	s18 =	sld [smem:$0x3FDB];
	_ =	sdelay $0x1  }
0x99: {  	s19 =	simm.s32 $_scs_section_size  }
0x9a: {  	s4 =	simm.s32 $_size__tile_overlayer_lowered;
	s5 =	simm.s32 $_tile_overlayer_lowered  }
0x9b: {  	s22 =	simm.s32 $0x1BFF;
	s21 =	sshll.u32 s5, $0x1;
	s2 =	sadd.s32 s19, s18  }
0x9c: {  	s6 =	simm.s32 $0x0;
	s20 =	sshll.u32 s4, $0x1;
	s4 =	sadd.s32 s21, s2  }
0x9d: {  	[timem:s6], [sflag:s22] =	dma.local [hbm:s4], s20  }
0x9e: {  	_ =	swait.ge [sflag:s22], s20  }
0x9f: {  	s3 =	ssub.s32 $0x0, s20;
	[sflag:s22] =	ssyncset.done $0x0  }
0xa0: {  	[sflag:s22] =	ssyncadd.s32 s3;
	_ =	sdelay $0x1  }
0xa1: {  	s23 =	simm.s32 $0x1B8B  }
0xa2: {  	_ =	swait.ge [sflag:s23], $0x1  }
0xa3: {  	[sflag:s23] =	ssyncset.done $0x0  }
0xa4: {  	s25 =	simm.s32 $0x1B8E;
	s24 =	sld [smem:$0x3FFE];
	[sflag:s23] =	ssyncadd.s32 $0xFFFFFFFF  }
0xa5: {  	s26 =	simm.s32 $execute0_lowered;
	[smem:$0x3FD2] =	sst s25  }
0xa6: {  	s4 =	sshll.u32 s26, $0x1;
	_ =	strace $0x80000046;
	[dreg:$0x1] =	wrdreg $0xFFFFFFFF  }
0xa7: {  	s28 =	simm.s32 $_size_execute0_lowered;
	s2 =	sadd.s32 s2, s4;
	[dreg:$0x0] =	wrdreg $0x0  }
0xa8: {  	s4 =	sshll.u32 s28, $0x1;
	[dreg:$0x2] =	wrdreg s2  }
0xa9: {  	[dreg:$0x3] =	wrdreg s4  }
0xaa: {  	[dreg:$0x4] =	wrdreg $0xC0  }
0xab: {  	_ =	task [dreg:s6], $0x5FFFF  }
0xac: {  	[dreg:$0x1] =	wrdreg $0xFFFFFFFF  }
0xad: {  	[dreg:$0x0] =	wrdreg $0x60  }
0xae: {  	[dreg:$0x2] =	wrdreg s24  }
0xaf: {  	[dreg:$0x3] =	wrdreg $0x90000  }
0xb0: {  	[dreg:$0x4] =	wrdreg $0x9  }
0xb1: {  	_ =	task.clear_ibuf [dreg:s6], $0x5FFFF;
	_ =	strace $0x90000046  }
0xb2: {  	s29 =	simm.s32 $0x9;
	_ =	strace $0x80000048  }
0xb3: {  	_ =	swait.ge [sflag:s29], $0x1  }
0xb4: {  	[sflag:s29] =	ssyncadd.s32 $0xFFFFFFFF  }
0xb5: {  	_ =	strace $0x90000048  }
0xb6: {  	_ =	sfence  }
0xb7: {  	s30 =	sld [smem:$0x0];
	_ =	sdelay $0x2  }
0xb8: {  	s31 =	sshll.u32 s1, $0xD;
	s1 =	sshrl.u32 s1, $0x2  }
0xb9: {  	s3 =	sand.u32 $0x4000, s31;
	s1 =	sadd.s32 s1, s30  }
0xba: {  	s0 =	sor.u32 s3, s0;
	s1 =	sshll.u32 s1, $0x11  }
0xbb: {  	s0 =	sor.u32 s1, s0  }
0xbc: {  	s0 =	sadd.s32 $0x8F2B, s0  }
0xbd: {  	[sflag:s0] =	ssyncadd.remote.s32 $0x1  }
0xbe: {  	_ =	sfence.sel $0xFFFF  }
0xbf: {  	[dreg:$0x0] =	wrdreg $0xFFFFFFFF;
	(pc) =	sbr.abs _section_cstart, $3  }
0xc0: {  	[dreg:$0x1] =	wrdreg $0xFFFFFFFF  }
0xc1: {  	_ =	task.clear_ibuf [dreg:s6], $0x2FFFF;
	_ =	strace $0x9FFFFFFF  }
0xc2: {  	(tm) =	ssettm $0x7FFFFFFF  }
0xc3: {  	_ =	shalt  }
tec
execute0_lowered:
.L_overlay_start_1:
0x0: {  	(tag) =	ssettag $0x1  }
0x1: {  	s4 =	rddreg [dreg:$0x0];
	s0 =	srdreg.scid  }
0x2: {  	s2 =	rddreg [dreg:$0x1];
	s1 =	stileid.u32  }
0x3: {  	s3 =	simm.s32 $0x0;
	s12 =	simm.s32 $0x50;
	s13 =	simm.s32 $0x4000  }
0x4: {  	s14 =	simm.s32 $0x80;
	s15 =	simm.s32 $0x3;
	s16 =	simm.s32 $0x0  }
0x5: {  	s5 =	sand.u32 $0x1, s0;
	s7 =	smul.u32 $0x2800, s1;
	[smem:$0x7FF] =	sst s3  }
0x6: {  	s8 =	sshll.u32 s1, $0xB;
	s10 =	smul.u32 $0xA000, s1;
	s30 =	ssub.s32 $0x8C, s1  }
0x7: {  	s0 =	rddreg [dreg:$0x2];
	s6 =	smul.u32 $0x138800, s5;
	_ =	strace $0x80000047  }
0x8: {  	s25 =	sadd.s32 s8, s4;
	s26 =	ssub.s32 $0x2, s5;
	s5 =	sshll.u32 s5, $0xF  }
0x9: {  	s9 =	sshrl.u32 s26, $0x1;
	s29 =	sadd.s32 s5, s25;
	s31 =	sshrl.u32 s10, $0x2  }
0xa: {  	s5 =	sshrl.u32 s30, $0x4;
	s10 =	simm.s32 $0x2;
	s6 =	sadd.s32 s7, s6  }
0xb: {  	s28 =	ssub.s32 s26, s9;
	s7 =	sadd.s32 s31, s2;
	s6 =	sshrl.u32 s6, $0x3  }
0xc: {  	s9 =	simm.s32 $0x6800;
	s11 =	sadd.s32 s6, s4;
	s4 =	sadd.s32 $0x2C00, s29  }
0xd: {  	v0 =	vimm.f32 $1.000000000e+00;
	v1 =	vimm.f32 $0.0e+00;
	s6 =	smax.u32 s28, $0x1;
	s8 =	sadd.s32 $0x12C00, s11;
	s11 =	simm.s32 $0x1  }
.LBB2_1:
0xe: {  	[tilespmem:s3], [sflag:$0x1] =	stream.linear.gather [hbm4b:s4+s3], $0x3E80, $0x38;
	[tilespmem:$0xB710] =	vst v63  }
0xf: {  	s17 =	simm.s32 $0x0  }
.LBB2_2:
0x10: {  	p0 =	sne.s32 s17, $0x9E00  }
.Ltmp0:
0x11: {  	_ = 	snop;
	(pc) =	sbr.rel @p0 .LBB2_2-.Ltmp0, $3  }
0x12: {  	_ =	sdelay $0x1  }
0x13: {  	s18 =	sshra.s32 s17, $0x2  }
0x14: {  	s17 =	sadd.s32 $0x200, s17;
	[tilespmem:s18+$0x4000] =	vst v0  }
0x15: {  	s17 =	simm.s32 $0x200;
	s18 =	simm.s32 $0x0  }
.LBB2_4:
0x16: {  	p0 =	sne.s32 s17, $0x9E00;
	[tilespmem:s18+$0x6800] =	vst v1;
	s18 =	smov.u32 s17;
	s17 =	sadd.s32 $0x200, s17  }
.Ltmp1:
0x17: {  	(pc) =	sbr.rel @p0 .LBB2_4-.Ltmp1, $2  }
0x18: {  	_ =	sdelay $0x2  }
0x19: {  	s18 =	sshra.s32 s18, $0x2  }
0x1a: {  	p0 =	sne.s32 s5, $0x1  }
.Ltmp2:
0x1b: {  	_ = 	snop;
	(pc) =	sbr.rel @!p0 .LBB2_7-.Ltmp2, $3  }
0x1c: {  	_ =	sdelay $0x1  }
0x1d: {  	[tilespmem:s18+$0x6800] =	vst v1;
	s17 =	sadd.s32 $0xFFFFFFFF, s5;
	s18 =	smov.u32 s7  }
0x1e: {  	[spmem:s7] =	stream.linear.scatter [tilespmem:s9], [sflag:$0x2], $0x2800, $0x38;
	[tilespmem:$0xB710] =	vst v63  }
.LBB2_6:
0x1f: {  	p1 =	sne.s32 s17, $0x1  }
.Ltmp3:
0x20: {  	_ = 	snop;
	(pc) =	sbr.rel @p1 .LBB2_6-.Ltmp3, $3  }
0x21: {  	_ = 	snop  }
0x22: {  	s17 =	sadd.s32 $0xFFFFFFFF, s17;
	s18 =	sadd.s32 $0x28000, s18;
	_ =	sdelay $0x1  }
0x23: {  	[spmem:s18] =	stream.linear.scatter [tilespmem:s9], [sflag:$0x2], $0x2800, $0x38;
	[tilespmem:$0xB710] =	vst v63  }
.LBB2_7:
.Ltmp4:
0x24: {  	(pc) =	sbr.rel @!p0 .LBB2_9-.Ltmp4, $3  }
0x25: {  	_ =	sdelay $0x1  }
0x26: {  	_ =	swait.ge [sflag:s10], $0x2800  }
0x27: {  	s17 =	sadd.s32 $0xFFFFFFFF, s5;
	[sflag:s10] =	ssyncset.done $0x0  }
.LBB2_8:
0x28: {  	p1 =	sne.s32 s17, $0x1;
	s17 =	sadd.s32 $0xFFFFFFFF, s17;
	[sflag:s10] =	ssyncadd.s32 $0xFFFFD800  }
.Ltmp5:
0x29: {  	(pc) =	sbr.rel @p1 .LBB2_8-.Ltmp5, $3  }
0x2a: {  	_ =	sdelay $0x1  }
0x2b: {  	_ =	swait.ge [sflag:s10], $0x2800  }
0x2c: {  	[sflag:s10] =	ssyncset.done $0x0  }
.LBB2_9:
0x2d: {  	[sflag:s10] =	ssyncadd.s32 $0xFFFFD800  }
0x2e: {  	_ =	swait.ge [sflag:s11], $0x3E80  }
0x2f: {  	[sflag:s11] =	ssyncset.done $0x0  }
0x30: {  	[sflag:s11] =	ssyncadd.s32 $0xFFFFC180  }
0x31: {  	[bflag:$0x0] =	sbarrier.arrive $0xFFFF  }
0x32: {  	[spmem:s2] =	stream.indirect.scatter.add.f32 [tilespmem:s13], [sflag:$0x3], $0x10, s3, s12, $0xb8;
	[tilespmem:$0xB710] =	vst v63  }
0x33: {  	_ = 	snop  }
0x34: {  	[spmem:s2] =	stream.indirect.scatter.add.f32 [tilespmem:s13], [sflag:$0x3], $0x10, s14, s12, $0xb8;
	[tilespmem:$0xB710] =	vst v63  }
0x35: {  	s17 =	simm.s32 $0x100  }
0x36: {  	[spmem:s2] =	stream.indirect.scatter.add.f32 [tilespmem:s13], [sflag:$0x3], $0x10, s17, s12, $0xb8;
	[tilespmem:$0xB710] =	vst v63  }
0x37: {  	_ =	swait.ge [sflag:s15], $0x500  }
0x38: {  	s17 =	simm.s32 $0x600;
	[sflag:s15] =	ssyncset.done $0x0  }
.LBB2_10:
0x39: {  	s18 =	sshra.s32 s17, $0x2;
	[sflag:s15] =	ssyncadd.s32 $0xFFFFFB00;
	p1 =	sne.s32 s17, $0xF800  }
0x3a: {  	[spmem:s2] =	stream.indirect.scatter.add.f32 [tilespmem:s13], [sflag:$0x3], $0x10, s18, s12, $0xb8;
	[tilespmem:$0xB710] =	vst v63  }
.Ltmp6:
0x3b: {  	_ = 	snop;
	(pc) =	sbr.rel @p1 .LBB2_10-.Ltmp6, $4  }
0x3c: {  	_ = 	snop  }
0x3d: {  	s17 =	sadd.s32 $0x200, s17  }
0x3e: {  	_ =	swait.ge [sflag:s15], $0x500  }
0x3f: {  	[sflag:s15] =	ssyncset.done $0x0  }
0x40: {  	[sflag:s15] =	ssyncadd.s32 $0xFFFFFB00  }
0x41: {  	_ =	swait.ge [sflag:s15], $0x500  }
0x42: {  	[sflag:s15] =	ssyncset.done $0x0  }
0x43: {  	[sflag:s15] =	ssyncadd.s32 $0xFFFFFB00  }
0x44: {  	_ =	swait.ge [sflag:s15], $0x500  }
.Ltmp7:
0x45: {  	[sflag:s15] =	ssyncset.done $0x0;
	(pc) =	sbr.rel @!p0 .LBB2_13-.Ltmp7, $4  }
0x46: {  	s17 =	sshll.u32 s1, $0x6;
	[sflag:s15] =	ssyncadd.s32 $0xFFFFFB00  }
0x47: {  	s18 =	sshrl.u32 s7, $0x3;
	s17 =	sor.u32 $0x1C02, s17;
	[bflag:$0x0] =	sbarrier.arrive $0xFFFF  }
0x48: {  	[hbm:s8], [sflag:s17] =	dma.local [spmem:s18], $0x500  }
0x49: {  	s19 =	sadd.s32 $0x28000, s7;
	s20 =	smov.u32 s8;
	s18 =	sadd.s32 $0xFFFFFFFF, s5  }
.LBB2_12:
0x4a: {  	p1 =	sne.s32 s18, $0x1;
	s18 =	sadd.s32 $0xFFFFFFFF, s18  }
.Ltmp8:
0x4b: {  	s21 =	sshrl.u32 s19, $0x3;
	s20 =	sadd.s32 $0x5000, s20;
	(pc) =	sbr.rel @p1 .LBB2_12-.Ltmp8, $3  }
0x4c: {  	[hbm:s20], [sflag:s17] =	dma.local [spmem:s21], $0x500  }
0x4d: {  	_ =	sdelay $0x1  }
0x4e: {  	s19 =	sadd.s32 $0x28000, s19  }
.LBB2_13:
.Ltmp9:
0x4f: {  	(pc) =	sbr.rel @!p0 .LBB2_15-.Ltmp9, $3  }
0x50: {  	_ =	sdelay $0x1  }
0x51: {  	_ =	swait.ge [sflag:s10], $0x500  }
0x52: {  	s17 =	sadd.s32 $0xFFFFFFFF, s5;
	[sflag:s10] =	ssyncset.done $0x0  }
.LBB2_14:
0x53: {  	p0 =	sne.s32 s17, $0x1;
	s17 =	sadd.s32 $0xFFFFFFFF, s17;
	[sflag:s10] =	ssyncadd.s32 $0xFFFFFB00  }
.Ltmp10:
0x54: {  	(pc) =	sbr.rel @p0 .LBB2_14-.Ltmp10, $3  }
0x55: {  	_ =	sdelay $0x1  }
0x56: {  	_ =	swait.ge [sflag:s10], $0x500  }
0x57: {  	[sflag:s10] =	ssyncset.done $0x0  }
.LBB2_15:
0x58: {  	s16 =	sadd.s32 $0x1, s16  }
0x59: {  	p0 =	sne.s32 s16, s6  }
.Ltmp11:
0x5a: {  	_ = 	snop;
	(pc) =	sbr.rel @p0 .LBB2_1-.Ltmp11, $2  }
0x5b: {  	_ =	sdelay $0x2  }
0x5c: {  	[sflag:s10] =	ssyncadd.s32 $0xFFFFFB00  }
0x5d: {  	_ =	sfence.sel $0x180000  }
0x5e: {  	[bflag:$0x0] =	sbarrier.arrive $0xFFFF  }
0x5f: {  	p0 =	sne.s32 s1, $0x0;
	_ =	strace $0x90000047  }
0x60: {  	s0 =	sadd.s32 @!p0 $0x100000, s0;
	[bflag:$0x2] =	sbarrier.arrive $0xFFFF  }
0x61: {  	[sflag:s0] =	ssyncadd.tile.s32 @!p0 $0x1;
	_ =	shalt  }
.Lfunc_end2:
_tile_overlayer_lowered:
.L_overlay_start_2:
0x62: {  	(tag) =	ssettag $0x2  }
0x63: {  	s0 =	rddreg [dreg:$0x0];
	s2 =	stileid.u32  }
0x64: {  	s1 =	rddreg [dreg:$0x1];
	p0 =	sne.s32 s2, $0x0  }
0x65: {  	s3 =	rddreg [dreg:$0x2];
	[bflag:$0x3] =	sbarrier.arrive $0xFFFF;
	s2 =	simm.s32 @!p0 $0x1C04  }
0x66: {  	[timem:s3], [sflag:s2] =	dma.local @!p0 [hbm:s0], s1  }
0x67: {  	s0 =	simm.s32 @!p0 $0x4  }
0x68: {  	_ =	swait.ge @!p0 [sflag:s0], s1  }
0x69: {  	s1 =	ssub.s32 @!p0 $0x0, s1;
	[sflag:s0] =	ssyncset.done @!p0 $0x0  }
0x6a: {  	[sflag:s0] =	ssyncadd.s32 @!p0 s1  }
0x6b: {  	[bflag:$0x3] =	sbarrier.arrive $0xFFFF  }
0x6c: {  	_ =	shalt  }

// kernel: kernel.13.cloned.1.call-start
scs
__scs_entry_jumppad:
0x0: {  	(pc) =	sbr.rel $0x88, $3  }
0x1: {  	(tag) =	ssettag $0x0;
	lr =	simm.s32 $0x1  }
0x2: {  	[smem:$0x3F97] =	sst lr;
	_ =	strace $0xD0000000  }
0x3: {  	_ = 	snop  }
0x4: {  	_ = 	snop  }
0x5: {  	_ = 	snop  }
0x6: {  	_ = 	snop  }
0x7: {  	_ = 	snop  }
__scs_overlays_trampoline_lowered:
0x8: {  	[smem:$0x3FA6] =	sst s0  }
0x9: {  	[smem:$0x3FA7] =	sst s1  }
0xa: {  	[smem:$0x3FA8] =	sst s2  }
0xb: {  	[smem:$0x3FA9] =	sst s3  }
0xc: {  	[smem:$0x3FAA] =	sst s4  }
0xd: {  	[smem:$0x3FAB] =	sst s5  }
0xe: {  	[smem:$0x3FAC] =	sst s6  }
0xf: {  	[smem:$0x3FAD] =	sst s7  }
0x10: {  	[smem:$0x3FAE] =	sst s8  }
0x11: {  	[smem:$0x3FAF] =	sst s9;
	s0 =	simm.s32 @!p0 $0x0  }
0x12: {  	s1 =	sld [smem:$0x3F95];
	s0 =	simm.s32 @p0 $0x1  }
0x13: {  	[smem:$0x3FB0] =	sst s0;
	s0 =	simm.s32 @!p1 $0x0  }
0x14: {  	s2 =	sld [smem:$0x3F94];
	s0 =	simm.s32 @p1 $0x1  }
0x15: {  	[smem:$0x3FB1] =	sst s0;
	s0 =	simm.s32 @!p2 $0x0  }
0x16: {  	s3 =	sld [smem:$0x3FDB];
	s0 =	simm.s32 @p2 $0x1  }
0x17: {  	s4 =	simm.s32 $0x1BF5;
	[smem:$0x3FB3] =	sst s0  }
0x18: {  	s0 =	sld [smem:$0x3F96];
	_ =	swait.ge [sflag:s4], $0x0  }
0x19: {  	s7 =	sld [smem:$0x3F97]  }
0x1a: {  	s8 =	sadd.s32 $0xFFFFE003, lr  }
0x1b: {  	s9 =	sadd.s32 $0xFFFFFEF7, lr;
	s5 =	simm.s32 $0xFFFFFFFF;
	p2 =	slt.u32 s8, $0xFFFFF086  }
0x1c: {  	p1 =	slt.u32 s9, $0xF7A;
	s5 =	simm.s32 @!p2 $0x0  }
0x1d: {  	s5 =	simm.s32 @p1 $0x1;
	p0 =	seq.s32 s7, s2  }
0x1e: {  	s7 =	smul.u32 @!p0 $0xF7A, s2;
	p2 =	seq.s32 @!p0 s5, $0x0  }
0x1f: {  	s9 =	smul.u32 $0xF7A, s1;
	s8 =	simm.s32 @!p0 $0x1BF5;
	p2 =	por !p2, p0  }
0x20: {  	[sflag:s8] =	ssyncset.s32 @!p0 $0xFFFFF086;
	s6 =	sadd.s32 @!p0 s3, s7;
	s7 =	simm.s32 @!p0 $0x108  }
0x21: {  	s3 =	sadd.s32 s3, s9;
	s6 =	sadd.s32 @!p0 $0x88, s6;
	s7 =	simm.s32 @p2 $0x1082  }
0x22: {  	[simem:s7], [sflag:s8] =	dma.local @!p0 [hbm:s6], $0xF7A  }
0x23: {  	s9 =	sor.u32 $0xD0000000, s2;
	s6 =	simm.s32 $0x108;
	_ =	swait.ge @!p0 [sflag:s8], $0x0  }
0x24: {  	s3 =	sadd.s32 $0x88, s3;
	s6 =	simm.s32 @!p1 $0x1082;
	[sflag:s4] =	ssyncset.s32 $0xFFFFF086  }
0x25: {  	[simem:s6], [sflag:s4] =	dma.local [hbm:s3], $0xF7A  }
0x26: {  	[smem:$0x3F97] =	sst s1;
	(tag) =	ssettag s2;
	_ =	strace s9  }
0x27: {  	s1 =	sld [smem:$0x3FA7]  }
0x28: {  	s2 =	sld [smem:$0x3FA8]  }
0x29: {  	s4 =	sld [smem:$0x3FAA]  }
0x2a: {  	p0 =	seq.s32 s5, $0x0;
	s5 =	sld [smem:$0x3FAB]  }
0x2b: {  	s6 =	sld [smem:$0x3FAC]  }
0x2c: {  	s7 =	sld [smem:$0x3FAD]  }
0x2d: {  	s3 =	simm.s32 $0x108;
	s8 =	sld [smem:$0x3FAE]  }
0x2e: {  	s3 =	simm.s32 @!p0 $0x1082;
	s9 =	sld [smem:$0x3FAF]  }
0x2f: {  	lr =	sadd.s32 s0, s3;
	s0 =	sld [smem:$0x3FA6]  }
0x30: {  	s3 =	sld [smem:$0x3FA9]  }
0x31: {  	[smem:$0x3FB2] =	sst s10  }
0x32: {  	s10 =	sld [smem:$0x3FB0];
	_ =	sdelay $0x3  }
0x33: {  	p0 =	seq.s32 s10, $0x1;
	s10 =	sld [smem:$0x3FB2];
	_ =	sdelay $0x3  }
0x34: {  	[smem:$0x3FB2] =	sst s10  }
0x35: {  	s10 =	sld [smem:$0x3FB1];
	_ =	sdelay $0x3  }
0x36: {  	p1 =	seq.s32 s10, $0x1;
	s10 =	sld [smem:$0x3FB2];
	_ =	sdelay $0x3  }
0x37: {  	[smem:$0x3FB2] =	sst s10  }
0x38: {  	s10 =	sld [smem:$0x3FB3]  }
0x39: {  	_ = 	snop;
	(pc) =	sbr.ind lr, $3  }
0x3a: {  	_ = 	snop  }
0x3b: {  	_ = 	snop  }
0x3c: {  	p2 =	seq.s32 s10, $0x1;
	s10 =	sld [smem:$0x3FB2]  }
0x3d: {  	_ =	shalt  }
0x3e: {  	_ =	shalt  }
0x3f: {  	_ =	shalt  }
0x40: {  	_ =	shalt  }
0x41: {  	_ =	shalt  }
0x42: {  	_ =	shalt  }
0x43: {  	_ =	shalt  }
0x44: {  	_ =	shalt  }
0x45: {  	_ =	shalt  }
0x46: {  	_ =	shalt  }
0x47: {  	_ =	shalt  }
0x48: {  	_ =	shalt  }
0x49: {  	_ =	shalt  }
0x4a: {  	_ =	shalt  }
0x4b: {  	_ =	shalt  }
0x4c: {  	_ =	shalt  }
0x4d: {  	_ =	shalt  }
0x4e: {  	_ =	shalt  }
0x4f: {  	_ =	shalt  }
0x50: {  	_ =	shalt  }
0x51: {  	_ =	shalt  }
0x52: {  	_ =	shalt  }
0x53: {  	_ =	shalt  }
0x54: {  	_ =	shalt  }
0x55: {  	_ =	shalt  }
0x56: {  	_ =	shalt  }
0x57: {  	_ =	shalt  }
0x58: {  	_ =	shalt  }
0x59: {  	_ =	shalt  }
0x5a: {  	_ =	shalt  }
0x5b: {  	_ =	shalt  }
0x5c: {  	_ =	shalt  }
0x5d: {  	_ =	shalt  }
0x5e: {  	_ =	shalt  }
0x5f: {  	_ =	shalt  }
0x60: {  	_ =	shalt  }
0x61: {  	_ =	shalt  }
0x62: {  	_ =	shalt  }
0x63: {  	_ =	shalt  }
0x64: {  	_ =	shalt  }
0x65: {  	_ =	shalt  }
0x66: {  	_ =	shalt  }
0x67: {  	_ =	shalt  }
0x68: {  	_ =	shalt  }
0x69: {  	_ =	shalt  }
0x6a: {  	_ =	shalt  }
0x6b: {  	_ =	shalt  }
0x6c: {  	_ =	shalt  }
0x6d: {  	_ =	shalt  }
0x6e: {  	_ =	shalt  }
0x6f: {  	_ =	shalt  }
0x70: {  	_ =	shalt  }
0x71: {  	_ =	shalt  }
0x72: {  	_ =	shalt  }
0x73: {  	_ =	shalt  }
0x74: {  	_ =	shalt  }
0x75: {  	_ =	shalt  }
0x76: {  	_ =	shalt  }
0x77: {  	_ =	shalt  }
0x78: {  	_ =	shalt  }
0x79: {  	_ =	shalt  }
0x7a: {  	_ =	shalt  }
0x7b: {  	_ =	shalt  }
0x7c: {  	_ =	shalt  }
0x7d: {  	_ =	shalt  }
0x7e: {  	_ =	shalt  }
0x7f: {  	_ =	shalt  }
0x80: {  	_ =	shalt  }
0x81: {  	_ =	shalt  }
0x82: {  	_ =	shalt  }
0x83: {  	_ =	shalt  }
0x84: {  	_ =	shalt  }
0x85: {  	_ =	shalt  }
0x86: {  	_ =	shalt  }
0x87: {  	_ =	shalt  }
.Lfunc_end0:
.L_simem_size_0:
called_computation.1_lowered:
.L_overlay_start_0:
0x88: {  	s2 =	sld [smem:$0x3FD9]  }
0x89: {  	s3 =	sld [smem:$0x3FFE];
	_ =	sdelay $0x1  }
0x8a: {  	s1 =	srdreg.scid  }
0x8b: {  	s0 =	sand.u32 $0x1, s1  }
0x8c: {  	s16 =	sshll.u32 s0, $0xA;
	s2 =	sadd.s32 s3, s2  }
0x8d: {  	s2 =	sadd.s32 s2, s16  }
0x8e: {  	[smem:$0x3FBE] =	sst s2  }
0x8f: {  	_ = 	snop  }
0x90: {  	(tm) =	ssettm $0x1  }
0x91: {  	s17 =	sld [smem:$0x3FFB];
	_ =	sdelay $0x3  }
0x92: {  	_ =	strace s17  }
0x93: {  	s2 =	sld [smem:$0x3FFC];
	_ =	sdelay $0x3  }
0x94: {  	_ =	strace s2  }
0x95: {  	s2 =	sld [smem:$0x3FFD];
	_ =	sdelay $0x3  }
0x96: {  	_ =	strace s2  }
0x97: {  	_ =	strace $0x8FFFFFFF  }
0x98: {  	s18 =	sld [smem:$0x3FDB];
	_ =	sdelay $0x1  }
0x99: {  	s19 =	simm.s32 $_scs_section_size  }
0x9a: {  	s4 =	simm.s32 $_size__tile_overlayer_lowered;
	s5 =	simm.s32 $_tile_overlayer_lowered  }
0x9b: {  	s22 =	simm.s32 $0x1BFF;
	s21 =	sshll.u32 s5, $0x1;
	s2 =	sadd.s32 s19, s18  }
0x9c: {  	s6 =	simm.s32 $0x0;
	s20 =	sshll.u32 s4, $0x1;
	s4 =	sadd.s32 s21, s2  }
0x9d: {  	[timem:s6], [sflag:s22] =	dma.local [hbm:s4], s20  }
0x9e: {  	_ =	swait.ge [sflag:s22], s20  }
0x9f: {  	s3 =	ssub.s32 $0x0, s20;
	[sflag:s22] =	ssyncset.done $0x0  }
0xa0: {  	[sflag:s22] =	ssyncadd.s32 s3;
	_ =	sdelay $0x1  }
0xa1: {  	s23 =	simm.s32 $0x1B8B  }
0xa2: {  	_ =	swait.ge [sflag:s23], $0x1  }
0xa3: {  	[sflag:s23] =	ssyncset.done $0x0  }
0xa4: {  	s25 =	simm.s32 $0x1B8E;
	s24 =	sld [smem:$0x3FFE];
	[sflag:s23] =	ssyncadd.s32 $0xFFFFFFFF  }
0xa5: {  	s26 =	simm.s32 $execute0_lowered;
	[smem:$0x3FD2] =	sst s25  }
0xa6: {  	s4 =	sshll.u32 s26, $0x1;
	_ =	strace $0x80000049;
	[dreg:$0x1] =	wrdreg $0xFFFFFFFF  }
0xa7: {  	s28 =	simm.s32 $_size_execute0_lowered;
	s2 =	sadd.s32 s2, s4;
	[dreg:$0x0] =	wrdreg $0x0  }
0xa8: {  	s4 =	sshll.u32 s28, $0x1;
	[dreg:$0x2] =	wrdreg s2  }
0xa9: {  	[dreg:$0x3] =	wrdreg s4  }
0xaa: {  	[dreg:$0x4] =	wrdreg $0xC0  }
0xab: {  	_ =	task [dreg:s6], $0x5FFFF  }
0xac: {  	[dreg:$0x1] =	wrdreg $0xFFFFFFFF  }
0xad: {  	[dreg:$0x0] =	wrdreg $0x60  }
0xae: {  	[dreg:$0x2] =	wrdreg s24  }
0xaf: {  	[dreg:$0x3] =	wrdreg $0x7C000  }
0xb0: {  	[dreg:$0x4] =	wrdreg $0x9  }
0xb1: {  	_ =	task.clear_ibuf [dreg:s6], $0x5FFFF;
	_ =	strace $0x90000049  }
0xb2: {  	s29 =	simm.s32 $0x9;
	_ =	strace $0x8000004B  }
0xb3: {  	_ =	swait.ge [sflag:s29], $0x1  }
0xb4: {  	[sflag:s29] =	ssyncadd.s32 $0xFFFFFFFF  }
0xb5: {  	_ =	strace $0x9000004B  }
0xb6: {  	_ =	sfence  }
0xb7: {  	s30 =	sld [smem:$0x0];
	_ =	sdelay $0x2  }
0xb8: {  	s31 =	sshll.u32 s1, $0xD;
	s1 =	sshrl.u32 s1, $0x2  }
0xb9: {  	s3 =	sand.u32 $0x4000, s31;
	s1 =	sadd.s32 s1, s30  }
0xba: {  	s0 =	sor.u32 s3, s0;
	s1 =	sshll.u32 s1, $0x11  }
0xbb: {  	s0 =	sor.u32 s1, s0  }
0xbc: {  	s0 =	sadd.s32 $0x8F2B, s0  }
0xbd: {  	[sflag:s0] =	ssyncadd.remote.s32 $0x1  }
0xbe: {  	_ =	sfence.sel $0xFFFF  }
0xbf: {  	[dreg:$0x0] =	wrdreg $0xFFFFFFFF;
	(pc) =	sbr.abs _section_cstart, $3  }
0xc0: {  	[dreg:$0x1] =	wrdreg $0xFFFFFFFF  }
0xc1: {  	_ =	task.clear_ibuf [dreg:s6], $0x2FFFF;
	_ =	strace $0x9FFFFFFF  }
0xc2: {  	(tm) =	ssettm $0x7FFFFFFF  }
0xc3: {  	_ =	shalt  }
tec
execute0_lowered:
.L_overlay_start_1:
0x0: {  	(tag) =	ssettag $0x1  }
0x1: {  	s5 =	rddreg [dreg:$0x0]  }
0x2: {  	s1 =	rddreg [dreg:$0x1]  }
0x3: {  	s0 =	rddreg [dreg:$0x2];
	s3 =	simm.s32 $0x0  }
0x4: {  	s2 =	srdreg.scid;
	s14 =	simm.s32 $0x2;
	s15 =	simm.s32 $0x1  }
0x5: {  	s16 =	simm.s32 $0x50;
	s17 =	simm.s32 $0x400;
	s18 =	simm.s32 $0x3  }
0x6: {  	s19 =	simm.s32 $0x80;
	s20 =	simm.s32 $0x2C00;
	s6 =	sand.u32 $0x1, s2  }
0x7: {  	s21 =	simm.s32 $0x4;
	s2 =	stileid.u32;
	s7 =	smul.u32 $0x138800, s6  }
0x8: {  	s22 =	simm.s32 $0x0;
	[smem:$0x7FF] =	sst s3;
	s8 =	smul.u32 $0x2800, s2  }
0x9: {  	s4 =	sshll.u32 s6, $0x4;
	s25 =	ssub.s32 $0x2, s6;
	s6 =	smul.u32 $0x7D000, s6  }
0xa: {  	s10 =	sadd.s32 $0x60E00, s5;
	_ =	strace $0x8000004A;
	s12 =	smul.u32 $0x7D00, s2  }
0xb: {  	s28 =	smul.u32 $0xA000, s2;
	s30 =	ssub.s32 $0x8C, s2;
	s9 =	sor.u32 s2, s4  }
0xc: {  	s4 =	sadd.s32 $0x2C00, s5;
	s11 =	sshrl.u32 s25, $0x1;
	s9 =	smul.u32 $0x7D00, s9  }
0xd: {  	s7 =	sadd.s32 s8, s7;
	s8 =	ssub.s32 s25, s11;
	s29 =	sadd.s32 s12, s6  }
0xe: {  	s7 =	sshrl.u32 s7, $0x3;
	s12 =	sadd.s32 $0x200, s29;
	s8 =	smax.u32 s8, $0x1  }
0xf: {  	s13 =	sadd.s32 s7, s5;
	s26 =	sshrl.u32 s9, $0x3;
	s7 =	sshrl.u32 s30, $0x4  }
0x10: {  	s9 =	sshrl.u32 s28, $0x2;
	s31 =	sshrl.u32 s12, $0x3;
	s12 =	simm.s32 $0x100  }
0x11: {  	s5 =	sadd.s32 s10, s26;
	s9 =	sadd.s32 s9, s1;
	s10 =	sadd.s32 s31, s10  }
0x12: {  	v0 =	vimm.f32 $0.0e+00;
	s11 =	sadd.s32 $0x80200, s13;
	s13 =	simm.s32 $0x5400;
	s6 =	sadd.s32 $0x20, s5  }
.LBB2_1:
0x13: {  	[tilespmem:s3], [sflag:$0x1] =	stream.linear.gather [hbm4b:s5+s3], $0x100, $0x38;
	[tilespmem:$0x1B480] =	vst v63  }
0x14: {  	s23 =	simm.s32 $0x0;
	s24 =	simm.s32 $0x200  }
0x15: {  	[tilespmem:s12], [sflag:$0x1] =	stream.linear.gather [hbm4b:s6+s3], $0x100, $0x38;
	[tilespmem:$0x1B480] =	vst v63  }
.LBB2_2:
0x16: {  	p0 =	sne.s32 s24, $0x9E00;
	[tilespmem:s23+$0x5470] =	vst v0  }
0x17: {  	[tilespmem:s23+$0x5400] =	vst v0  }
0x18: {  	[tilespmem:s23+$0x5410] =	vst v0  }
.Ltmp0:
0x19: {  	[tilespmem:s23+$0x5420] =	vst v0;
	(pc) =	sbr.rel @p0 .LBB2_2-.Ltmp0, $4  }
0x1a: {  	[tilespmem:s23+$0x5430] =	vst v0  }
0x1b: {  	[tilespmem:s23+$0x5440] =	vst v0  }
0x1c: {  	[tilespmem:s23+$0x5450] =	vst v0  }
0x1d: {  	[tilespmem:s23+$0x5460] =	vst v0;
	s23 =	sshra.s32 s24, $0x2;
	s24 =	sadd.s32 $0x200, s24  }
0x1e: {  	[tilespmem:s23+$0x5470] =	vst v0  }
0x1f: {  	[tilespmem:s23+$0x5400] =	vst v0  }
0x20: {  	[tilespmem:s23+$0x5410] =	vst v0  }
0x21: {  	[tilespmem:s23+$0x5420] =	vst v0;
	p0 =	sne.s32 s7, $0x1  }
.Ltmp1:
0x22: {  	[tilespmem:s23+$0x5430] =	vst v0;
	(pc) =	sbr.rel @!p0 .LBB2_5-.Ltmp1, $4  }
0x23: {  	[tilespmem:s23+$0x5440] =	vst v0  }
0x24: {  	[tilespmem:s23+$0x5450] =	vst v0  }
0x25: {  	[tilespmem:s23+$0x5460] =	vst v0;
	s23 =	sadd.s32 $0xFFFFFFFF, s7;
	s24 =	smov.u32 s9  }
0x26: {  	[spmem:s9] =	stream.linear.scatter [tilespmem:s13], [sflag:$0x2], $0x2800, $0x38;
	[tilespmem:$0x1B480] =	vst v63  }
.LBB2_4:
0x27: {  	p1 =	sne.s32 s23, $0x1  }
.Ltmp2:
0x28: {  	_ = 	snop;
	(pc) =	sbr.rel @p1 .LBB2_4-.Ltmp2, $3  }
0x29: {  	_ = 	snop  }
0x2a: {  	s23 =	sadd.s32 $0xFFFFFFFF, s23;
	s24 =	sadd.s32 $0x28000, s24;
	_ =	sdelay $0x1  }
0x2b: {  	[spmem:s24] =	stream.linear.scatter [tilespmem:s13], [sflag:$0x2], $0x2800, $0x38;
	[tilespmem:$0x1B480] =	vst v63  }
.LBB2_5:
.Ltmp3:
0x2c: {  	(pc) =	sbr.rel @!p0 .LBB2_7-.Ltmp3, $3  }
0x2d: {  	_ =	sdelay $0x1  }
0x2e: {  	_ =	swait.ge [sflag:s14], $0x2800  }
0x2f: {  	s23 =	sadd.s32 $0xFFFFFFFF, s7;
	[sflag:s14] =	ssyncset.done $0x0  }
.LBB2_6:
0x30: {  	p1 =	sne.s32 s23, $0x1;
	s23 =	sadd.s32 $0xFFFFFFFF, s23;
	[sflag:s14] =	ssyncadd.s32 $0xFFFFD800  }
.Ltmp4:
0x31: {  	(pc) =	sbr.rel @p1 .LBB2_6-.Ltmp4, $3  }
0x32: {  	_ =	sdelay $0x1  }
0x33: {  	_ =	swait.ge [sflag:s14], $0x2800  }
0x34: {  	[sflag:s14] =	ssyncset.done $0x0  }
.LBB2_7:
0x35: {  	[sflag:s14] =	ssyncadd.s32 $0xFFFFD800  }
0x36: {  	[bflag:$0x0] =	sbarrier.arrive $0xFFFF  }
0x37: {  	_ =	swait.ge [sflag:s15], $0x100  }
0x38: {  	s23 =	simm.s32 $0x0;
	[sflag:s15] =	ssyncset.done $0x0  }
0x39: {  	s24 =	simm.s32 $0x800;
	s25 =	smov.u32 s10;
	[sflag:s15] =	ssyncadd.s32 $0xFFFFFF00  }
0x3a: {  	[tilespmem:s17], [sflag:$0x2] =	stream.indirect.gather [hbm4b:s4+s16], $0x80, s23, s16, $0xb8;
	[tilespmem:$0x1B480] =	vst v63  }
.LBB2_8:
0x3b: {  	s26 =	smul.u32 $0xAB, s23;
	_ =	sdelay $0x1  }
0x3c: {  	s28 =	sadd.s32 $0xAB, s26  }
0x3d: {  	s28 =	sshrl.u32 s28, $0x9  }
0x3e: {  	s28 =	sand.u32 $0x7F, s28  }
0x3f: {  	_ =	swait.ge [sflag:s15], $0x100;
	s28 =	smul.u32 $0x3, s28  }
0x40: {  	p1 =	slt.u32 s23, $0x2;
	[sflag:s15] =	ssyncset.done $0x0  }
0x41: {  	s29 =	simm.s32 @!p1 $0x3;
	s26 =	sshrl.u32 s26, $0x9;
	s28 =	ssub.s32 s23, s28  }
0x42: {  	[sflag:s15] =	ssyncadd.s32 $0xFFFFFF00;
	s26 =	sand.u32 $0x7F, s26;
	s28 =	sadd.s32 $0x1, s28  }
0x43: {  	_ =	swait.ge @!p1 [sflag:s29], $0x2800;
	s26 =	smul.u32 $0x3, s26;
	s28 =	sand.u32 $0xFF, s28  }
0x44: {  	s30 =	sadd.s32 $0xFFFFFC00, s24;
	[sflag:s29] =	ssyncset.done @!p1 $0x0;
	s28 =	smul.u32 $0xA000, s28  }
0x45: {  	s31 =	sadd.s32 $0xFFFFF800, s24;
	[sflag:s29] =	ssyncadd.s32 @!p1 $0xFFFFD800;
	s26 =	ssub.s32 s23, s26  }
0x46: {  	s29 =	sand.u32 $0xC00, s30;
	s26 =	sand.u32 $0xFF, s26;
	s28 =	sshrl.u32 s28, $0x2  }
0x47: {  	s29 =	sshrl.u32 s29, $0x2;
	s26 =	smul.u32 $0xA000, s26;
	s28 =	sor.u32 $0x400, s28  }
0x48: {  	[tilespmem:s28], [sflag:$0x2] =	stream.indirect.gather [hbm4b:s4+s16], $0x80, s29, s16, $0xb8;
	[tilespmem:$0x1B480] =	vst v63  }
0x49: {  	p1 =	seq.s32 s24, $0x1F400;
	s28 =	sand.u32 $0xC00, s31;
	_ =	swait.ge [sflag:s14], $0x2800  }
0x4a: {  	s26 =	sshrl.u32 s26, $0x2;
	s28 =	sshrl.u32 s28, $0x2;
	[sflag:s14] =	ssyncset.done $0x0  }
0x4b: {  	s26 =	sor.u32 $0x400, s26;
	s28 =	sor.u32 $0x80, s28;
	[sflag:s14] =	ssyncadd.s32 $0xFFFFD800  }
0x4c: {  	[spmem:s1] =	stream.indirect.scatter.add.f32 [tilespmem:s26], [sflag:$0x3], $0x80, s28, s16, $0xb8;
	[tilespmem:$0x1B480] =	vst v63  }
0x4d: {  	s26 =	sand.u32 @!p1 $0xC00, s24;
	s24 =	sadd.s32 @!p1 $0x400, s24  }
0x4e: {  	p2 =	sne.s32 @!p1 s24, $0x1F800  }
0x4f: {  	p2 =	por p1, !p2  }
.Ltmp5:
0x50: {  	_ = 	snop;
	(pc) =	sbr.rel @!p2 .LBB2_8-.Ltmp5, $4  }
0x51: {  	_ = 	snop  }
0x52: {  	s28 =	simm.s32 @!p1 $0x0;
	s26 =	sshrl.u32 @!p1 s26, $0x2  }
0x53: {  	[tilespmem:s26], [sflag:$0x1] =	stream.linear.gather @!p1 [hbm4b:s25+s28], $0x100, $0x38;
	[tilespmem:$0x1B480] =	vst v63  }
0x54: {  	s23 =	sadd.s32 @!p1 $0x1, s23;
	s25 =	sadd.s32 @!p1 $0x20, s25  }
0x55: {  	_ =	swait.ge [sflag:s18], $0x2800  }
0x56: {  	[sflag:s18] =	ssyncset.done $0x0  }
0x57: {  	[sflag:s18] =	ssyncadd.s32 $0xFFFFD800  }
0x58: {  	_ =	swait.ge [sflag:s18], $0x2800  }
0x59: {  	[sflag:s18] =	ssyncset.done $0x0  }
0x5a: {  	[sflag:s18] =	ssyncadd.s32 $0xFFFFD800  }
0x5b: {  	_ =	swait.ge [sflag:s14], $0x2800  }
0x5c: {  	[sflag:s14] =	ssyncset.done $0x0  }
0x5d: {  	[sflag:s14] =	ssyncadd.s32 $0xFFFFD800  }
0x5e: {  	[spmem:s1] =	stream.indirect.scatter.add.f32 [tilespmem:s20], [sflag:$0x4], $0x80, s19, s16, $0xb8;
	[tilespmem:$0x1B480] =	vst v63  }
0x5f: {  	_ =	swait.ge [sflag:s21], $0x2800  }
.Ltmp6:
0x60: {  	[sflag:s21] =	ssyncset.done $0x0;
	(pc) =	sbr.rel @!p0 .LBB2_11-.Ltmp6, $4  }
0x61: {  	s23 =	sshll.u32 s2, $0x6;
	[sflag:s21] =	ssyncadd.s32 $0xFFFFD800  }
0x62: {  	s24 =	sshrl.u32 s9, $0x3;
	s23 =	sor.u32 $0x1C02, s23;
	[bflag:$0x0] =	sbarrier.arrive $0xFFFF  }
0x63: {  	[hbm:s11], [sflag:s23] =	dma.local [spmem:s24], $0x500  }
0x64: {  	s25 =	sadd.s32 $0x28000, s9;
	s26 =	smov.u32 s11;
	s24 =	sadd.s32 $0xFFFFFFFF, s7  }
.LBB2_10:
0x65: {  	p1 =	sne.s32 s24, $0x1;
	s24 =	sadd.s32 $0xFFFFFFFF, s24  }
.Ltmp7:
0x66: {  	s28 =	sshrl.u32 s25, $0x3;
	s26 =	sadd.s32 $0x5000, s26;
	(pc) =	sbr.rel @p1 .LBB2_10-.Ltmp7, $3  }
0x67: {  	[hbm:s26], [sflag:s23] =	dma.local [spmem:s28], $0x500  }
0x68: {  	_ =	sdelay $0x1  }
0x69: {  	s25 =	sadd.s32 $0x28000, s25  }
.LBB2_11:
.Ltmp8:
0x6a: {  	(pc) =	sbr.rel @!p0 .LBB2_13-.Ltmp8, $3  }
0x6b: {  	_ =	sdelay $0x1  }
0x6c: {  	_ =	swait.ge [sflag:s14], $0x500  }
0x6d: {  	s23 =	sadd.s32 $0xFFFFFFFF, s7;
	[sflag:s14] =	ssyncset.done $0x0  }
.LBB2_12:
0x6e: {  	p0 =	sne.s32 s23, $0x1;
	s23 =	sadd.s32 $0xFFFFFFFF, s23;
	[sflag:s14] =	ssyncadd.s32 $0xFFFFFB00  }
.Ltmp9:
0x6f: {  	(pc) =	sbr.rel @p0 .LBB2_12-.Ltmp9, $3  }
0x70: {  	_ =	sdelay $0x1  }
0x71: {  	_ =	swait.ge [sflag:s14], $0x500  }
0x72: {  	[sflag:s14] =	ssyncset.done $0x0  }
.LBB2_13:
0x73: {  	s22 =	sadd.s32 $0x1, s22  }
0x74: {  	p0 =	sne.s32 s22, s8  }
.Ltmp10:
0x75: {  	_ = 	snop;
	(pc) =	sbr.rel @p0 .LBB2_1-.Ltmp10, $2  }
0x76: {  	_ =	sdelay $0x2  }
0x77: {  	[sflag:s14] =	ssyncadd.s32 $0xFFFFFB00  }
0x78: {  	_ =	sfence.sel $0x180000  }
0x79: {  	[bflag:$0x0] =	sbarrier.arrive $0xFFFF  }
0x7a: {  	p0 =	sne.s32 s2, $0x0;
	_ =	strace $0x9000004A  }
0x7b: {  	s0 =	sadd.s32 @!p0 $0x100000, s0;
	[bflag:$0x2] =	sbarrier.arrive $0xFFFF  }
0x7c: {  	[sflag:s0] =	ssyncadd.tile.s32 @!p0 $0x1;
	_ =	shalt  }
.Lfunc_end2:
_tile_overlayer_lowered:
.L_overlay_start_2:
0x7d: {  	(tag) =	ssettag $0x2  }
0x7e: {  	s0 =	rddreg [dreg:$0x0];
	s2 =	stileid.u32  }
0x7f: {  	s1 =	rddreg [dreg:$0x1];
	p0 =	sne.s32 s2, $0x0  }
0x80: {  	s3 =	rddreg [dreg:$0x2];
	[bflag:$0x3] =	sbarrier.arrive $0xFFFF;
	s2 =	simm.s32 @!p0 $0x1C04  }
0x81: {  	[timem:s3], [sflag:s2] =	dma.local @!p0 [hbm:s0], s1  }
0x82: {  	s0 =	simm.s32 @!p0 $0x4  }
0x83: {  	_ =	swait.ge @!p0 [sflag:s0], s1  }
0x84: {  	s1 =	ssub.s32 @!p0 $0x0, s1;
	[sflag:s0] =	ssyncset.done @!p0 $0x0  }
0x85: {  	[sflag:s0] =	ssyncadd.s32 @!p0 s1  }
0x86: {  	[bflag:$0x3] =	sbarrier.arrive $0xFFFF  }
0x87: {  	_ =	shalt  }

// kernel: kernel.16.cloned.1.call-start
scs
__scs_entry_jumppad:
0x0: {  	(pc) =	sbr.rel $0x88, $3  }
0x1: {  	(tag) =	ssettag $0x0;
	lr =	simm.s32 $0x1  }
0x2: {  	[smem:$0x3F97] =	sst lr;
	_ =	strace $0xD0000000  }
0x3: {  	_ = 	snop  }
0x4: {  	_ = 	snop  }
0x5: {  	_ = 	snop  }
0x6: {  	_ = 	snop  }
0x7: {  	_ = 	snop  }
__scs_overlays_trampoline_lowered:
0x8: {  	[smem:$0x3FA6] =	sst s0  }
0x9: {  	[smem:$0x3FA7] =	sst s1  }
0xa: {  	[smem:$0x3FA8] =	sst s2  }
0xb: {  	[smem:$0x3FA9] =	sst s3  }
0xc: {  	[smem:$0x3FAA] =	sst s4  }
0xd: {  	[smem:$0x3FAB] =	sst s5  }
0xe: {  	[smem:$0x3FAC] =	sst s6  }
0xf: {  	[smem:$0x3FAD] =	sst s7  }
0x10: {  	[smem:$0x3FAE] =	sst s8  }
0x11: {  	[smem:$0x3FAF] =	sst s9;
	s0 =	simm.s32 @!p0 $0x0  }
0x12: {  	s1 =	sld [smem:$0x3F95];
	s0 =	simm.s32 @p0 $0x1  }
0x13: {  	[smem:$0x3FB0] =	sst s0;
	s0 =	simm.s32 @!p1 $0x0  }
0x14: {  	s2 =	sld [smem:$0x3F94];
	s0 =	simm.s32 @p1 $0x1  }
0x15: {  	[smem:$0x3FB1] =	sst s0;
	s0 =	simm.s32 @!p2 $0x0  }
0x16: {  	s3 =	sld [smem:$0x3FDB];
	s0 =	simm.s32 @p2 $0x1  }
0x17: {  	s4 =	simm.s32 $0x1BF5;
	[smem:$0x3FB3] =	sst s0  }
0x18: {  	s0 =	sld [smem:$0x3F96];
	_ =	swait.ge [sflag:s4], $0x0  }
0x19: {  	s7 =	sld [smem:$0x3F97]  }
0x1a: {  	s8 =	sadd.s32 $0xFFFFE003, lr  }
0x1b: {  	s9 =	sadd.s32 $0xFFFFFEF7, lr;
	s5 =	simm.s32 $0xFFFFFFFF;
	p2 =	slt.u32 s8, $0xFFFFF086  }
0x1c: {  	p1 =	slt.u32 s9, $0xF7A;
	s5 =	simm.s32 @!p2 $0x0  }
0x1d: {  	s5 =	simm.s32 @p1 $0x1;
	p0 =	seq.s32 s7, s2  }
0x1e: {  	s7 =	smul.u32 @!p0 $0xF7A, s2;
	p2 =	seq.s32 @!p0 s5, $0x0  }
0x1f: {  	s9 =	smul.u32 $0xF7A, s1;
	s8 =	simm.s32 @!p0 $0x1BF5;
	p2 =	por !p2, p0  }
0x20: {  	[sflag:s8] =	ssyncset.s32 @!p0 $0xFFFFF086;
	s6 =	sadd.s32 @!p0 s3, s7;
	s7 =	simm.s32 @!p0 $0x108  }
0x21: {  	s3 =	sadd.s32 s3, s9;
	s6 =	sadd.s32 @!p0 $0x88, s6;
	s7 =	simm.s32 @p2 $0x1082  }
0x22: {  	[simem:s7], [sflag:s8] =	dma.local @!p0 [hbm:s6], $0xF7A  }
0x23: {  	s9 =	sor.u32 $0xD0000000, s2;
	s6 =	simm.s32 $0x108;
	_ =	swait.ge @!p0 [sflag:s8], $0x0  }
0x24: {  	s3 =	sadd.s32 $0x88, s3;
	s6 =	simm.s32 @!p1 $0x1082;
	[sflag:s4] =	ssyncset.s32 $0xFFFFF086  }
0x25: {  	[simem:s6], [sflag:s4] =	dma.local [hbm:s3], $0xF7A  }
0x26: {  	[smem:$0x3F97] =	sst s1;
	(tag) =	ssettag s2;
	_ =	strace s9  }
0x27: {  	s1 =	sld [smem:$0x3FA7]  }
0x28: {  	s2 =	sld [smem:$0x3FA8]  }
0x29: {  	s4 =	sld [smem:$0x3FAA]  }
0x2a: {  	p0 =	seq.s32 s5, $0x0;
	s5 =	sld [smem:$0x3FAB]  }
0x2b: {  	s6 =	sld [smem:$0x3FAC]  }
0x2c: {  	s7 =	sld [smem:$0x3FAD]  }
0x2d: {  	s3 =	simm.s32 $0x108;
	s8 =	sld [smem:$0x3FAE]  }
0x2e: {  	s3 =	simm.s32 @!p0 $0x1082;
	s9 =	sld [smem:$0x3FAF]  }
0x2f: {  	lr =	sadd.s32 s0, s3;
	s0 =	sld [smem:$0x3FA6]  }
0x30: {  	s3 =	sld [smem:$0x3FA9]  }
0x31: {  	[smem:$0x3FB2] =	sst s10  }
0x32: {  	s10 =	sld [smem:$0x3FB0];
	_ =	sdelay $0x3  }
0x33: {  	p0 =	seq.s32 s10, $0x1;
	s10 =	sld [smem:$0x3FB2];
	_ =	sdelay $0x3  }
0x34: {  	[smem:$0x3FB2] =	sst s10  }
0x35: {  	s10 =	sld [smem:$0x3FB1];
	_ =	sdelay $0x3  }
0x36: {  	p1 =	seq.s32 s10, $0x1;
	s10 =	sld [smem:$0x3FB2];
	_ =	sdelay $0x3  }
0x37: {  	[smem:$0x3FB2] =	sst s10  }
0x38: {  	s10 =	sld [smem:$0x3FB3]  }
0x39: {  	_ = 	snop;
	(pc) =	sbr.ind lr, $3  }
0x3a: {  	_ = 	snop  }
0x3b: {  	_ = 	snop  }
0x3c: {  	p2 =	seq.s32 s10, $0x1;
	s10 =	sld [smem:$0x3FB2]  }
0x3d: {  	_ =	shalt  }
0x3e: {  	_ =	shalt  }
0x3f: {  	_ =	shalt  }
0x40: {  	_ =	shalt  }
0x41: {  	_ =	shalt  }
0x42: {  	_ =	shalt  }
0x43: {  	_ =	shalt  }
0x44: {  	_ =	shalt  }
0x45: {  	_ =	shalt  }
0x46: {  	_ =	shalt  }
0x47: {  	_ =	shalt  }
0x48: {  	_ =	shalt  }
0x49: {  	_ =	shalt  }
0x4a: {  	_ =	shalt  }
0x4b: {  	_ =	shalt  }
0x4c: {  	_ =	shalt  }
0x4d: {  	_ =	shalt  }
0x4e: {  	_ =	shalt  }
0x4f: {  	_ =	shalt  }
0x50: {  	_ =	shalt  }
0x51: {  	_ =	shalt  }
0x52: {  	_ =	shalt  }
0x53: {  	_ =	shalt  }
0x54: {  	_ =	shalt  }
0x55: {  	_ =	shalt  }
0x56: {  	_ =	shalt  }
0x57: {  	_ =	shalt  }
0x58: {  	_ =	shalt  }
0x59: {  	_ =	shalt  }
0x5a: {  	_ =	shalt  }
0x5b: {  	_ =	shalt  }
0x5c: {  	_ =	shalt  }
0x5d: {  	_ =	shalt  }
0x5e: {  	_ =	shalt  }
0x5f: {  	_ =	shalt  }
0x60: {  	_ =	shalt  }
0x61: {  	_ =	shalt  }
0x62: {  	_ =	shalt  }
0x63: {  	_ =	shalt  }
0x64: {  	_ =	shalt  }
0x65: {  	_ =	shalt  }
0x66: {  	_ =	shalt  }
0x67: {  	_ =	shalt  }
0x68: {  	_ =	shalt  }
0x69: {  	_ =	shalt  }
0x6a: {  	_ =	shalt  }
0x6b: {  	_ =	shalt  }
0x6c: {  	_ =	shalt  }
0x6d: {  	_ =	shalt  }
0x6e: {  	_ =	shalt  }
0x6f: {  	_ =	shalt  }
0x70: {  	_ =	shalt  }
0x71: {  	_ =	shalt  }
0x72: {  	_ =	shalt  }
0x73: {  	_ =	shalt  }
0x74: {  	_ =	shalt  }
0x75: {  	_ =	shalt  }
0x76: {  	_ =	shalt  }
0x77: {  	_ =	shalt  }
0x78: {  	_ =	shalt  }
0x79: {  	_ =	shalt  }
0x7a: {  	_ =	shalt  }
0x7b: {  	_ =	shalt  }
0x7c: {  	_ =	shalt  }
0x7d: {  	_ =	shalt  }
0x7e: {  	_ =	shalt  }
0x7f: {  	_ =	shalt  }
0x80: {  	_ =	shalt  }
0x81: {  	_ =	shalt  }
0x82: {  	_ =	shalt  }
0x83: {  	_ =	shalt  }
0x84: {  	_ =	shalt  }
0x85: {  	_ =	shalt  }
0x86: {  	_ =	shalt  }
0x87: {  	_ =	shalt  }
.Lfunc_end0:
.L_simem_size_0:
called_computation.2_lowered:
.L_overlay_start_0:
0x88: {  	s2 =	sld [smem:$0x3FD9]  }
0x89: {  	s3 =	sld [smem:$0x3FFE];
	_ =	sdelay $0x1  }
0x8a: {  	s1 =	srdreg.scid  }
0x8b: {  	s0 =	sand.u32 $0x1, s1  }
0x8c: {  	s16 =	sshll.u32 s0, $0xA;
	s2 =	sadd.s32 s3, s2  }
0x8d: {  	s2 =	sadd.s32 s2, s16  }
0x8e: {  	[smem:$0x3FBE] =	sst s2  }
0x8f: {  	_ = 	snop  }
0x90: {  	(tm) =	ssettm $0x1  }
0x91: {  	s17 =	sld [smem:$0x3FFB];
	_ =	sdelay $0x3  }
0x92: {  	_ =	strace s17  }
0x93: {  	s2 =	sld [smem:$0x3FFC];
	_ =	sdelay $0x3  }
0x94: {  	_ =	strace s2  }
0x95: {  	s2 =	sld [smem:$0x3FFD];
	_ =	sdelay $0x3  }
0x96: {  	_ =	strace s2  }
0x97: {  	_ =	strace $0x8FFFFFFF  }
0x98: {  	s18 =	sld [smem:$0x3FDB];
	_ =	sdelay $0x1  }
0x99: {  	s19 =	simm.s32 $_scs_section_size  }
0x9a: {  	s4 =	simm.s32 $_size__tile_overlayer_lowered;
	s5 =	simm.s32 $_tile_overlayer_lowered  }
0x9b: {  	s22 =	simm.s32 $0x1BFF;
	s21 =	sshll.u32 s5, $0x1;
	s2 =	sadd.s32 s19, s18  }
0x9c: {  	s6 =	simm.s32 $0x0;
	s20 =	sshll.u32 s4, $0x1;
	s4 =	sadd.s32 s21, s2  }
0x9d: {  	[timem:s6], [sflag:s22] =	dma.local [hbm:s4], s20  }
0x9e: {  	_ =	swait.ge [sflag:s22], s20  }
0x9f: {  	s3 =	ssub.s32 $0x0, s20;
	[sflag:s22] =	ssyncset.done $0x0  }
0xa0: {  	[sflag:s22] =	ssyncadd.s32 s3;
	_ =	sdelay $0x1  }
0xa1: {  	s23 =	simm.s32 $0x1B8B  }
0xa2: {  	_ =	swait.ge [sflag:s23], $0x1  }
0xa3: {  	[sflag:s23] =	ssyncset.done $0x0  }
0xa4: {  	s25 =	simm.s32 $0x1B8E;
	s24 =	sld [smem:$0x3FFE];
	[sflag:s23] =	ssyncadd.s32 $0xFFFFFFFF  }
0xa5: {  	s26 =	simm.s32 $execute0_lowered;
	[smem:$0x3FD2] =	sst s25  }
0xa6: {  	s4 =	sshll.u32 s26, $0x1;
	_ =	strace $0x8000004C;
	[dreg:$0x1] =	wrdreg $0xFFFFFFFF  }
0xa7: {  	s28 =	simm.s32 $_size_execute0_lowered;
	s2 =	sadd.s32 s2, s4;
	[dreg:$0x0] =	wrdreg $0x0  }
0xa8: {  	s4 =	sshll.u32 s28, $0x1;
	[dreg:$0x2] =	wrdreg s2  }
0xa9: {  	[dreg:$0x3] =	wrdreg s4  }
0xaa: {  	[dreg:$0x4] =	wrdreg $0xC0  }
0xab: {  	_ =	task [dreg:s6], $0x5FFFF  }
0xac: {  	[dreg:$0x1] =	wrdreg $0xFFFFFFFF  }
0xad: {  	[dreg:$0x0] =	wrdreg $0x60  }
0xae: {  	[dreg:$0x2] =	wrdreg s24  }
0xaf: {  	[dreg:$0x3] =	wrdreg $0x7C000  }
0xb0: {  	[dreg:$0x4] =	wrdreg $0x9  }
0xb1: {  	_ =	task.clear_ibuf [dreg:s6], $0x5FFFF;
	_ =	strace $0x9000004C  }
0xb2: {  	s29 =	simm.s32 $0x9;
	_ =	strace $0x8000004E  }
0xb3: {  	_ =	swait.ge [sflag:s29], $0x1  }
0xb4: {  	[sflag:s29] =	ssyncadd.s32 $0xFFFFFFFF  }
0xb5: {  	_ =	strace $0x9000004E  }
0xb6: {  	_ =	sfence  }
0xb7: {  	s30 =	sld [smem:$0x0];
	_ =	sdelay $0x2  }
0xb8: {  	s31 =	sshll.u32 s1, $0xD;
	s1 =	sshrl.u32 s1, $0x2  }
0xb9: {  	s3 =	sand.u32 $0x4000, s31;
	s1 =	sadd.s32 s1, s30  }
0xba: {  	s0 =	sor.u32 s3, s0;
	s1 =	sshll.u32 s1, $0x11  }
0xbb: {  	s0 =	sor.u32 s1, s0  }
0xbc: {  	s0 =	sadd.s32 $0x8F2B, s0  }
0xbd: {  	[sflag:s0] =	ssyncadd.remote.s32 $0x1  }
0xbe: {  	_ =	sfence.sel $0xFFFF  }
0xbf: {  	[dreg:$0x0] =	wrdreg $0xFFFFFFFF;
	(pc) =	sbr.abs _section_cstart, $3  }
0xc0: {  	[dreg:$0x1] =	wrdreg $0xFFFFFFFF  }
0xc1: {  	_ =	task.clear_ibuf [dreg:s6], $0x2FFFF;
	_ =	strace $0x9FFFFFFF  }
0xc2: {  	(tm) =	ssettm $0x7FFFFFFF  }
0xc3: {  	_ =	shalt  }
tec
execute0_lowered:
.L_overlay_start_1:
0x0: {  	(tag) =	ssettag $0x1  }
0x1: {  	s5 =	rddreg [dreg:$0x0]  }
0x2: {  	s1 =	rddreg [dreg:$0x1]  }
0x3: {  	s0 =	rddreg [dreg:$0x2];
	s3 =	simm.s32 $0x0  }
0x4: {  	s2 =	srdreg.scid;
	s14 =	simm.s32 $0x2;
	s15 =	simm.s32 $0x1  }
0x5: {  	s16 =	simm.s32 $0x50;
	s17 =	simm.s32 $0x400;
	s18 =	simm.s32 $0x3  }
0x6: {  	s19 =	simm.s32 $0x80;
	s20 =	simm.s32 $0x2C00;
	s6 =	sand.u32 $0x1, s2  }
0x7: {  	s21 =	simm.s32 $0x4;
	s2 =	stileid.u32;
	s7 =	smul.u32 $0x138800, s6  }
0x8: {  	s22 =	simm.s32 $0x0;
	[smem:$0x7FF] =	sst s3;
	s8 =	smul.u32 $0x2800, s2  }
0x9: {  	s4 =	sshll.u32 s6, $0x4;
	s25 =	ssub.s32 $0x2, s6;
	s6 =	smul.u32 $0x7D000, s6  }
0xa: {  	s10 =	sadd.s32 $0x60E00, s5;
	_ =	strace $0x8000004D;
	s12 =	smul.u32 $0x7D00, s2  }
0xb: {  	s28 =	smul.u32 $0xA000, s2;
	s30 =	ssub.s32 $0x8C, s2;
	s9 =	sor.u32 s2, s4  }
0xc: {  	s4 =	sadd.s32 $0x2C00, s5;
	s11 =	sshrl.u32 s25, $0x1;
	s9 =	smul.u32 $0x7D00, s9  }
0xd: {  	s7 =	sadd.s32 s8, s7;
	s8 =	ssub.s32 s25, s11;
	s29 =	sadd.s32 s12, s6  }
0xe: {  	s7 =	sshrl.u32 s7, $0x3;
	s12 =	sadd.s32 $0x200, s29;
	s8 =	smax.u32 s8, $0x1  }
0xf: {  	s13 =	sadd.s32 s7, s5;
	s26 =	sshrl.u32 s9, $0x3;
	s7 =	sshrl.u32 s30, $0x4  }
0x10: {  	s9 =	sshrl.u32 s28, $0x2;
	s31 =	sshrl.u32 s12, $0x3;
	s12 =	simm.s32 $0x100  }
0x11: {  	s5 =	sadd.s32 s10, s26;
	s9 =	sadd.s32 s9, s1;
	s10 =	sadd.s32 s31, s10  }
0x12: {  	v0 =	vimm.f32 $0.0e+00;
	s11 =	sadd.s32 $0x80200, s13;
	s13 =	simm.s32 $0x5400;
	s6 =	sadd.s32 $0x20, s5  }
.LBB2_1:
0x13: {  	[tilespmem:s3], [sflag:$0x1] =	stream.linear.gather [hbm4b:s5+s3], $0x100, $0x38;
	[tilespmem:$0x1B480] =	vst v63  }
0x14: {  	s23 =	simm.s32 $0x0;
	s24 =	simm.s32 $0x200  }
0x15: {  	[tilespmem:s12], [sflag:$0x1] =	stream.linear.gather [hbm4b:s6+s3], $0x100, $0x38;
	[tilespmem:$0x1B480] =	vst v63  }
.LBB2_2:
0x16: {  	p0 =	sne.s32 s24, $0x9E00;
	[tilespmem:s23+$0x5470] =	vst v0  }
0x17: {  	[tilespmem:s23+$0x5400] =	vst v0  }
0x18: {  	[tilespmem:s23+$0x5410] =	vst v0  }
.Ltmp0:
0x19: {  	[tilespmem:s23+$0x5420] =	vst v0;
	(pc) =	sbr.rel @p0 .LBB2_2-.Ltmp0, $4  }
0x1a: {  	[tilespmem:s23+$0x5430] =	vst v0  }
0x1b: {  	[tilespmem:s23+$0x5440] =	vst v0  }
0x1c: {  	[tilespmem:s23+$0x5450] =	vst v0  }
0x1d: {  	[tilespmem:s23+$0x5460] =	vst v0;
	s23 =	sshra.s32 s24, $0x2;
	s24 =	sadd.s32 $0x200, s24  }
0x1e: {  	[tilespmem:s23+$0x5470] =	vst v0  }
0x1f: {  	[tilespmem:s23+$0x5400] =	vst v0  }
0x20: {  	[tilespmem:s23+$0x5410] =	vst v0  }
0x21: {  	[tilespmem:s23+$0x5420] =	vst v0;
	p0 =	sne.s32 s7, $0x1  }
.Ltmp1:
0x22: {  	[tilespmem:s23+$0x5430] =	vst v0;
	(pc) =	sbr.rel @!p0 .LBB2_5-.Ltmp1, $4  }
0x23: {  	[tilespmem:s23+$0x5440] =	vst v0  }
0x24: {  	[tilespmem:s23+$0x5450] =	vst v0  }
0x25: {  	[tilespmem:s23+$0x5460] =	vst v0;
	s23 =	sadd.s32 $0xFFFFFFFF, s7;
	s24 =	smov.u32 s9  }
0x26: {  	[spmem:s9] =	stream.linear.scatter [tilespmem:s13], [sflag:$0x2], $0x2800, $0x38;
	[tilespmem:$0x1B480] =	vst v63  }
.LBB2_4:
0x27: {  	p1 =	sne.s32 s23, $0x1  }
.Ltmp2:
0x28: {  	_ = 	snop;
	(pc) =	sbr.rel @p1 .LBB2_4-.Ltmp2, $3  }
0x29: {  	_ = 	snop  }
0x2a: {  	s23 =	sadd.s32 $0xFFFFFFFF, s23;
	s24 =	sadd.s32 $0x28000, s24;
	_ =	sdelay $0x1  }
0x2b: {  	[spmem:s24] =	stream.linear.scatter [tilespmem:s13], [sflag:$0x2], $0x2800, $0x38;
	[tilespmem:$0x1B480] =	vst v63  }
.LBB2_5:
.Ltmp3:
0x2c: {  	(pc) =	sbr.rel @!p0 .LBB2_7-.Ltmp3, $3  }
0x2d: {  	_ =	sdelay $0x1  }
0x2e: {  	_ =	swait.ge [sflag:s14], $0x2800  }
0x2f: {  	s23 =	sadd.s32 $0xFFFFFFFF, s7;
	[sflag:s14] =	ssyncset.done $0x0  }
.LBB2_6:
0x30: {  	p1 =	sne.s32 s23, $0x1;
	s23 =	sadd.s32 $0xFFFFFFFF, s23;
	[sflag:s14] =	ssyncadd.s32 $0xFFFFD800  }
.Ltmp4:
0x31: {  	(pc) =	sbr.rel @p1 .LBB2_6-.Ltmp4, $3  }
0x32: {  	_ =	sdelay $0x1  }
0x33: {  	_ =	swait.ge [sflag:s14], $0x2800  }
0x34: {  	[sflag:s14] =	ssyncset.done $0x0  }
.LBB2_7:
0x35: {  	[sflag:s14] =	ssyncadd.s32 $0xFFFFD800  }
0x36: {  	[bflag:$0x0] =	sbarrier.arrive $0xFFFF  }
0x37: {  	_ =	swait.ge [sflag:s15], $0x100  }
0x38: {  	s23 =	simm.s32 $0x0;
	[sflag:s15] =	ssyncset.done $0x0  }
0x39: {  	s24 =	simm.s32 $0x800;
	s25 =	smov.u32 s10;
	[sflag:s15] =	ssyncadd.s32 $0xFFFFFF00  }
0x3a: {  	[tilespmem:s17], [sflag:$0x2] =	stream.indirect.gather [hbm4b:s4+s16], $0x80, s23, s16, $0xb8;
	[tilespmem:$0x1B480] =	vst v63  }
.LBB2_8:
0x3b: {  	s26 =	smul.u32 $0xAB, s23;
	_ =	sdelay $0x1  }
0x3c: {  	s28 =	sadd.s32 $0xAB, s26  }
0x3d: {  	s28 =	sshrl.u32 s28, $0x9  }
0x3e: {  	s28 =	sand.u32 $0x7F, s28  }
0x3f: {  	_ =	swait.ge [sflag:s15], $0x100;
	s28 =	smul.u32 $0x3, s28  }
0x40: {  	p1 =	slt.u32 s23, $0x2;
	[sflag:s15] =	ssyncset.done $0x0  }
0x41: {  	s29 =	simm.s32 @!p1 $0x3;
	s26 =	sshrl.u32 s26, $0x9;
	s28 =	ssub.s32 s23, s28  }
0x42: {  	[sflag:s15] =	ssyncadd.s32 $0xFFFFFF00;
	s26 =	sand.u32 $0x7F, s26;
	s28 =	sadd.s32 $0x1, s28  }
0x43: {  	_ =	swait.ge @!p1 [sflag:s29], $0x2800;
	s26 =	smul.u32 $0x3, s26;
	s28 =	sand.u32 $0xFF, s28  }
0x44: {  	s30 =	sadd.s32 $0xFFFFFC00, s24;
	[sflag:s29] =	ssyncset.done @!p1 $0x0;
	s28 =	smul.u32 $0xA000, s28  }
0x45: {  	s31 =	sadd.s32 $0xFFFFF800, s24;
	[sflag:s29] =	ssyncadd.s32 @!p1 $0xFFFFD800;
	s26 =	ssub.s32 s23, s26  }
0x46: {  	s29 =	sand.u32 $0xC00, s30;
	s26 =	sand.u32 $0xFF, s26;
	s28 =	sshrl.u32 s28, $0x2  }
0x47: {  	s29 =	sshrl.u32 s29, $0x2;
	s26 =	smul.u32 $0xA000, s26;
	s28 =	sor.u32 $0x400, s28  }
0x48: {  	[tilespmem:s28], [sflag:$0x2] =	stream.indirect.gather [hbm4b:s4+s16], $0x80, s29, s16, $0xb8;
	[tilespmem:$0x1B480] =	vst v63  }
0x49: {  	p1 =	seq.s32 s24, $0x1F400;
	s28 =	sand.u32 $0xC00, s31;
	_ =	swait.ge [sflag:s14], $0x2800  }
0x4a: {  	s26 =	sshrl.u32 s26, $0x2;
	s28 =	sshrl.u32 s28, $0x2;
	[sflag:s14] =	ssyncset.done $0x0  }
0x4b: {  	s26 =	sor.u32 $0x400, s26;
	s28 =	sor.u32 $0x80, s28;
	[sflag:s14] =	ssyncadd.s32 $0xFFFFD800  }
0x4c: {  	[spmem:s1] =	stream.indirect.scatter.add.f32 [tilespmem:s26], [sflag:$0x3], $0x80, s28, s16, $0xb8;
	[tilespmem:$0x1B480] =	vst v63  }
0x4d: {  	s26 =	sand.u32 @!p1 $0xC00, s24;
	s24 =	sadd.s32 @!p1 $0x400, s24  }
0x4e: {  	p2 =	sne.s32 @!p1 s24, $0x1F800  }
0x4f: {  	p2 =	por p1, !p2  }
.Ltmp5:
0x50: {  	_ = 	snop;
	(pc) =	sbr.rel @!p2 .LBB2_8-.Ltmp5, $4  }
0x51: {  	_ = 	snop  }
0x52: {  	s28 =	simm.s32 @!p1 $0x0;
	s26 =	sshrl.u32 @!p1 s26, $0x2  }
0x53: {  	[tilespmem:s26], [sflag:$0x1] =	stream.linear.gather @!p1 [hbm4b:s25+s28], $0x100, $0x38;
	[tilespmem:$0x1B480] =	vst v63  }
0x54: {  	s23 =	sadd.s32 @!p1 $0x1, s23;
	s25 =	sadd.s32 @!p1 $0x20, s25  }
0x55: {  	_ =	swait.ge [sflag:s18], $0x2800  }
0x56: {  	[sflag:s18] =	ssyncset.done $0x0  }
0x57: {  	[sflag:s18] =	ssyncadd.s32 $0xFFFFD800  }
0x58: {  	_ =	swait.ge [sflag:s18], $0x2800  }
0x59: {  	[sflag:s18] =	ssyncset.done $0x0  }
0x5a: {  	[sflag:s18] =	ssyncadd.s32 $0xFFFFD800  }
0x5b: {  	_ =	swait.ge [sflag:s14], $0x2800  }
0x5c: {  	[sflag:s14] =	ssyncset.done $0x0  }
0x5d: {  	[sflag:s14] =	ssyncadd.s32 $0xFFFFD800  }
0x5e: {  	[spmem:s1] =	stream.indirect.scatter.add.f32 [tilespmem:s20], [sflag:$0x4], $0x80, s19, s16, $0xb8;
	[tilespmem:$0x1B480] =	vst v63  }
0x5f: {  	_ =	swait.ge [sflag:s21], $0x2800  }
.Ltmp6:
0x60: {  	[sflag:s21] =	ssyncset.done $0x0;
	(pc) =	sbr.rel @!p0 .LBB2_11-.Ltmp6, $4  }
0x61: {  	s23 =	sshll.u32 s2, $0x6;
	[sflag:s21] =	ssyncadd.s32 $0xFFFFD800  }
0x62: {  	s24 =	sshrl.u32 s9, $0x3;
	s23 =	sor.u32 $0x1C02, s23;
	[bflag:$0x0] =	sbarrier.arrive $0xFFFF  }
0x63: {  	[hbm:s11], [sflag:s23] =	dma.local [spmem:s24], $0x500  }
0x64: {  	s25 =	sadd.s32 $0x28000, s9;
	s26 =	smov.u32 s11;
	s24 =	sadd.s32 $0xFFFFFFFF, s7  }
.LBB2_10:
0x65: {  	p1 =	sne.s32 s24, $0x1;
	s24 =	sadd.s32 $0xFFFFFFFF, s24  }
.Ltmp7:
0x66: {  	s28 =	sshrl.u32 s25, $0x3;
	s26 =	sadd.s32 $0x5000, s26;
	(pc) =	sbr.rel @p1 .LBB2_10-.Ltmp7, $3  }
0x67: {  	[hbm:s26], [sflag:s23] =	dma.local [spmem:s28], $0x500  }
0x68: {  	_ =	sdelay $0x1  }
0x69: {  	s25 =	sadd.s32 $0x28000, s25  }
.LBB2_11:
.Ltmp8:
0x6a: {  	(pc) =	sbr.rel @!p0 .LBB2_13-.Ltmp8, $3  }
0x6b: {  	_ =	sdelay $0x1  }
0x6c: {  	_ =	swait.ge [sflag:s14], $0x500  }
0x6d: {  	s23 =	sadd.s32 $0xFFFFFFFF, s7;
	[sflag:s14] =	ssyncset.done $0x0  }
.LBB2_12:
0x6e: {  	p0 =	sne.s32 s23, $0x1;
	s23 =	sadd.s32 $0xFFFFFFFF, s23;
	[sflag:s14] =	ssyncadd.s32 $0xFFFFFB00  }
.Ltmp9:
0x6f: {  	(pc) =	sbr.rel @p0 .LBB2_12-.Ltmp9, $3  }
0x70: {  	_ =	sdelay $0x1  }
0x71: {  	_ =	swait.ge [sflag:s14], $0x500  }
0x72: {  	[sflag:s14] =	ssyncset.done $0x0  }
.LBB2_13:
0x73: {  	s22 =	sadd.s32 $0x1, s22  }
0x74: {  	p0 =	sne.s32 s22, s8  }
.Ltmp10:
0x75: {  	_ = 	snop;
	(pc) =	sbr.rel @p0 .LBB2_1-.Ltmp10, $2  }
0x76: {  	_ =	sdelay $0x2  }
0x77: {  	[sflag:s14] =	ssyncadd.s32 $0xFFFFFB00  }
0x78: {  	_ =	sfence.sel $0x180000  }
0x79: {  	[bflag:$0x0] =	sbarrier.arrive $0xFFFF  }
0x7a: {  	p0 =	sne.s32 s2, $0x0;
	_ =	strace $0x9000004D  }
0x7b: {  	s0 =	sadd.s32 @!p0 $0x100000, s0;
	[bflag:$0x2] =	sbarrier.arrive $0xFFFF  }
0x7c: {  	[sflag:s0] =	ssyncadd.tile.s32 @!p0 $0x1;
	_ =	shalt  }
.Lfunc_end2:
_tile_overlayer_lowered:
.L_overlay_start_2:
0x7d: {  	(tag) =	ssettag $0x2  }
0x7e: {  	s0 =	rddreg [dreg:$0x0];
	s2 =	stileid.u32  }
0x7f: {  	s1 =	rddreg [dreg:$0x1];
	p0 =	sne.s32 s2, $0x0  }
0x80: {  	s3 =	rddreg [dreg:$0x2];
	[bflag:$0x3] =	sbarrier.arrive $0xFFFF;
	s2 =	simm.s32 @!p0 $0x1C04  }
0x81: {  	[timem:s3], [sflag:s2] =	dma.local @!p0 [hbm:s0], s1  }
0x82: {  	s0 =	simm.s32 @!p0 $0x4  }
0x83: {  	_ =	swait.ge @!p0 [sflag:s0], s1  }
0x84: {  	s1 =	ssub.s32 @!p0 $0x0, s1;
	[sflag:s0] =	ssyncset.done @!p0 $0x0  }
0x85: {  	[sflag:s0] =	ssyncadd.s32 @!p0 s1  }
0x86: {  	[bflag:$0x3] =	sbarrier.arrive $0xFFFF  }
0x87: {  	_ =	shalt  }

// kernel: kernel.19.cloned.1.call-start
scs
__scs_entry_jumppad:
0x0: {  	(pc) =	sbr.rel $0x88, $3  }
0x1: {  	(tag) =	ssettag $0x0;
	lr =	simm.s32 $0x1  }
0x2: {  	[smem:$0x3F97] =	sst lr;
	_ =	strace $0xD0000000  }
0x3: {  	_ = 	snop  }
0x4: {  	_ = 	snop  }
0x5: {  	_ = 	snop  }
0x6: {  	_ = 	snop  }
0x7: {  	_ = 	snop  }
__scs_overlays_trampoline_lowered:
0x8: {  	[smem:$0x3FA6] =	sst s0  }
0x9: {  	[smem:$0x3FA7] =	sst s1  }
0xa: {  	[smem:$0x3FA8] =	sst s2  }
0xb: {  	[smem:$0x3FA9] =	sst s3  }
0xc: {  	[smem:$0x3FAA] =	sst s4  }
0xd: {  	[smem:$0x3FAB] =	sst s5  }
0xe: {  	[smem:$0x3FAC] =	sst s6  }
0xf: {  	[smem:$0x3FAD] =	sst s7  }
0x10: {  	[smem:$0x3FAE] =	sst s8  }
0x11: {  	[smem:$0x3FAF] =	sst s9;
	s0 =	simm.s32 @!p0 $0x0  }
0x12: {  	s1 =	sld [smem:$0x3F95];
	s0 =	simm.s32 @p0 $0x1  }
0x13: {  	[smem:$0x3FB0] =	sst s0;
	s0 =	simm.s32 @!p1 $0x0  }
0x14: {  	s2 =	sld [smem:$0x3F94];
	s0 =	simm.s32 @p1 $0x1  }
0x15: {  	[smem:$0x3FB1] =	sst s0;
	s0 =	simm.s32 @!p2 $0x0  }
0x16: {  	s3 =	sld [smem:$0x3FDB];
	s0 =	simm.s32 @p2 $0x1  }
0x17: {  	s4 =	simm.s32 $0x1BF5;
	[smem:$0x3FB3] =	sst s0  }
0x18: {  	s0 =	sld [smem:$0x3F96];
	_ =	swait.ge [sflag:s4], $0x0  }
0x19: {  	s7 =	sld [smem:$0x3F97]  }
0x1a: {  	s8 =	sadd.s32 $0xFFFFE003, lr  }
0x1b: {  	s9 =	sadd.s32 $0xFFFFFEF7, lr;
	s5 =	simm.s32 $0xFFFFFFFF;
	p2 =	slt.u32 s8, $0xFFFFF086  }
0x1c: {  	p1 =	slt.u32 s9, $0xF7A;
	s5 =	simm.s32 @!p2 $0x0  }
0x1d: {  	s5 =	simm.s32 @p1 $0x1;
	p0 =	seq.s32 s7, s2  }
0x1e: {  	s7 =	smul.u32 @!p0 $0xF7A, s2;
	p2 =	seq.s32 @!p0 s5, $0x0  }
0x1f: {  	s9 =	smul.u32 $0xF7A, s1;
	s8 =	simm.s32 @!p0 $0x1BF5;
	p2 =	por !p2, p0  }
0x20: {  	[sflag:s8] =	ssyncset.s32 @!p0 $0xFFFFF086;
	s6 =	sadd.s32 @!p0 s3, s7;
	s7 =	simm.s32 @!p0 $0x108  }
0x21: {  	s3 =	sadd.s32 s3, s9;
	s6 =	sadd.s32 @!p0 $0x88, s6;
	s7 =	simm.s32 @p2 $0x1082  }
0x22: {  	[simem:s7], [sflag:s8] =	dma.local @!p0 [hbm:s6], $0xF7A  }
0x23: {  	s9 =	sor.u32 $0xD0000000, s2;
	s6 =	simm.s32 $0x108;
	_ =	swait.ge @!p0 [sflag:s8], $0x0  }
0x24: {  	s3 =	sadd.s32 $0x88, s3;
	s6 =	simm.s32 @!p1 $0x1082;
	[sflag:s4] =	ssyncset.s32 $0xFFFFF086  }
0x25: {  	[simem:s6], [sflag:s4] =	dma.local [hbm:s3], $0xF7A  }
0x26: {  	[smem:$0x3F97] =	sst s1;
	(tag) =	ssettag s2;
	_ =	strace s9  }
0x27: {  	s1 =	sld [smem:$0x3FA7]  }
0x28: {  	s2 =	sld [smem:$0x3FA8]  }
0x29: {  	s4 =	sld [smem:$0x3FAA]  }
0x2a: {  	p0 =	seq.s32 s5, $0x0;
	s5 =	sld [smem:$0x3FAB]  }
0x2b: {  	s6 =	sld [smem:$0x3FAC]  }
0x2c: {  	s7 =	sld [smem:$0x3FAD]  }
0x2d: {  	s3 =	simm.s32 $0x108;
	s8 =	sld [smem:$0x3FAE]  }
0x2e: {  	s3 =	simm.s32 @!p0 $0x1082;
	s9 =	sld [smem:$0x3FAF]  }
0x2f: {  	lr =	sadd.s32 s0, s3;
	s0 =	sld [smem:$0x3FA6]  }
0x30: {  	s3 =	sld [smem:$0x3FA9]  }
0x31: {  	[smem:$0x3FB2] =	sst s10  }
0x32: {  	s10 =	sld [smem:$0x3FB0];
	_ =	sdelay $0x3  }
0x33: {  	p0 =	seq.s32 s10, $0x1;
	s10 =	sld [smem:$0x3FB2];
	_ =	sdelay $0x3  }
0x34: {  	[smem:$0x3FB2] =	sst s10  }
0x35: {  	s10 =	sld [smem:$0x3FB1];
	_ =	sdelay $0x3  }
0x36: {  	p1 =	seq.s32 s10, $0x1;
	s10 =	sld [smem:$0x3FB2];
	_ =	sdelay $0x3  }
0x37: {  	[smem:$0x3FB2] =	sst s10  }
0x38: {  	s10 =	sld [smem:$0x3FB3]  }
0x39: {  	_ = 	snop;
	(pc) =	sbr.ind lr, $3  }
0x3a: {  	_ = 	snop  }
0x3b: {  	_ = 	snop  }
0x3c: {  	p2 =	seq.s32 s10, $0x1;
	s10 =	sld [smem:$0x3FB2]  }
0x3d: {  	_ =	shalt  }
0x3e: {  	_ =	shalt  }
0x3f: {  	_ =	shalt  }
0x40: {  	_ =	shalt  }
0x41: {  	_ =	shalt  }
0x42: {  	_ =	shalt  }
0x43: {  	_ =	shalt  }
0x44: {  	_ =	shalt  }
0x45: {  	_ =	shalt  }
0x46: {  	_ =	shalt  }
0x47: {  	_ =	shalt  }
0x48: {  	_ =	shalt  }
0x49: {  	_ =	shalt  }
0x4a: {  	_ =	shalt  }
0x4b: {  	_ =	shalt  }
0x4c: {  	_ =	shalt  }
0x4d: {  	_ =	shalt  }
0x4e: {  	_ =	shalt  }
0x4f: {  	_ =	shalt  }
0x50: {  	_ =	shalt  }
0x51: {  	_ =	shalt  }
0x52: {  	_ =	shalt  }
0x53: {  	_ =	shalt  }
0x54: {  	_ =	shalt  }
0x55: {  	_ =	shalt  }
0x56: {  	_ =	shalt  }
0x57: {  	_ =	shalt  }
0x58: {  	_ =	shalt  }
0x59: {  	_ =	shalt  }
0x5a: {  	_ =	shalt  }
0x5b: {  	_ =	shalt  }
0x5c: {  	_ =	shalt  }
0x5d: {  	_ =	shalt  }
0x5e: {  	_ =	shalt  }
0x5f: {  	_ =	shalt  }
0x60: {  	_ =	shalt  }
0x61: {  	_ =	shalt  }
0x62: {  	_ =	shalt  }
0x63: {  	_ =	shalt  }
0x64: {  	_ =	shalt  }
0x65: {  	_ =	shalt  }
0x66: {  	_ =	shalt  }
0x67: {  	_ =	shalt  }
0x68: {  	_ =	shalt  }
0x69: {  	_ =	shalt  }
0x6a: {  	_ =	shalt  }
0x6b: {  	_ =	shalt  }
0x6c: {  	_ =	shalt  }
0x6d: {  	_ =	shalt  }
0x6e: {  	_ =	shalt  }
0x6f: {  	_ =	shalt  }
0x70: {  	_ =	shalt  }
0x71: {  	_ =	shalt  }
0x72: {  	_ =	shalt  }
0x73: {  	_ =	shalt  }
0x74: {  	_ =	shalt  }
0x75: {  	_ =	shalt  }
0x76: {  	_ =	shalt  }
0x77: {  	_ =	shalt  }
0x78: {  	_ =	shalt  }
0x79: {  	_ =	shalt  }
0x7a: {  	_ =	shalt  }
0x7b: {  	_ =	shalt  }
0x7c: {  	_ =	shalt  }
0x7d: {  	_ =	shalt  }
0x7e: {  	_ =	shalt  }
0x7f: {  	_ =	shalt  }
0x80: {  	_ =	shalt  }
0x81: {  	_ =	shalt  }
0x82: {  	_ =	shalt  }
0x83: {  	_ =	shalt  }
0x84: {  	_ =	shalt  }
0x85: {  	_ =	shalt  }
0x86: {  	_ =	shalt  }
0x87: {  	_ =	shalt  }
.Lfunc_end0:
.L_simem_size_0:
called_computation.3_lowered:
.L_overlay_start_0:
0x88: {  	s2 =	sld [smem:$0x3FD9]  }
0x89: {  	s3 =	sld [smem:$0x3FFE];
	_ =	sdelay $0x1  }
0x8a: {  	s1 =	srdreg.scid  }
0x8b: {  	s0 =	sand.u32 $0x1, s1  }
0x8c: {  	s16 =	sshll.u32 s0, $0xA;
	s2 =	sadd.s32 s3, s2  }
0x8d: {  	s2 =	sadd.s32 s2, s16  }
0x8e: {  	[smem:$0x3FBE] =	sst s2  }
0x8f: {  	_ = 	snop  }
0x90: {  	(tm) =	ssettm $0x1  }
0x91: {  	s17 =	sld [smem:$0x3FFB];
	_ =	sdelay $0x3  }
0x92: {  	_ =	strace s17  }
0x93: {  	s2 =	sld [smem:$0x3FFC];
	_ =	sdelay $0x3  }
0x94: {  	_ =	strace s2  }
0x95: {  	s2 =	sld [smem:$0x3FFD];
	_ =	sdelay $0x3  }
0x96: {  	_ =	strace s2  }
0x97: {  	_ =	strace $0x8FFFFFFF  }
0x98: {  	s18 =	sld [smem:$0x3FDB];
	_ =	sdelay $0x1  }
0x99: {  	s19 =	simm.s32 $_scs_section_size  }
0x9a: {  	s4 =	simm.s32 $_size__tile_overlayer_lowered;
	s5 =	simm.s32 $_tile_overlayer_lowered  }
0x9b: {  	s22 =	simm.s32 $0x1BFF;
	s21 =	sshll.u32 s5, $0x1;
	s2 =	sadd.s32 s19, s18  }
0x9c: {  	s6 =	simm.s32 $0x0;
	s20 =	sshll.u32 s4, $0x1;
	s4 =	sadd.s32 s21, s2  }
0x9d: {  	[timem:s6], [sflag:s22] =	dma.local [hbm:s4], s20  }
0x9e: {  	_ =	swait.ge [sflag:s22], s20  }
0x9f: {  	s3 =	ssub.s32 $0x0, s20;
	[sflag:s22] =	ssyncset.done $0x0  }
0xa0: {  	[sflag:s22] =	ssyncadd.s32 s3;
	_ =	sdelay $0x1  }
0xa1: {  	s23 =	simm.s32 $0x1B8B  }
0xa2: {  	_ =	swait.ge [sflag:s23], $0x1  }
0xa3: {  	[sflag:s23] =	ssyncset.done $0x0  }
0xa4: {  	s25 =	simm.s32 $0x1B8E;
	s24 =	sld [smem:$0x3FFE];
	[sflag:s23] =	ssyncadd.s32 $0xFFFFFFFF  }
0xa5: {  	s26 =	simm.s32 $execute0_lowered;
	[smem:$0x3FD2] =	sst s25  }
0xa6: {  	s4 =	sshll.u32 s26, $0x1;
	_ =	strace $0x8000004F;
	[dreg:$0x1] =	wrdreg $0xFFFFFFFF  }
0xa7: {  	s28 =	simm.s32 $_size_execute0_lowered;
	s2 =	sadd.s32 s2, s4;
	[dreg:$0x0] =	wrdreg $0x0  }
0xa8: {  	s4 =	sshll.u32 s28, $0x1;
	[dreg:$0x2] =	wrdreg s2  }
0xa9: {  	[dreg:$0x3] =	wrdreg s4  }
0xaa: {  	[dreg:$0x4] =	wrdreg $0xC0  }
0xab: {  	_ =	task [dreg:s6], $0x5FFFF  }
0xac: {  	[dreg:$0x1] =	wrdreg $0xFFFFFFFF  }
0xad: {  	[dreg:$0x0] =	wrdreg $0x60  }
0xae: {  	[dreg:$0x2] =	wrdreg s24  }
0xaf: {  	[dreg:$0x3] =	wrdreg $0x7C000  }
0xb0: {  	[dreg:$0x4] =	wrdreg $0x9  }
0xb1: {  	_ =	task.clear_ibuf [dreg:s6], $0x5FFFF;
	_ =	strace $0x9000004F  }
0xb2: {  	s29 =	simm.s32 $0x9;
	_ =	strace $0x80000051  }
0xb3: {  	_ =	swait.ge [sflag:s29], $0x1  }
0xb4: {  	[sflag:s29] =	ssyncadd.s32 $0xFFFFFFFF  }
0xb5: {  	_ =	strace $0x90000051  }
0xb6: {  	_ =	sfence  }
0xb7: {  	s30 =	sld [smem:$0x0];
	_ =	sdelay $0x2  }
0xb8: {  	s31 =	sshll.u32 s1, $0xD;
	s1 =	sshrl.u32 s1, $0x2  }
0xb9: {  	s3 =	sand.u32 $0x4000, s31;
	s1 =	sadd.s32 s1, s30  }
0xba: {  	s0 =	sor.u32 s3, s0;
	s1 =	sshll.u32 s1, $0x11  }
0xbb: {  	s0 =	sor.u32 s1, s0  }
0xbc: {  	s0 =	sadd.s32 $0x8F2B, s0  }
0xbd: {  	[sflag:s0] =	ssyncadd.remote.s32 $0x1  }
0xbe: {  	_ =	sfence.sel $0xFFFF  }
0xbf: {  	[dreg:$0x0] =	wrdreg $0xFFFFFFFF;
	(pc) =	sbr.abs _section_cstart, $3  }
0xc0: {  	[dreg:$0x1] =	wrdreg $0xFFFFFFFF  }
0xc1: {  	_ =	task.clear_ibuf [dreg:s6], $0x2FFFF;
	_ =	strace $0x9FFFFFFF  }
0xc2: {  	(tm) =	ssettm $0x7FFFFFFF  }
0xc3: {  	_ =	shalt  }
tec
execute0_lowered:
.L_overlay_start_1:
0x0: {  	(tag) =	ssettag $0x1  }
0x1: {  	s5 =	rddreg [dreg:$0x0]  }
0x2: {  	s1 =	rddreg [dreg:$0x1]  }
0x3: {  	s0 =	rddreg [dreg:$0x2];
	s3 =	simm.s32 $0x0  }
0x4: {  	s2 =	srdreg.scid;
	s14 =	simm.s32 $0x2;
	s15 =	simm.s32 $0x1  }
0x5: {  	s16 =	simm.s32 $0x50;
	s17 =	simm.s32 $0x400;
	s18 =	simm.s32 $0x3  }
0x6: {  	s19 =	simm.s32 $0x80;
	s20 =	simm.s32 $0x2C00;
	s6 =	sand.u32 $0x1, s2  }
0x7: {  	s21 =	simm.s32 $0x4;
	s2 =	stileid.u32;
	s7 =	smul.u32 $0x138800, s6  }
0x8: {  	s22 =	simm.s32 $0x0;
	[smem:$0x7FF] =	sst s3;
	s8 =	smul.u32 $0x2800, s2  }
0x9: {  	s4 =	sshll.u32 s6, $0x4;
	s25 =	ssub.s32 $0x2, s6;
	s6 =	smul.u32 $0x7D000, s6  }
0xa: {  	s10 =	sadd.s32 $0x60E00, s5;
	_ =	strace $0x80000050;
	s12 =	smul.u32 $0x7D00, s2  }
0xb: {  	s28 =	smul.u32 $0xA000, s2;
	s30 =	ssub.s32 $0x8C, s2;
	s9 =	sor.u32 s2, s4  }
0xc: {  	s4 =	sadd.s32 $0x2C00, s5;
	s11 =	sshrl.u32 s25, $0x1;
	s9 =	smul.u32 $0x7D00, s9  }
0xd: {  	s7 =	sadd.s32 s8, s7;
	s8 =	ssub.s32 s25, s11;
	s29 =	sadd.s32 s12, s6  }
0xe: {  	s7 =	sshrl.u32 s7, $0x3;
	s12 =	sadd.s32 $0x200, s29;
	s8 =	smax.u32 s8, $0x1  }
0xf: {  	s13 =	sadd.s32 s7, s5;
	s26 =	sshrl.u32 s9, $0x3;
	s7 =	sshrl.u32 s30, $0x4  }
0x10: {  	s9 =	sshrl.u32 s28, $0x2;
	s31 =	sshrl.u32 s12, $0x3;
	s12 =	simm.s32 $0x100  }
0x11: {  	s5 =	sadd.s32 s10, s26;
	s9 =	sadd.s32 s9, s1;
	s10 =	sadd.s32 s31, s10  }
0x12: {  	v0 =	vimm.f32 $0.0e+00;
	s11 =	sadd.s32 $0x80200, s13;
	s13 =	simm.s32 $0x5400;
	s6 =	sadd.s32 $0x20, s5  }
.LBB2_1:
0x13: {  	[tilespmem:s3], [sflag:$0x1] =	stream.linear.gather [hbm4b:s5+s3], $0x100, $0x38;
	[tilespmem:$0x1B480] =	vst v63  }
0x14: {  	s23 =	simm.s32 $0x0;
	s24 =	simm.s32 $0x200  }
0x15: {  	[tilespmem:s12], [sflag:$0x1] =	stream.linear.gather [hbm4b:s6+s3], $0x100, $0x38;
	[tilespmem:$0x1B480] =	vst v63  }
.LBB2_2:
0x16: {  	p0 =	sne.s32 s24, $0x9E00;
	[tilespmem:s23+$0x5470] =	vst v0  }
0x17: {  	[tilespmem:s23+$0x5400] =	vst v0  }
0x18: {  	[tilespmem:s23+$0x5410] =	vst v0  }
.Ltmp0:
0x19: {  	[tilespmem:s23+$0x5420] =	vst v0;
	(pc) =	sbr.rel @p0 .LBB2_2-.Ltmp0, $4  }
0x1a: {  	[tilespmem:s23+$0x5430] =	vst v0  }
0x1b: {  	[tilespmem:s23+$0x5440] =	vst v0  }
0x1c: {  	[tilespmem:s23+$0x5450] =	vst v0  }
0x1d: {  	[tilespmem:s23+$0x5460] =	vst v0;
	s23 =	sshra.s32 s24, $0x2;
	s24 =	sadd.s32 $0x200, s24  }
0x1e: {  	[tilespmem:s23+$0x5470] =	vst v0  }
0x1f: {  	[tilespmem:s23+$0x5400] =	vst v0  }
0x20: {  	[tilespmem:s23+$0x5410] =	vst v0  }
0x21: {  	[tilespmem:s23+$0x5420] =	vst v0;
	p0 =	sne.s32 s7, $0x1  }
.Ltmp1:
0x22: {  	[tilespmem:s23+$0x5430] =	vst v0;
	(pc) =	sbr.rel @!p0 .LBB2_5-.Ltmp1, $4  }
0x23: {  	[tilespmem:s23+$0x5440] =	vst v0  }
0x24: {  	[tilespmem:s23+$0x5450] =	vst v0  }
0x25: {  	[tilespmem:s23+$0x5460] =	vst v0;
	s23 =	sadd.s32 $0xFFFFFFFF, s7;
	s24 =	smov.u32 s9  }
0x26: {  	[spmem:s9] =	stream.linear.scatter [tilespmem:s13], [sflag:$0x2], $0x2800, $0x38;
	[tilespmem:$0x1B480] =	vst v63  }
.LBB2_4:
0x27: {  	p1 =	sne.s32 s23, $0x1  }
.Ltmp2:
0x28: {  	_ = 	snop;
	(pc) =	sbr.rel @p1 .LBB2_4-.Ltmp2, $3  }
0x29: {  	_ = 	snop  }
0x2a: {  	s23 =	sadd.s32 $0xFFFFFFFF, s23;
	s24 =	sadd.s32 $0x28000, s24;
	_ =	sdelay $0x1  }
0x2b: {  	[spmem:s24] =	stream.linear.scatter [tilespmem:s13], [sflag:$0x2], $0x2800, $0x38;
	[tilespmem:$0x1B480] =	vst v63  }
.LBB2_5:
.Ltmp3:
0x2c: {  	(pc) =	sbr.rel @!p0 .LBB2_7-.Ltmp3, $3  }
0x2d: {  	_ =	sdelay $0x1  }
0x2e: {  	_ =	swait.ge [sflag:s14], $0x2800  }
0x2f: {  	s23 =	sadd.s32 $0xFFFFFFFF, s7;
	[sflag:s14] =	ssyncset.done $0x0  }
.LBB2_6:
0x30: {  	p1 =	sne.s32 s23, $0x1;
	s23 =	sadd.s32 $0xFFFFFFFF, s23;
	[sflag:s14] =	ssyncadd.s32 $0xFFFFD800  }
.Ltmp4:
0x31: {  	(pc) =	sbr.rel @p1 .LBB2_6-.Ltmp4, $3  }
0x32: {  	_ =	sdelay $0x1  }
0x33: {  	_ =	swait.ge [sflag:s14], $0x2800  }
0x34: {  	[sflag:s14] =	ssyncset.done $0x0  }
.LBB2_7:
0x35: {  	[sflag:s14] =	ssyncadd.s32 $0xFFFFD800  }
0x36: {  	[bflag:$0x0] =	sbarrier.arrive $0xFFFF  }
0x37: {  	_ =	swait.ge [sflag:s15], $0x100  }
0x38: {  	s23 =	simm.s32 $0x0;
	[sflag:s15] =	ssyncset.done $0x0  }
0x39: {  	s24 =	simm.s32 $0x800;
	s25 =	smov.u32 s10;
	[sflag:s15] =	ssyncadd.s32 $0xFFFFFF00  }
0x3a: {  	[tilespmem:s17], [sflag:$0x2] =	stream.indirect.gather [hbm4b:s4+s16], $0x80, s23, s16, $0xb8;
	[tilespmem:$0x1B480] =	vst v63  }
.LBB2_8:
0x3b: {  	s26 =	smul.u32 $0xAB, s23;
	_ =	sdelay $0x1  }
0x3c: {  	s28 =	sadd.s32 $0xAB, s26  }
0x3d: {  	s28 =	sshrl.u32 s28, $0x9  }
0x3e: {  	s28 =	sand.u32 $0x7F, s28  }
0x3f: {  	_ =	swait.ge [sflag:s15], $0x100;
	s28 =	smul.u32 $0x3, s28  }
0x40: {  	p1 =	slt.u32 s23, $0x2;
	[sflag:s15] =	ssyncset.done $0x0  }
0x41: {  	s29 =	simm.s32 @!p1 $0x3;
	s26 =	sshrl.u32 s26, $0x9;
	s28 =	ssub.s32 s23, s28  }
0x42: {  	[sflag:s15] =	ssyncadd.s32 $0xFFFFFF00;
	s26 =	sand.u32 $0x7F, s26;
	s28 =	sadd.s32 $0x1, s28  }
0x43: {  	_ =	swait.ge @!p1 [sflag:s29], $0x2800;
	s26 =	smul.u32 $0x3, s26;
	s28 =	sand.u32 $0xFF, s28  }
0x44: {  	s30 =	sadd.s32 $0xFFFFFC00, s24;
	[sflag:s29] =	ssyncset.done @!p1 $0x0;
	s28 =	smul.u32 $0xA000, s28  }
0x45: {  	s31 =	sadd.s32 $0xFFFFF800, s24;
	[sflag:s29] =	ssyncadd.s32 @!p1 $0xFFFFD800;
	s26 =	ssub.s32 s23, s26  }
0x46: {  	s29 =	sand.u32 $0xC00, s30;
	s26 =	sand.u32 $0xFF, s26;
	s28 =	sshrl.u32 s28, $0x2  }
0x47: {  	s29 =	sshrl.u32 s29, $0x2;
	s26 =	smul.u32 $0xA000, s26;
	s28 =	sor.u32 $0x400, s28  }
0x48: {  	[tilespmem:s28], [sflag:$0x2] =	stream.indirect.gather [hbm4b:s4+s16], $0x80, s29, s16, $0xb8;
	[tilespmem:$0x1B480] =	vst v63  }
0x49: {  	p1 =	seq.s32 s24, $0x1F400;
	s28 =	sand.u32 $0xC00, s31;
	_ =	swait.ge [sflag:s14], $0x2800  }
0x4a: {  	s26 =	sshrl.u32 s26, $0x2;
	s28 =	sshrl.u32 s28, $0x2;
	[sflag:s14] =	ssyncset.done $0x0  }
0x4b: {  	s26 =	sor.u32 $0x400, s26;
	s28 =	sor.u32 $0x80, s28;
	[sflag:s14] =	ssyncadd.s32 $0xFFFFD800  }
0x4c: {  	[spmem:s1] =	stream.indirect.scatter.add.f32 [tilespmem:s26], [sflag:$0x3], $0x80, s28, s16, $0xb8;
	[tilespmem:$0x1B480] =	vst v63  }
0x4d: {  	s26 =	sand.u32 @!p1 $0xC00, s24;
	s24 =	sadd.s32 @!p1 $0x400, s24  }
0x4e: {  	p2 =	sne.s32 @!p1 s24, $0x1F800  }
0x4f: {  	p2 =	por p1, !p2  }
.Ltmp5:
0x50: {  	_ = 	snop;
	(pc) =	sbr.rel @!p2 .LBB2_8-.Ltmp5, $4  }
0x51: {  	_ = 	snop  }
0x52: {  	s28 =	simm.s32 @!p1 $0x0;
	s26 =	sshrl.u32 @!p1 s26, $0x2  }
0x53: {  	[tilespmem:s26], [sflag:$0x1] =	stream.linear.gather @!p1 [hbm4b:s25+s28], $0x100, $0x38;
	[tilespmem:$0x1B480] =	vst v63  }
0x54: {  	s23 =	sadd.s32 @!p1 $0x1, s23;
	s25 =	sadd.s32 @!p1 $0x20, s25  }
0x55: {  	_ =	swait.ge [sflag:s18], $0x2800  }
0x56: {  	[sflag:s18] =	ssyncset.done $0x0  }
0x57: {  	[sflag:s18] =	ssyncadd.s32 $0xFFFFD800  }
0x58: {  	_ =	swait.ge [sflag:s18], $0x2800  }
0x59: {  	[sflag:s18] =	ssyncset.done $0x0  }
0x5a: {  	[sflag:s18] =	ssyncadd.s32 $0xFFFFD800  }
0x5b: {  	_ =	swait.ge [sflag:s14], $0x2800  }
0x5c: {  	[sflag:s14] =	ssyncset.done $0x0  }
0x5d: {  	[sflag:s14] =	ssyncadd.s32 $0xFFFFD800  }
0x5e: {  	[spmem:s1] =	stream.indirect.scatter.add.f32 [tilespmem:s20], [sflag:$0x4], $0x80, s19, s16, $0xb8;
	[tilespmem:$0x1B480] =	vst v63  }
0x5f: {  	_ =	swait.ge [sflag:s21], $0x2800  }
.Ltmp6:
0x60: {  	[sflag:s21] =	ssyncset.done $0x0;
	(pc) =	sbr.rel @!p0 .LBB2_11-.Ltmp6, $4  }
0x61: {  	s23 =	sshll.u32 s2, $0x6;
	[sflag:s21] =	ssyncadd.s32 $0xFFFFD800  }
0x62: {  	s24 =	sshrl.u32 s9, $0x3;
	s23 =	sor.u32 $0x1C02, s23;
	[bflag:$0x0] =	sbarrier.arrive $0xFFFF  }
0x63: {  	[hbm:s11], [sflag:s23] =	dma.local [spmem:s24], $0x500  }
0x64: {  	s25 =	sadd.s32 $0x28000, s9;
	s26 =	smov.u32 s11;
	s24 =	sadd.s32 $0xFFFFFFFF, s7  }
.LBB2_10:
0x65: {  	p1 =	sne.s32 s24, $0x1;
	s24 =	sadd.s32 $0xFFFFFFFF, s24  }
.Ltmp7:
0x66: {  	s28 =	sshrl.u32 s25, $0x3;
	s26 =	sadd.s32 $0x5000, s26;
	(pc) =	sbr.rel @p1 .LBB2_10-.Ltmp7, $3  }
0x67: {  	[hbm:s26], [sflag:s23] =	dma.local [spmem:s28], $0x500  }
0x68: {  	_ =	sdelay $0x1  }
0x69: {  	s25 =	sadd.s32 $0x28000, s25  }
.LBB2_11:
.Ltmp8:
0x6a: {  	(pc) =	sbr.rel @!p0 .LBB2_13-.Ltmp8, $3  }
0x6b: {  	_ =	sdelay $0x1  }
0x6c: {  	_ =	swait.ge [sflag:s14], $0x500  }
0x6d: {  	s23 =	sadd.s32 $0xFFFFFFFF, s7;
	[sflag:s14] =	ssyncset.done $0x0  }
.LBB2_12:
0x6e: {  	p0 =	sne.s32 s23, $0x1;
	s23 =	sadd.s32 $0xFFFFFFFF, s23;
	[sflag:s14] =	ssyncadd.s32 $0xFFFFFB00  }
.Ltmp9:
0x6f: {  	(pc) =	sbr.rel @p0 .LBB2_12-.Ltmp9, $3  }
0x70: {  	_ =	sdelay $0x1  }
0x71: {  	_ =	swait.ge [sflag:s14], $0x500  }
0x72: {  	[sflag:s14] =	ssyncset.done $0x0  }
.LBB2_13:
0x73: {  	s22 =	sadd.s32 $0x1, s22  }
0x74: {  	p0 =	sne.s32 s22, s8  }
.Ltmp10:
0x75: {  	_ = 	snop;
	(pc) =	sbr.rel @p0 .LBB2_1-.Ltmp10, $2  }
0x76: {  	_ =	sdelay $0x2  }
0x77: {  	[sflag:s14] =	ssyncadd.s32 $0xFFFFFB00  }
0x78: {  	_ =	sfence.sel $0x180000  }
0x79: {  	[bflag:$0x0] =	sbarrier.arrive $0xFFFF  }
0x7a: {  	p0 =	sne.s32 s2, $0x0;
	_ =	strace $0x90000050  }
0x7b: {  	s0 =	sadd.s32 @!p0 $0x100000, s0;
	[bflag:$0x2] =	sbarrier.arrive $0xFFFF  }
0x7c: {  	[sflag:s0] =	ssyncadd.tile.s32 @!p0 $0x1;
	_ =	shalt  }
.Lfunc_end2:
_tile_overlayer_lowered:
.L_overlay_start_2:
0x7d: {  	(tag) =	ssettag $0x2  }
0x7e: {  	s0 =	rddreg [dreg:$0x0];
	s2 =	stileid.u32  }
0x7f: {  	s1 =	rddreg [dreg:$0x1];
	p0 =	sne.s32 s2, $0x0  }
0x80: {  	s3 =	rddreg [dreg:$0x2];
	[bflag:$0x3] =	sbarrier.arrive $0xFFFF;
	s2 =	simm.s32 @!p0 $0x1C04  }
0x81: {  	[timem:s3], [sflag:s2] =	dma.local @!p0 [hbm:s0], s1  }
0x82: {  	s0 =	simm.s32 @!p0 $0x4  }
0x83: {  	_ =	swait.ge @!p0 [sflag:s0], s1  }
0x84: {  	s1 =	ssub.s32 @!p0 $0x0, s1;
	[sflag:s0] =	ssyncset.done @!p0 $0x0  }
0x85: {  	[sflag:s0] =	ssyncadd.s32 @!p0 s1  }
0x86: {  	[bflag:$0x3] =	sbarrier.arrive $0xFFFF  }
0x87: {  	_ =	shalt  }

</sc_bundles>
